<compile_context>
chip_gen: v7x
topology: tpu7x:2x2x1
jax: 0.10.2.dev20260603
libtpu: 0.0.44.dev20260713+nightly
codegen_flags: <defaults>
</compile_context>

<pallas_src>
import functools

import jax
import jax.numpy as jnp
from jax import lax
from jax.experimental import pallas as pl
from jax.experimental.pallas import tpu as pltpu
from jax.experimental.pallas import tpu_sc as plsc

NC, NS, LANES = 2, 16, 16
NW = NC * NS

V = 100000
D = 64
B = 4096
L = 200

C1 = 80
NCH1 = V // C1
ITER1 = (NCH1 + NW - 1) // NW

BPW = B // NW
TPW = BPW * L
LG0 = 128
LG1 = L - LG0

_MESH = plsc.VectorSubcoreMesh(
    core_axis_name="c", subcore_axis_name="s", num_cores=NC, num_subcores=NS
)
_LINEAR = pltpu.CompilerParams(use_tc_tiling_on_sc=False)


def _wid():
  return lax.axis_index("s") * NC + lax.axis_index("c")


@functools.partial(
    pl.kernel,
    out_type=jax.ShapeDtypeStruct((V, D), jnp.float32),
    mesh=_MESH,
    compiler_params=_LINEAR,
    scratch_types=[
        pltpu.VMEM((2, C1), jnp.int32),
        pltpu.VMEM((2, C1), jnp.int32),
        pltpu.VMEM((2, C1, D), jnp.float32),
        pltpu.VMEM((2, C1, D), jnp.float32),
        pltpu.VMEM((2, C1, D), jnp.float32),
        [pltpu.SemaphoreType.DMA] * 2,
        [pltpu.SemaphoreType.DMA] * 2,
    ],
)
def _build_t2(table, pmap, qmap, t2, pidx, qidx, wrows, prows, qrows, gsems,
              wsems):
  wid = _wid()

  def fetch(i, slot):
    base = i * C1
    sem = gsems[slot]
    pltpu.sync_copy(pmap.at[pl.ds(base, C1)], pidx.at[slot])
    pltpu.sync_copy(qmap.at[pl.ds(base, C1)], qidx.at[slot])
    pltpu.async_copy(table.at[pl.ds(base, C1)], wrows.at[slot], sem)
    pltpu.async_copy(table.at[pidx.at[slot]], prows.at[slot], sem)
    pltpu.async_copy(table.at[qidx.at[slot]], qrows.at[slot], sem)

  def wait_write(slot):
    pltpu.make_async_copy(wrows.at[slot], t2.at[pl.ds(0, C1)],
                          wsems[slot]).wait()

  def drain(i, slot):
    sem = gsems[slot]
    pltpu.make_async_copy(table.at[pl.ds(0, C1)], wrows.at[slot], sem).wait()
    pltpu.make_async_copy(table.at[pl.ds(0, C1)], prows.at[slot], sem).wait()
    pltpu.make_async_copy(table.at[pl.ds(0, C1)], qrows.at[slot], sem).wait()

    def row(r, carry):
      for rr in range(2):
        for j in range(D // LANES):
          s = pl.ds(j * LANES, LANES)
          wrows[slot, 2 * r + rr, s] = (
              wrows[slot, 2 * r + rr, s]
              + prows[slot, 2 * r + rr, s]
              + qrows[slot, 2 * r + rr, s]
          )
      return carry

    lax.fori_loop(0, C1 // 2, row, 0)
    pltpu.async_copy(wrows.at[slot], t2.at[pl.ds(i * C1, C1)], wsems[slot])

  fetch(wid, 0)

  def body(m, carry):
    ia = wid + (2 * m) * NW
    ib = ia + NW
    ic = ib + NW

    @pl.when(ib < NCH1)
    def _():
      @pl.when(m >= 1)
      def _():
        wait_write(1)
      fetch(ib, 1)

    @pl.when(ia < NCH1)
    def _():
      drain(ia, 0)

    @pl.when(ic < NCH1)
    def _():
      wait_write(0)
      fetch(ic, 0)

    @pl.when(ib < NCH1)
    def _():
      drain(ib, 1)

    return carry

  lax.fori_loop(0, ITER1 // 2, body, 0)
  wait_write(0)
  wait_write(1)


@functools.partial(
    pl.kernel,
    out_type=jax.ShapeDtypeStruct((B, L, D), jnp.float32),
    mesh=_MESH,
    compiler_params=_LINEAR,
    scratch_types=[
        pltpu.VMEM((TPW,), jnp.int32),
        pltpu.VMEM((4, L, D), jnp.float32),
        [pltpu.SemaphoreType.DMA] * 4,
        [pltpu.SemaphoreType.DMA] * 4,
    ],
)
def _lookup(t2, seq, out, tok, rows, gsems, wsems):
  wid = _wid()
  b0 = wid * BPW
  pltpu.sync_copy(seq.at[pl.ds(b0 * L, TPW)], tok)

  def fetch(k, slot):
    sem = gsems[slot]
    pltpu.async_copy(t2.at[tok.at[pl.ds(k * L, LG0)]],
                     rows.at[slot, pl.ds(0, LG0)], sem)
    pltpu.async_copy(t2.at[tok.at[pl.ds(k * L + LG0, LG1)]],
                     rows.at[slot, pl.ds(LG0, LG1)], sem)

  def wait_write(slot):
    pltpu.make_async_copy(rows.at[slot], out.at[b0], wsems[slot]).wait()

  def drain(k, slot):
    sem = gsems[slot]
    pltpu.make_async_copy(t2.at[pl.ds(0, LG0)],
                          rows.at[slot, pl.ds(0, LG0)], sem).wait()
    pltpu.make_async_copy(t2.at[pl.ds(0, LG1)],
                          rows.at[slot, pl.ds(LG0, LG1)], sem).wait()
    pltpu.async_copy(rows.at[slot], out.at[b0 + k], wsems[slot])

  fetch(0, 0)
  fetch(1, 1)

  def body(m, carry):
    k = 4 * m

    @pl.when(k >= 4)
    def _():
      wait_write(2)
    fetch(k + 2, 2)
    drain(k, 0)

    @pl.when(k >= 4)
    def _():
      wait_write(3)
    fetch(k + 3, 3)
    drain(k + 1, 1)

    @pl.when(k + 4 < BPW)
    def _():
      wait_write(0)
      fetch(k + 4, 0)
    drain(k + 2, 2)

    @pl.when(k + 5 < BPW)
    def _():
      wait_write(1)
      fetch(k + 5, 1)
    drain(k + 3, 3)
    return carry

  lax.fori_loop(0, BPW // 4, body, 0)
  for slot in range(4):
    wait_write(slot)


@jax.jit
def kernel(sequence, table, prefix_map, postfix_map):
  t2 = _build_t2(table, prefix_map, postfix_map)
  return _lookup(t2, sequence.reshape(-1))

# --- scband reference (transcript-rebuilt; emitter-appended) ---
"""Pipeline reference for scband-cbowsubword-88330297409633 (READ-ONLY COPY).

The authoritative reference and input builder live on the scoring server;
editing this copy changes nothing except your own understanding.
"""

import jax, jax.numpy as jnp
import numpy as np

VOCAB = 100000
DIM = 64
B = 4096
L = 200
PAD = 0


def setup_inputs(seed: int = 0) -> dict:
    key = jax.random.key(seed)
    k1, k2, k3, k4 = jax.random.split(key, 4)
    # forward arg: token id sequence (batch, seq_len)
    sequence = jax.random.randint(k1, (B, L), 0, VOCAB, dtype=jnp.int32)
    # learned embedding table; padding row zeroed (padding_idx semantics)
    table = jax.random.normal(k2, (VOCAB, DIM), dtype=jnp.float32) * 0.02
    table = table.at[PAD].set(0.0)
    # word -> prefix-subword index and word -> postfix-subword index maps
    # (array encoding of the word2subword_prefix_idx / word2subword_postfix_idx dicts)
    prefix_map = jax.random.randint(k3, (VOCAB,), 0, VOCAB, dtype=jnp.int32)
    postfix_map = jax.random.randint(k4, (VOCAB,), 0, VOCAB, dtype=jnp.int32)
    prefix_map = prefix_map.at[PAD].set(PAD)
    postfix_map = postfix_map.at[PAD].set(PAD)
    return {
        "sequence": sequence,
        "table": table,
        "prefix_map": prefix_map,
        "postfix_map": postfix_map,
    }


def reference(sequence, table, prefix_map, postfix_map):
    # sequence.clone().apply_(word2subword_prefix_idx) -> vectorized gather through the map
    x_prefix = jnp.take(prefix_map, sequence, axis=0)
    x_postfix = jnp.take(postfix_map, sequence, axis=0)
    # three embedding lookups (gathers) into the shared table
    word_embedding = jnp.take(table, sequence, axis=0)
    x_prefix_embedding = jnp.take(table, x_prefix, axis=0)
    x_postfix_embedding = jnp.take(table, x_postfix, axis=0)
    output = word_embedding + x_prefix_embedding + x_postfix_embedding
    return output

if __name__ == "__main__":
    import jax
    _d = setup_inputs()
    print(jax.jit(kernel)(*tuple(_d.values())))

</pallas_src>

<mosaic_0001>
#map = affine_map<(d0, d1) -> (0, 0)>
#map1 = affine_map<(d0, d1) -> (0)>
#map2 = affine_map<(d0, d1) -> (0, 0, 0)>
module attributes {stable_mosaic.version = 14 : i64} {
  func.func @_lookup(%arg0: i32, %arg1: i32, %arg2: memref<100000x64xf32, #tpu.memory_space<hbm>>, %arg3: memref<819200xi32, #tpu.memory_space<hbm>>, %arg4: memref<4096x200x64xf32, #tpu.memory_space<hbm>>, %arg5: memref<25600xi32, #tpu.memory_space<vmem>>, %arg6: memref<4x200x64xf32, #tpu.memory_space<vmem>>, %arg7: memref<!tpu.dma_semaphore, #tpu.memory_space<semaphore_mem>>, %arg8: memref<!tpu.dma_semaphore, #tpu.memory_space<semaphore_mem>>, %arg9: memref<!tpu.dma_semaphore, #tpu.memory_space<semaphore_mem>>, %arg10: memref<!tpu.dma_semaphore, #tpu.memory_space<semaphore_mem>>, %arg11: memref<!tpu.dma_semaphore, #tpu.memory_space<semaphore_mem>>, %arg12: memref<!tpu.dma_semaphore, #tpu.memory_space<semaphore_mem>>, %arg13: memref<!tpu.dma_semaphore, #tpu.memory_space<semaphore_mem>>, %arg14: memref<!tpu.dma_semaphore, #tpu.memory_space<semaphore_mem>>) attributes {dimension_semantics = [#tpu.dimension_semantics<core_parallel>, #tpu.dimension_semantics<subcore_parallel>], iteration_bounds = array<i64: 2, 16>, scalar_prefetch = 0 : i64, scratch_operands = 10 : i64, tpu.core_type = #tpu.core_type<sc_vector_subcore>, window_params = [{transform_indices = #map}, {transform_indices = #map1}, {transform_indices = #map2}]} {
    %mul3A = arith.constant 2 : i32
    %mul3A_0 = arith.muli %arg1, %mul3A : i32
    %add3A = arith.addi %mul3A_0, %arg0 : i32
    %mul3A_1 = arith.constant 128 : i32
    %mul3A_2 = arith.muli %add3A, %mul3A_1 : i32
    %mul3A_3 = arith.constant 200 : i32
    %mul3A_4 = arith.muli %mul3A_2, %mul3A_3 : i32
    "tpu.region"() ({
      %run_scoped3A = tpu.sem_alloc : memref<!tpu.dma_semaphore, #tpu.memory_space<semaphore_mem>>
      %dma_start3A_116 = tpu.memref_slice %arg3[%mul3A_4] : memref<819200xi32, #tpu.memory_space<hbm>> -> memref<25600xi32, #tpu.memory_space<hbm>>
      %dma_start3A_117 = tpu.memref_slice %arg3[%mul3A_4] : memref<819200xi32, #tpu.memory_space<hbm>> -> memref<25600xi32, #tpu.memory_space<hbm>>
      tpu.enqueue_dma source(%dma_start3A_117 : memref<25600xi32, #tpu.memory_space<hbm>>) target(%arg5 : memref<25600xi32, #tpu.memory_space<vmem>>) target_semaphore(%run_scoped3A : memref<!tpu.dma_semaphore, #tpu.memory_space<semaphore_mem>>)
      %dma_wait3A_118 = tpu.memref_slice %arg3[%mul3A_4] : memref<819200xi32, #tpu.memory_space<hbm>> -> memref<25600xi32, #tpu.memory_space<hbm>>
      %dma_wait3A_119 = tpu.memref_slice %arg3[%mul3A_4] : memref<819200xi32, #tpu.memory_space<hbm>> -> memref<25600xi32, #tpu.memory_space<hbm>>
      tpu.wait_dma2 semaphore(%run_scoped3A : memref<!tpu.dma_semaphore, #tpu.memory_space<semaphore_mem>>) src(%dma_wait3A_119 : memref<25600xi32, #tpu.memory_space<hbm>>) dst(%arg5 : memref<25600xi32, #tpu.memory_space<vmem>>)
      tpu.yield
    }) : () -> ()
    %dma_start3A = arith.constant 0 : i32
    %dma_start3A_5 = arith.constant 0 : i32
    %dma_start3A_6 = arith.constant 0 : i32
    %dma_start3A_7 = tpu.memref_slice %arg6[%dma_start3A, %dma_start3A_5, %dma_start3A_6] : memref<4x200x64xf32, #tpu.memory_space<vmem>> -> memref<1x128x64xf32, #tpu.memory_space<vmem>>
    %dma_start3A_8 = tpu.memref_squeeze %dma_start3A_7 : memref<1x128x64xf32, #tpu.memory_space<vmem>> -> memref<128x64xf32, #tpu.memory_space<vmem>>
    %dma_start3A_9 = arith.constant 0 : i32
    %dma_start3A_10 = tpu.memref_slice %arg5[%dma_start3A_9] : memref<25600xi32, #tpu.memory_space<vmem>> -> memref<128xi32, #tpu.memory_space<vmem>>
    %dma_start3A_11 = arith.constant 0 : i32
    %dma_start3A_12 = arith.constant 0 : i32
    %dma_start3A_13 = tpu.memref_slice %arg2[%dma_start3A_11, %dma_start3A_12] : memref<100000x64xf32, #tpu.memory_space<hbm>> -> memref<100000x64xf32, #tpu.memory_space<hbm>>
    tpu.enqueue_indirect_dma source(%dma_start3A_13 : memref<100000x64xf32, #tpu.memory_space<hbm>>) target(%dma_start3A_8 : memref<128x64xf32, #tpu.memory_space<vmem>>) offsets(%dma_start3A_10 : memref<128xi32, #tpu.memory_space<vmem>>) semaphore(%arg7 : memref<!tpu.dma_semaphore, #tpu.memory_space<semaphore_mem>>)
    %dma_start3A_14 = arith.constant 0 : i32
    %dma_start3A_15 = arith.constant 128 : i32
    %dma_start3A_16 = arith.constant 0 : i32
    %dma_start3A_17 = tpu.memref_slice %arg6[%dma_start3A_14, %dma_start3A_15, %dma_start3A_16] : memref<4x200x64xf32, #tpu.memory_space<vmem>> -> memref<1x72x64xf32, #tpu.memory_space<vmem>>
    %dma_start3A_18 = tpu.memref_squeeze %dma_start3A_17 : memref<1x72x64xf32, #tpu.memory_space<vmem>> -> memref<72x64xf32, #tpu.memory_space<vmem>>
    %dma_start3A_19 = arith.constant 128 : i32
    %dma_start3A_20 = tpu.memref_slice %arg5[%dma_start3A_19] : memref<25600xi32, #tpu.memory_space<vmem>> -> memref<72xi32, #tpu.memory_space<vmem>>
    %dma_start3A_21 = arith.constant 0 : i32
    %dma_start3A_22 = arith.constant 0 : i32
    %dma_start3A_23 = tpu.memref_slice %arg2[%dma_start3A_21, %dma_start3A_22] : memref<100000x64xf32, #tpu.memory_space<hbm>> -> memref<100000x64xf32, #tpu.memory_space<hbm>>
    tpu.enqueue_indirect_dma source(%dma_start3A_23 : memref<100000x64xf32, #tpu.memory_space<hbm>>) target(%dma_start3A_18 : memref<72x64xf32, #tpu.memory_space<vmem>>) offsets(%dma_start3A_20 : memref<72xi32, #tpu.memory_space<vmem>>) semaphore(%arg7 : memref<!tpu.dma_semaphore, #tpu.memory_space<semaphore_mem>>)
    %dma_start3A_24 = arith.constant 1 : i32
    %dma_start3A_25 = arith.constant 0 : i32
    %dma_start3A_26 = arith.constant 0 : i32
    %dma_start3A_27 = tpu.memref_slice %arg6[%dma_start3A_24, %dma_start3A_25, %dma_start3A_26] : memref<4x200x64xf32, #tpu.memory_space<vmem>> -> memref<1x128x64xf32, #tpu.memory_space<vmem>>
    %dma_start3A_28 = tpu.memref_squeeze %dma_start3A_27 : memref<1x128x64xf32, #tpu.memory_space<vmem>> -> memref<128x64xf32, #tpu.memory_space<vmem>>
    %dma_start3A_29 = arith.constant 200 : i32
    %dma_start3A_30 = tpu.memref_slice %arg5[%dma_start3A_29] : memref<25600xi32, #tpu.memory_space<vmem>> -> memref<128xi32, #tpu.memory_space<vmem>>
    %dma_start3A_31 = arith.constant 0 : i32
    %dma_start3A_32 = arith.constant 0 : i32
    %dma_start3A_33 = tpu.memref_slice %arg2[%dma_start3A_31, %dma_start3A_32] : memref<100000x64xf32, #tpu.memory_space<hbm>> -> memref<100000x64xf32, #tpu.memory_space<hbm>>
    tpu.enqueue_indirect_dma source(%dma_start3A_33 : memref<100000x64xf32, #tpu.memory_space<hbm>>) target(%dma_start3A_28 : memref<128x64xf32, #tpu.memory_space<vmem>>) offsets(%dma_start3A_30 : memref<128xi32, #tpu.memory_space<vmem>>) semaphore(%arg8 : memref<!tpu.dma_semaphore, #tpu.memory_space<semaphore_mem>>)
    %dma_start3A_34 = arith.constant 1 : i32
    %dma_start3A_35 = arith.constant 128 : i32
    %dma_start3A_36 = arith.constant 0 : i32
    %dma_start3A_37 = tpu.memref_slice %arg6[%dma_start3A_34, %dma_start3A_35, %dma_start3A_36] : memref<4x200x64xf32, #tpu.memory_space<vmem>> -> memref<1x72x64xf32, #tpu.memory_space<vmem>>
    %dma_start3A_38 = tpu.memref_squeeze %dma_start3A_37 : memref<1x72x64xf32, #tpu.memory_space<vmem>> -> memref<72x64xf32, #tpu.memory_space<vmem>>
    %dma_start3A_39 = arith.constant 328 : i32
    %dma_start3A_40 = tpu.memref_slice %arg5[%dma_start3A_39] : memref<25600xi32, #tpu.memory_space<vmem>> -> memref<72xi32, #tpu.memory_space<vmem>>
    %dma_start3A_41 = arith.constant 0 : i32
    %dma_start3A_42 = arith.constant 0 : i32
    %dma_start3A_43 = tpu.memref_slice %arg2[%dma_start3A_41, %dma_start3A_42] : memref<100000x64xf32, #tpu.memory_space<hbm>> -> memref<100000x64xf32, #tpu.memory_space<hbm>>
    tpu.enqueue_indirect_dma source(%dma_start3A_43 : memref<100000x64xf32, #tpu.memory_space<hbm>>) target(%dma_start3A_38 : memref<72x64xf32, #tpu.memory_space<vmem>>) offsets(%dma_start3A_40 : memref<72xi32, #tpu.memory_space<vmem>>) semaphore(%arg8 : memref<!tpu.dma_semaphore, #tpu.memory_space<semaphore_mem>>)
    %scan3A = arith.constant 0 : i32
    %scan3A_44 = arith.constant 0 : i32
    %scan3A_45 = arith.constant 32 : i32
    %scan3A_46 = arith.addi %scan3A_44, %scan3A_45 : i32
    %scan3A_47 = arith.constant 1 : i32
    scf.for %scan3A_116 = %scan3A_44 to %scan3A_46 step %scan3A_47  : i32 {
      %mul3A_117 = arith.constant 4 : i32
      %mul3A_118 = arith.muli %mul3A_117, %scan3A_116 : i32
      %ge3A = arith.constant 4 : i32
      %ge3A_119 = arith.cmpi sge, %mul3A_118, %ge3A : i32
      %convert_element_type3A = arith.extui %ge3A_119 : i1 to i32
      %cond3A = arith.constant 0 : i32
      %cond3A_120 = arith.cmpi ne, %convert_element_type3A, %cond3A : i32
      scf.if %cond3A_120 {
        %dma_wait3A_389 = arith.constant 2 : i32
        %dma_wait3A_390 = arith.constant 0 : i32
        %dma_wait3A_391 = arith.constant 0 : i32
        %dma_wait3A_392 = tpu.memref_slice %arg6[%dma_wait3A_389, %dma_wait3A_390, %dma_wait3A_391] : memref<4x200x64xf32, #tpu.memory_space<vmem>> -> memref<1x200x64xf32, #tpu.memory_space<vmem>>
        %dma_wait3A_393 = tpu.memref_squeeze %dma_wait3A_392 : memref<1x200x64xf32, #tpu.memory_space<vmem>> -> memref<200x64xf32, #tpu.memory_space<vmem>>
        %dma_wait3A_394 = arith.constant 0 : i32
        %dma_wait3A_395 = arith.constant 0 : i32
        %dma_wait3A_396 = tpu.memref_slice %arg4[%mul3A_2, %dma_wait3A_394, %dma_wait3A_395] : memref<4096x200x64xf32, #tpu.memory_space<hbm>> -> memref<1x200x64xf32, #tpu.memory_space<hbm>>
        %dma_wait3A_397 = tpu.memref_squeeze %dma_wait3A_396 : memref<1x200x64xf32, #tpu.memory_space<hbm>> -> memref<200x64xf32, #tpu.memory_space<hbm>>
        %dma_wait3A_398 = arith.constant 0 : i32
        %dma_wait3A_399 = arith.constant 0 : i32
        %dma_wait3A_400 = tpu.memref_slice %arg4[%mul3A_2, %dma_wait3A_398, %dma_wait3A_399] : memref<4096x200x64xf32, #tpu.memory_space<hbm>> -> memref<1x200x64xf32, #tpu.memory_space<hbm>>
        %dma_wait3A_401 = tpu.memref_squeeze %dma_wait3A_400 : memref<1x200x64xf32, #tpu.memory_space<hbm>> -> memref<200x64xf32, #tpu.memory_space<hbm>>
        %dma_wait3A_402 = arith.constant 0 : i32
        %dma_wait3A_403 = arith.constant 0 : i32
        %dma_wait3A_404 = tpu.memref_slice %arg6[%dma_wait3A_389, %dma_wait3A_402, %dma_wait3A_403] : memref<4x200x64xf32, #tpu.memory_space<vmem>> -> memref<1x200x64xf32, #tpu.memory_space<vmem>>
        %dma_wait3A_405 = tpu.memref_squeeze %dma_wait3A_404 : memref<1x200x64xf32, #tpu.memory_space<vmem>> -> memref<200x64xf32, #tpu.memory_space<vmem>>
        tpu.wait_dma2 semaphore(%arg13 : memref<!tpu.dma_semaphore, #tpu.memory_space<semaphore_mem>>) src(%dma_wait3A_405 : memref<200x64xf32, #tpu.memory_space<vmem>>) dst(%dma_wait3A_401 : memref<200x64xf32, #tpu.memory_space<hbm>>)
      } else {
      }
      %add3A_121 = arith.constant 2 : i32
      %add3A_122 = arith.addi %mul3A_118, %add3A_121 : i32
      %mul3A_123 = arith.constant 200 : i32
      %mul3A_124 = arith.muli %add3A_122, %mul3A_123 : i32
      %dma_start3A_125 = arith.constant 2 : i32
      %dma_start3A_126 = arith.constant 0 : i32
      %dma_start3A_127 = arith.constant 0 : i32
      %dma_start3A_128 = tpu.memref_slice %arg6[%dma_start3A_125, %dma_start3A_126, %dma_start3A_127] : memref<4x200x64xf32, #tpu.memory_space<vmem>> -> memref<1x128x64xf32, #tpu.memory_space<vmem>>
      %dma_start3A_129 = tpu.memref_squeeze %dma_start3A_128 : memref<1x128x64xf32, #tpu.memory_space<vmem>> -> memref<128x64xf32, #tpu.memory_space<vmem>>
      %dma_start3A_130 = tpu.memref_slice %arg5[%mul3A_124] : memref<25600xi32, #tpu.memory_space<vmem>> -> memref<128xi32, #tpu.memory_space<vmem>>
      %dma_start3A_131 = arith.constant 0 : i32
      %dma_start3A_132 = arith.constant 0 : i32
      %dma_start3A_133 = tpu.memref_slice %arg2[%dma_start3A_131, %dma_start3A_132] : memref<100000x64xf32, #tpu.memory_space<hbm>> -> memref<100000x64xf32, #tpu.memory_space<hbm>>
      tpu.enqueue_indirect_dma source(%dma_start3A_133 : memref<100000x64xf32, #tpu.memory_space<hbm>>) target(%dma_start3A_129 : memref<128x64xf32, #tpu.memory_space<vmem>>) offsets(%dma_start3A_130 : memref<128xi32, #tpu.memory_space<vmem>>) semaphore(%arg9 : memref<!tpu.dma_semaphore, #tpu.memory_space<semaphore_mem>>)
      %mul3A_134 = arith.constant 200 : i32
      %mul3A_135 = arith.muli %add3A_122, %mul3A_134 : i32
      %add3A_136 = arith.constant 128 : i32
      %add3A_137 = arith.addi %mul3A_135, %add3A_136 : i32
      %dma_start3A_138 = arith.constant 2 : i32
      %dma_start3A_139 = arith.constant 128 : i32
      %dma_start3A_140 = arith.constant 0 : i32
      %dma_start3A_141 = tpu.memref_slice %arg6[%dma_start3A_138, %dma_start3A_139, %dma_start3A_140] : memref<4x200x64xf32, #tpu.memory_space<vmem>> -> memref<1x72x64xf32, #tpu.memory_space<vmem>>
      %dma_start3A_142 = tpu.memref_squeeze %dma_start3A_141 : memref<1x72x64xf32, #tpu.memory_space<vmem>> -> memref<72x64xf32, #tpu.memory_space<vmem>>
      %dma_start3A_143 = tpu.memref_slice %arg5[%add3A_137] : memref<25600xi32, #tpu.memory_space<vmem>> -> memref<72xi32, #tpu.memory_space<vmem>>
      %dma_start3A_144 = arith.constant 0 : i32
      %dma_start3A_145 = arith.constant 0 : i32
      %dma_start3A_146 = tpu.memref_slice %arg2[%dma_start3A_144, %dma_start3A_145] : memref<100000x64xf32, #tpu.memory_space<hbm>> -> memref<100000x64xf32, #tpu.memory_space<hbm>>
      tpu.enqueue_indirect_dma source(%dma_start3A_146 : memref<100000x64xf32, #tpu.memory_space<hbm>>) target(%dma_start3A_142 : memref<72x64xf32, #tpu.memory_space<vmem>>) offsets(%dma_start3A_143 : memref<72xi32, #tpu.memory_space<vmem>>) semaphore(%arg9 : memref<!tpu.dma_semaphore, #tpu.memory_space<semaphore_mem>>)
      %dma_wait3A_147 = arith.constant 0 : i32
      %dma_wait3A_148 = arith.constant 0 : i32
      %dma_wait3A_149 = arith.constant 0 : i32
      %dma_wait3A_150 = tpu.memref_slice %arg6[%dma_wait3A_147, %dma_wait3A_148, %dma_wait3A_149] : memref<4x200x64xf32, #tpu.memory_space<vmem>> -> memref<1x128x64xf32, #tpu.memory_space<vmem>>
      %dma_wait3A_151 = tpu.memref_squeeze %dma_wait3A_150 : memref<1x128x64xf32, #tpu.memory_space<vmem>> -> memref<128x64xf32, #tpu.memory_space<vmem>>
      %dma_wait3A_152 = arith.constant 0 : i32
      %dma_wait3A_153 = arith.constant 0 : i32
      %dma_wait3A_154 = tpu.memref_slice %arg2[%dma_wait3A_152, %dma_wait3A_153] : memref<100000x64xf32, #tpu.memory_space<hbm>> -> memref<128x64xf32, #tpu.memory_space<hbm>>
      %dma_wait3A_155 = arith.constant 0 : i32
      %dma_wait3A_156 = arith.constant 0 : i32
      %dma_wait3A_157 = tpu.memref_slice %arg6[%dma_wait3A_147, %dma_wait3A_155, %dma_wait3A_156] : memref<4x200x64xf32, #tpu.memory_space<vmem>> -> memref<1x128x64xf32, #tpu.memory_space<vmem>>
      %dma_wait3A_158 = tpu.memref_squeeze %dma_wait3A_157 : memref<1x128x64xf32, #tpu.memory_space<vmem>> -> memref<128x64xf32, #tpu.memory_space<vmem>>
      %dma_wait3A_159 = arith.constant 0 : i32
      %dma_wait3A_160 = arith.constant 0 : i32
      %dma_wait3A_161 = tpu.memref_slice %arg2[%dma_wait3A_159, %dma_wait3A_160] : memref<100000x64xf32, #tpu.memory_space<hbm>> -> memref<128x64xf32, #tpu.memory_space<hbm>>
      tpu.wait_dma2 semaphore(%arg7 : memref<!tpu.dma_semaphore, #tpu.memory_space<semaphore_mem>>) src(%dma_wait3A_161 : memref<128x64xf32, #tpu.memory_space<hbm>>) dst(%dma_wait3A_158 : memref<128x64xf32, #tpu.memory_space<vmem>>)
      %dma_wait3A_162 = arith.constant 0 : i32
      %dma_wait3A_163 = arith.constant 128 : i32
      %dma_wait3A_164 = arith.constant 0 : i32
      %dma_wait3A_165 = tpu.memref_slice %arg6[%dma_wait3A_162, %dma_wait3A_163, %dma_wait3A_164] : memref<4x200x64xf32, #tpu.memory_space<vmem>> -> memref<1x72x64xf32, #tpu.memory_space<vmem>>
      %dma_wait3A_166 = tpu.memref_squeeze %dma_wait3A_165 : memref<1x72x64xf32, #tpu.memory_space<vmem>> -> memref<72x64xf32, #tpu.memory_space<vmem>>
      %dma_wait3A_167 = arith.constant 0 : i32
      %dma_wait3A_168 = arith.constant 0 : i32
      %dma_wait3A_169 = tpu.memref_slice %arg2[%dma_wait3A_167, %dma_wait3A_168] : memref<100000x64xf32, #tpu.memory_space<hbm>> -> memref<72x64xf32, #tpu.memory_space<hbm>>
      %dma_wait3A_170 = arith.constant 128 : i32
      %dma_wait3A_171 = arith.constant 0 : i32
      %dma_wait3A_172 = tpu.memref_slice %arg6[%dma_wait3A_162, %dma_wait3A_170, %dma_wait3A_171] : memref<4x200x64xf32, #tpu.memory_space<vmem>> -> memref<1x72x64xf32, #tpu.memory_space<vmem>>
      %dma_wait3A_173 = tpu.memref_squeeze %dma_wait3A_172 : memref<1x72x64xf32, #tpu.memory_space<vmem>> -> memref<72x64xf32, #tpu.memory_space<vmem>>
      %dma_wait3A_174 = arith.constant 0 : i32
      %dma_wait3A_175 = arith.constant 0 : i32
      %dma_wait3A_176 = tpu.memref_slice %arg2[%dma_wait3A_174, %dma_wait3A_175] : memref<100000x64xf32, #tpu.memory_space<hbm>> -> memref<72x64xf32, #tpu.memory_space<hbm>>
      tpu.wait_dma2 semaphore(%arg7 : memref<!tpu.dma_semaphore, #tpu.memory_space<semaphore_mem>>) src(%dma_wait3A_176 : memref<72x64xf32, #tpu.memory_space<hbm>>) dst(%dma_wait3A_173 : memref<72x64xf32, #tpu.memory_space<vmem>>)
      %add3A_177 = arith.addi %mul3A_2, %mul3A_118 : i32
      %dma_start3A_178 = arith.constant 0 : i32
      %dma_start3A_179 = arith.constant 0 : i32
      %dma_start3A_180 = arith.constant 0 : i32
      %dma_start3A_181 = tpu.memref_slice %arg6[%dma_start3A_178, %dma_start3A_179, %dma_start3A_180] : memref<4x200x64xf32, #tpu.memory_space<vmem>> -> memref<1x200x64xf32, #tpu.memory_space<vmem>>
      %dma_start3A_182 = tpu.memref_squeeze %dma_start3A_181 : memref<1x200x64xf32, #tpu.memory_space<vmem>> -> memref<200x64xf32, #tpu.memory_space<vmem>>
      %dma_start3A_183 = arith.constant 0 : i32
      %dma_start3A_184 = arith.constant 0 : i32
      %dma_start3A_185 = tpu.memref_slice %arg4[%add3A_177, %dma_start3A_183, %dma_start3A_184] : memref<4096x200x64xf32, #tpu.memory_space<hbm>> -> memref<1x200x64xf32, #tpu.memory_space<hbm>>
      %dma_start3A_186 = tpu.memref_squeeze %dma_start3A_185 : memref<1x200x64xf32, #tpu.memory_space<hbm>> -> memref<200x64xf32, #tpu.memory_space<hbm>>
      %dma_start3A_187 = arith.constant 0 : i32
      %dma_start3A_188 = arith.constant 0 : i32
      %dma_start3A_189 = tpu.memref_slice %arg4[%add3A_177, %dma_start3A_187, %dma_start3A_188] : memref<4096x200x64xf32, #tpu.memory_space<hbm>> -> memref<1x200x64xf32, #tpu.memory_space<hbm>>
      %dma_start3A_190 = tpu.memref_squeeze %dma_start3A_189 : memref<1x200x64xf32, #tpu.memory_space<hbm>> -> memref<200x64xf32, #tpu.memory_space<hbm>>
      %dma_start3A_191 = arith.constant 0 : i32
      %dma_start3A_192 = arith.constant 0 : i32
      %dma_start3A_193 = tpu.memref_slice %arg6[%dma_start3A_178, %dma_start3A_191, %dma_start3A_192] : memref<4x200x64xf32, #tpu.memory_space<vmem>> -> memref<1x200x64xf32, #tpu.memory_space<vmem>>
      %dma_start3A_194 = tpu.memref_squeeze %dma_start3A_193 : memref<1x200x64xf32, #tpu.memory_space<vmem>> -> memref<200x64xf32, #tpu.memory_space<vmem>>
      tpu.enqueue_dma source(%dma_start3A_194 : memref<200x64xf32, #tpu.memory_space<vmem>>) target(%dma_start3A_190 : memref<200x64xf32, #tpu.memory_space<hbm>>) target_semaphore(%arg11 : memref<!tpu.dma_semaphore, #tpu.memory_space<semaphore_mem>>)
      %ge3A_195 = arith.constant 4 : i32
      %ge3A_196 = arith.cmpi sge, %mul3A_118, %ge3A_195 : i32
      %convert_element_type3A_197 = arith.extui %ge3A_196 : i1 to i32
      %cond3A_198 = arith.constant 0 : i32
      %cond3A_199 = arith.cmpi ne, %convert_element_type3A_197, %cond3A_198 : i32
      scf.if %cond3A_199 {
        %dma_wait3A_389 = arith.constant 3 : i32
        %dma_wait3A_390 = arith.constant 0 : i32
        %dma_wait3A_391 = arith.constant 0 : i32
        %dma_wait3A_392 = tpu.memref_slice %arg6[%dma_wait3A_389, %dma_wait3A_390, %dma_wait3A_391] : memref<4x200x64xf32, #tpu.memory_space<vmem>> -> memref<1x200x64xf32, #tpu.memory_space<vmem>>
        %dma_wait3A_393 = tpu.memref_squeeze %dma_wait3A_392 : memref<1x200x64xf32, #tpu.memory_space<vmem>> -> memref<200x64xf32, #tpu.memory_space<vmem>>
        %dma_wait3A_394 = arith.constant 0 : i32
        %dma_wait3A_395 = arith.constant 0 : i32
        %dma_wait3A_396 = tpu.memref_slice %arg4[%mul3A_2, %dma_wait3A_394, %dma_wait3A_395] : memref<4096x200x64xf32, #tpu.memory_space<hbm>> -> memref<1x200x64xf32, #tpu.memory_space<hbm>>
        %dma_wait3A_397 = tpu.memref_squeeze %dma_wait3A_396 : memref<1x200x64xf32, #tpu.memory_space<hbm>> -> memref<200x64xf32, #tpu.memory_space<hbm>>
        %dma_wait3A_398 = arith.constant 0 : i32
        %dma_wait3A_399 = arith.constant 0 : i32
        %dma_wait3A_400 = tpu.memref_slice %arg4[%mul3A_2, %dma_wait3A_398, %dma_wait3A_399] : memref<4096x200x64xf32, #tpu.memory_space<hbm>> -> memref<1x200x64xf32, #tpu.memory_space<hbm>>
        %dma_wait3A_401 = tpu.memref_squeeze %dma_wait3A_400 : memref<1x200x64xf32, #tpu.memory_space<hbm>> -> memref<200x64xf32, #tpu.memory_space<hbm>>
        %dma_wait3A_402 = arith.constant 0 : i32
        %dma_wait3A_403 = arith.constant 0 : i32
        %dma_wait3A_404 = tpu.memref_slice %arg6[%dma_wait3A_389, %dma_wait3A_402, %dma_wait3A_403] : memref<4x200x64xf32, #tpu.memory_space<vmem>> -> memref<1x200x64xf32, #tpu.memory_space<vmem>>
        %dma_wait3A_405 = tpu.memref_squeeze %dma_wait3A_404 : memref<1x200x64xf32, #tpu.memory_space<vmem>> -> memref<200x64xf32, #tpu.memory_space<vmem>>
        tpu.wait_dma2 semaphore(%arg14 : memref<!tpu.dma_semaphore, #tpu.memory_space<semaphore_mem>>) src(%dma_wait3A_405 : memref<200x64xf32, #tpu.memory_space<vmem>>) dst(%dma_wait3A_401 : memref<200x64xf32, #tpu.memory_space<hbm>>)
      } else {
      }
      %add3A_200 = arith.constant 3 : i32
      %add3A_201 = arith.addi %mul3A_118, %add3A_200 : i32
      %mul3A_202 = arith.constant 200 : i32
      %mul3A_203 = arith.muli %add3A_201, %mul3A_202 : i32
      %dma_start3A_204 = arith.constant 3 : i32
      %dma_start3A_205 = arith.constant 0 : i32
      %dma_start3A_206 = arith.constant 0 : i32
      %dma_start3A_207 = tpu.memref_slice %arg6[%dma_start3A_204, %dma_start3A_205, %dma_start3A_206] : memref<4x200x64xf32, #tpu.memory_space<vmem>> -> memref<1x128x64xf32, #tpu.memory_space<vmem>>
      %dma_start3A_208 = tpu.memref_squeeze %dma_start3A_207 : memref<1x128x64xf32, #tpu.memory_space<vmem>> -> memref<128x64xf32, #tpu.memory_space<vmem>>
      %dma_start3A_209 = tpu.memref_slice %arg5[%mul3A_203] : memref<25600xi32, #tpu.memory_space<vmem>> -> memref<128xi32, #tpu.memory_space<vmem>>
      %dma_start3A_210 = arith.constant 0 : i32
      %dma_start3A_211 = arith.constant 0 : i32
      %dma_start3A_212 = tpu.memref_slice %arg2[%dma_start3A_210, %dma_start3A_211] : memref<100000x64xf32, #tpu.memory_space<hbm>> -> memref<100000x64xf32, #tpu.memory_space<hbm>>
      tpu.enqueue_indirect_dma source(%dma_start3A_212 : memref<100000x64xf32, #tpu.memory_space<hbm>>) target(%dma_start3A_208 : memref<128x64xf32, #tpu.memory_space<vmem>>) offsets(%dma_start3A_209 : memref<128xi32, #tpu.memory_space<vmem>>) semaphore(%arg10 : memref<!tpu.dma_semaphore, #tpu.memory_space<semaphore_mem>>)
      %mul3A_213 = arith.constant 200 : i32
      %mul3A_214 = arith.muli %add3A_201, %mul3A_213 : i32
      %add3A_215 = arith.constant 128 : i32
      %add3A_216 = arith.addi %mul3A_214, %add3A_215 : i32
      %dma_start3A_217 = arith.constant 3 : i32
      %dma_start3A_218 = arith.constant 128 : i32
      %dma_start3A_219 = arith.constant 0 : i32
      %dma_start3A_220 = tpu.memref_slice %arg6[%dma_start3A_217, %dma_start3A_218, %dma_start3A_219] : memref<4x200x64xf32, #tpu.memory_space<vmem>> -> memref<1x72x64xf32, #tpu.memory_space<vmem>>
      %dma_start3A_221 = tpu.memref_squeeze %dma_start3A_220 : memref<1x72x64xf32, #tpu.memory_space<vmem>> -> memref<72x64xf32, #tpu.memory_space<vmem>>
      %dma_start3A_222 = tpu.memref_slice %arg5[%add3A_216] : memref<25600xi32, #tpu.memory_space<vmem>> -> memref<72xi32, #tpu.memory_space<vmem>>
      %dma_start3A_223 = arith.constant 0 : i32
      %dma_start3A_224 = arith.constant 0 : i32
      %dma_start3A_225 = tpu.memref_slice %arg2[%dma_start3A_223, %dma_start3A_224] : memref<100000x64xf32, #tpu.memory_space<hbm>> -> memref<100000x64xf32, #tpu.memory_space<hbm>>
      tpu.enqueue_indirect_dma source(%dma_start3A_225 : memref<100000x64xf32, #tpu.memory_space<hbm>>) target(%dma_start3A_221 : memref<72x64xf32, #tpu.memory_space<vmem>>) offsets(%dma_start3A_222 : memref<72xi32, #tpu.memory_space<vmem>>) semaphore(%arg10 : memref<!tpu.dma_semaphore, #tpu.memory_space<semaphore_mem>>)
      %add3A_226 = arith.constant 1 : i32
      %add3A_227 = arith.addi %mul3A_118, %add3A_226 : i32
      %dma_wait3A_228 = arith.constant 1 : i32
      %dma_wait3A_229 = arith.constant 0 : i32
      %dma_wait3A_230 = arith.constant 0 : i32
      %dma_wait3A_231 = tpu.memref_slice %arg6[%dma_wait3A_228, %dma_wait3A_229, %dma_wait3A_230] : memref<4x200x64xf32, #tpu.memory_space<vmem>> -> memref<1x128x64xf32, #tpu.memory_space<vmem>>
      %dma_wait3A_232 = tpu.memref_squeeze %dma_wait3A_231 : memref<1x128x64xf32, #tpu.memory_space<vmem>> -> memref<128x64xf32, #tpu.memory_space<vmem>>
      %dma_wait3A_233 = arith.constant 0 : i32
      %dma_wait3A_234 = arith.constant 0 : i32
      %dma_wait3A_235 = tpu.memref_slice %arg2[%dma_wait3A_233, %dma_wait3A_234] : memref<100000x64xf32, #tpu.memory_space<hbm>> -> memref<128x64xf32, #tpu.memory_space<hbm>>
      %dma_wait3A_236 = arith.constant 0 : i32
      %dma_wait3A_237 = arith.constant 0 : i32
      %dma_wait3A_238 = tpu.memref_slice %arg6[%dma_wait3A_228, %dma_wait3A_236, %dma_wait3A_237] : memref<4x200x64xf32, #tpu.memory_space<vmem>> -> memref<1x128x64xf32, #tpu.memory_space<vmem>>
      %dma_wait3A_239 = tpu.memref_squeeze %dma_wait3A_238 : memref<1x128x64xf32, #tpu.memory_space<vmem>> -> memref<128x64xf32, #tpu.memory_space<vmem>>
      %dma_wait3A_240 = arith.constant 0 : i32
      %dma_wait3A_241 = arith.constant 0 : i32
      %dma_wait3A_242 = tpu.memref_slice %arg2[%dma_wait3A_240, %dma_wait3A_241] : memref<100000x64xf32, #tpu.memory_space<hbm>> -> memref<128x64xf32, #tpu.memory_space<hbm>>
      tpu.wait_dma2 semaphore(%arg8 : memref<!tpu.dma_semaphore, #tpu.memory_space<semaphore_mem>>) src(%dma_wait3A_242 : memref<128x64xf32, #tpu.memory_space<hbm>>) dst(%dma_wait3A_239 : memref<128x64xf32, #tpu.memory_space<vmem>>)
      %dma_wait3A_243 = arith.constant 1 : i32
      %dma_wait3A_244 = arith.constant 128 : i32
      %dma_wait3A_245 = arith.constant 0 : i32
      %dma_wait3A_246 = tpu.memref_slice %arg6[%dma_wait3A_243, %dma_wait3A_244, %dma_wait3A_245] : memref<4x200x64xf32, #tpu.memory_space<vmem>> -> memref<1x72x64xf32, #tpu.memory_space<vmem>>
      %dma_wait3A_247 = tpu.memref_squeeze %dma_wait3A_246 : memref<1x72x64xf32, #tpu.memory_space<vmem>> -> memref<72x64xf32, #tpu.memory_space<vmem>>
      %dma_wait3A_248 = arith.constant 0 : i32
      %dma_wait3A_249 = arith.constant 0 : i32
      %dma_wait3A_250 = tpu.memref_slice %arg2[%dma_wait3A_248, %dma_wait3A_249] : memref<100000x64xf32, #tpu.memory_space<hbm>> -> memref<72x64xf32, #tpu.memory_space<hbm>>
      %dma_wait3A_251 = arith.constant 128 : i32
      %dma_wait3A_252 = arith.constant 0 : i32
      %dma_wait3A_253 = tpu.memref_slice %arg6[%dma_wait3A_243, %dma_wait3A_251, %dma_wait3A_252] : memref<4x200x64xf32, #tpu.memory_space<vmem>> -> memref<1x72x64xf32, #tpu.memory_space<vmem>>
      %dma_wait3A_254 = tpu.memref_squeeze %dma_wait3A_253 : memref<1x72x64xf32, #tpu.memory_space<vmem>> -> memref<72x64xf32, #tpu.memory_space<vmem>>
      %dma_wait3A_255 = arith.constant 0 : i32
      %dma_wait3A_256 = arith.constant 0 : i32
      %dma_wait3A_257 = tpu.memref_slice %arg2[%dma_wait3A_255, %dma_wait3A_256] : memref<100000x64xf32, #tpu.memory_space<hbm>> -> memref<72x64xf32, #tpu.memory_space<hbm>>
      tpu.wait_dma2 semaphore(%arg8 : memref<!tpu.dma_semaphore, #tpu.memory_space<semaphore_mem>>) src(%dma_wait3A_257 : memref<72x64xf32, #tpu.memory_space<hbm>>) dst(%dma_wait3A_254 : memref<72x64xf32, #tpu.memory_space<vmem>>)
      %add3A_258 = arith.addi %mul3A_2, %add3A_227 : i32
      %dma_start3A_259 = arith.constant 1 : i32
      %dma_start3A_260 = arith.constant 0 : i32
      %dma_start3A_261 = arith.constant 0 : i32
      %dma_start3A_262 = tpu.memref_slice %arg6[%dma_start3A_259, %dma_start3A_260, %dma_start3A_261] : memref<4x200x64xf32, #tpu.memory_space<vmem>> -> memref<1x200x64xf32, #tpu.memory_space<vmem>>
      %dma_start3A_263 = tpu.memref_squeeze %dma_start3A_262 : memref<1x200x64xf32, #tpu.memory_space<vmem>> -> memref<200x64xf32, #tpu.memory_space<vmem>>
      %dma_start3A_264 = arith.constant 0 : i32
      %dma_start3A_265 = arith.constant 0 : i32
      %dma_start3A_266 = tpu.memref_slice %arg4[%add3A_258, %dma_start3A_264, %dma_start3A_265] : memref<4096x200x64xf32, #tpu.memory_space<hbm>> -> memref<1x200x64xf32, #tpu.memory_space<hbm>>
      %dma_start3A_267 = tpu.memref_squeeze %dma_start3A_266 : memref<1x200x64xf32, #tpu.memory_space<hbm>> -> memref<200x64xf32, #tpu.memory_space<hbm>>
      %dma_start3A_268 = arith.constant 0 : i32
      %dma_start3A_269 = arith.constant 0 : i32
      %dma_start3A_270 = tpu.memref_slice %arg4[%add3A_258, %dma_start3A_268, %dma_start3A_269] : memref<4096x200x64xf32, #tpu.memory_space<hbm>> -> memref<1x200x64xf32, #tpu.memory_space<hbm>>
      %dma_start3A_271 = tpu.memref_squeeze %dma_start3A_270 : memref<1x200x64xf32, #tpu.memory_space<hbm>> -> memref<200x64xf32, #tpu.memory_space<hbm>>
      %dma_start3A_272 = arith.constant 0 : i32
      %dma_start3A_273 = arith.constant 0 : i32
      %dma_start3A_274 = tpu.memref_slice %arg6[%dma_start3A_259, %dma_start3A_272, %dma_start3A_273] : memref<4x200x64xf32, #tpu.memory_space<vmem>> -> memref<1x200x64xf32, #tpu.memory_space<vmem>>
      %dma_start3A_275 = tpu.memref_squeeze %dma_start3A_274 : memref<1x200x64xf32, #tpu.memory_space<vmem>> -> memref<200x64xf32, #tpu.memory_space<vmem>>
      tpu.enqueue_dma source(%dma_start3A_275 : memref<200x64xf32, #tpu.memory_space<vmem>>) target(%dma_start3A_271 : memref<200x64xf32, #tpu.memory_space<hbm>>) target_semaphore(%arg12 : memref<!tpu.dma_semaphore, #tpu.memory_space<semaphore_mem>>)
      %add3A_276 = arith.constant 4 : i32
      %add3A_277 = arith.addi %mul3A_118, %add3A_276 : i32
      %lt3A = arith.constant 128 : i32
      %lt3A_278 = arith.cmpi slt, %add3A_277, %lt3A : i32
      %convert_element_type3A_279 = arith.extui %lt3A_278 : i1 to i32
      %cond3A_280 = arith.constant 0 : i32
      %cond3A_281 = arith.cmpi ne, %convert_element_type3A_279, %cond3A_280 : i32
      scf.if %cond3A_281 {
        %dma_wait3A_389 = arith.constant 0 : i32
        %dma_wait3A_390 = arith.constant 0 : i32
        %dma_wait3A_391 = arith.constant 0 : i32
        %dma_wait3A_392 = tpu.memref_slice %arg6[%dma_wait3A_389, %dma_wait3A_390, %dma_wait3A_391] : memref<4x200x64xf32, #tpu.memory_space<vmem>> -> memref<1x200x64xf32, #tpu.memory_space<vmem>>
        %dma_wait3A_393 = tpu.memref_squeeze %dma_wait3A_392 : memref<1x200x64xf32, #tpu.memory_space<vmem>> -> memref<200x64xf32, #tpu.memory_space<vmem>>
        %dma_wait3A_394 = arith.constant 0 : i32
        %dma_wait3A_395 = arith.constant 0 : i32
        %dma_wait3A_396 = tpu.memref_slice %arg4[%mul3A_2, %dma_wait3A_394, %dma_wait3A_395] : memref<4096x200x64xf32, #tpu.memory_space<hbm>> -> memref<1x200x64xf32, #tpu.memory_space<hbm>>
        %dma_wait3A_397 = tpu.memref_squeeze %dma_wait3A_396 : memref<1x200x64xf32, #tpu.memory_space<hbm>> -> memref<200x64xf32, #tpu.memory_space<hbm>>
        %dma_wait3A_398 = arith.constant 0 : i32
        %dma_wait3A_399 = arith.constant 0 : i32
        %dma_wait3A_400 = tpu.memref_slice %arg4[%mul3A_2, %dma_wait3A_398, %dma_wait3A_399] : memref<4096x200x64xf32, #tpu.memory_space<hbm>> -> memref<1x200x64xf32, #tpu.memory_space<hbm>>
        %dma_wait3A_401 = tpu.memref_squeeze %dma_wait3A_400 : memref<1x200x64xf32, #tpu.memory_space<hbm>> -> memref<200x64xf32, #tpu.memory_space<hbm>>
        %dma_wait3A_402 = arith.constant 0 : i32
        %dma_wait3A_403 = arith.constant 0 : i32
        %dma_wait3A_404 = tpu.memref_slice %arg6[%dma_wait3A_389, %dma_wait3A_402, %dma_wait3A_403] : memref<4x200x64xf32, #tpu.memory_space<vmem>> -> memref<1x200x64xf32, #tpu.memory_space<vmem>>
        %dma_wait3A_405 = tpu.memref_squeeze %dma_wait3A_404 : memref<1x200x64xf32, #tpu.memory_space<vmem>> -> memref<200x64xf32, #tpu.memory_space<vmem>>
        tpu.wait_dma2 semaphore(%arg11 : memref<!tpu.dma_semaphore, #tpu.memory_space<semaphore_mem>>) src(%dma_wait3A_405 : memref<200x64xf32, #tpu.memory_space<vmem>>) dst(%dma_wait3A_401 : memref<200x64xf32, #tpu.memory_space<hbm>>)
        %add3A_406 = arith.constant 4 : i32
        %add3A_407 = arith.addi %mul3A_118, %add3A_406 : i32
        %mul3A_408 = arith.constant 200 : i32
        %mul3A_409 = arith.muli %add3A_407, %mul3A_408 : i32
        %dma_start3A_410 = arith.constant 0 : i32
        %dma_start3A_411 = arith.constant 0 : i32
        %dma_start3A_412 = arith.constant 0 : i32
        %dma_start3A_413 = tpu.memref_slice %arg6[%dma_start3A_410, %dma_start3A_411, %dma_start3A_412] : memref<4x200x64xf32, #tpu.memory_space<vmem>> -> memref<1x128x64xf32, #tpu.memory_space<vmem>>
        %dma_start3A_414 = tpu.memref_squeeze %dma_start3A_413 : memref<1x128x64xf32, #tpu.memory_space<vmem>> -> memref<128x64xf32, #tpu.memory_space<vmem>>
        %dma_start3A_415 = tpu.memref_slice %arg5[%mul3A_409] : memref<25600xi32, #tpu.memory_space<vmem>> -> memref<128xi32, #tpu.memory_space<vmem>>
        %dma_start3A_416 = arith.constant 0 : i32
        %dma_start3A_417 = arith.constant 0 : i32
        %dma_start3A_418 = tpu.memref_slice %arg2[%dma_start3A_416, %dma_start3A_417] : memref<100000x64xf32, #tpu.memory_space<hbm>> -> memref<100000x64xf32, #tpu.memory_space<hbm>>
        tpu.enqueue_indirect_dma source(%dma_start3A_418 : memref<100000x64xf32, #tpu.memory_space<hbm>>) target(%dma_start3A_414 : memref<128x64xf32, #tpu.memory_space<vmem>>) offsets(%dma_start3A_415 : memref<128xi32, #tpu.memory_space<vmem>>) semaphore(%arg7 : memref<!tpu.dma_semaphore, #tpu.memory_space<semaphore_mem>>)
        %mul3A_419 = arith.constant 200 : i32
        %mul3A_420 = arith.muli %add3A_407, %mul3A_419 : i32
        %add3A_421 = arith.constant 128 : i32
        %add3A_422 = arith.addi %mul3A_420, %add3A_421 : i32
        %dma_start3A_423 = arith.constant 0 : i32
        %dma_start3A_424 = arith.constant 128 : i32
        %dma_start3A_425 = arith.constant 0 : i32
        %dma_start3A_426 = tpu.memref_slice %arg6[%dma_start3A_423, %dma_start3A_424, %dma_start3A_425] : memref<4x200x64xf32, #tpu.memory_space<vmem>> -> memref<1x72x64xf32, #tpu.memory_space<vmem>>
        %dma_start3A_427 = tpu.memref_squeeze %dma_start3A_426 : memref<1x72x64xf32, #tpu.memory_space<vmem>> -> memref<72x64xf32, #tpu.memory_space<vmem>>
        %dma_start3A_428 = tpu.memref_slice %arg5[%add3A_422] : memref<25600xi32, #tpu.memory_space<vmem>> -> memref<72xi32, #tpu.memory_space<vmem>>
        %dma_start3A_429 = arith.constant 0 : i32
        %dma_start3A_430 = arith.constant 0 : i32
        %dma_start3A_431 = tpu.memref_slice %arg2[%dma_start3A_429, %dma_start3A_430] : memref<100000x64xf32, #tpu.memory_space<hbm>> -> memref<100000x64xf32, #tpu.memory_space<hbm>>
        tpu.enqueue_indirect_dma source(%dma_start3A_431 : memref<100000x64xf32, #tpu.memory_space<hbm>>) target(%dma_start3A_427 : memref<72x64xf32, #tpu.memory_space<vmem>>) offsets(%dma_start3A_428 : memref<72xi32, #tpu.memory_space<vmem>>) semaphore(%arg7 : memref<!tpu.dma_semaphore, #tpu.memory_space<semaphore_mem>>)
      } else {
      }
      %add3A_282 = arith.constant 2 : i32
      %add3A_283 = arith.addi %mul3A_118, %add3A_282 : i32
      %dma_wait3A_284 = arith.constant 2 : i32
      %dma_wait3A_285 = arith.constant 0 : i32
      %dma_wait3A_286 = arith.constant 0 : i32
      %dma_wait3A_287 = tpu.memref_slice %arg6[%dma_wait3A_284, %dma_wait3A_285, %dma_wait3A_286] : memref<4x200x64xf32, #tpu.memory_space<vmem>> -> memref<1x128x64xf32, #tpu.memory_space<vmem>>
      %dma_wait3A_288 = tpu.memref_squeeze %dma_wait3A_287 : memref<1x128x64xf32, #tpu.memory_space<vmem>> -> memref<128x64xf32, #tpu.memory_space<vmem>>
      %dma_wait3A_289 = arith.constant 0 : i32
      %dma_wait3A_290 = arith.constant 0 : i32
      %dma_wait3A_291 = tpu.memref_slice %arg2[%dma_wait3A_289, %dma_wait3A_290] : memref<100000x64xf32, #tpu.memory_space<hbm>> -> memref<128x64xf32, #tpu.memory_space<hbm>>
      %dma_wait3A_292 = arith.constant 0 : i32
      %dma_wait3A_293 = arith.constant 0 : i32
      %dma_wait3A_294 = tpu.memref_slice %arg6[%dma_wait3A_284, %dma_wait3A_292, %dma_wait3A_293] : memref<4x200x64xf32, #tpu.memory_space<vmem>> -> memref<1x128x64xf32, #tpu.memory_space<vmem>>
      %dma_wait3A_295 = tpu.memref_squeeze %dma_wait3A_294 : memref<1x128x64xf32, #tpu.memory_space<vmem>> -> memref<128x64xf32, #tpu.memory_space<vmem>>
      %dma_wait3A_296 = arith.constant 0 : i32
      %dma_wait3A_297 = arith.constant 0 : i32
      %dma_wait3A_298 = tpu.memref_slice %arg2[%dma_wait3A_296, %dma_wait3A_297] : memref<100000x64xf32, #tpu.memory_space<hbm>> -> memref<128x64xf32, #tpu.memory_space<hbm>>
      tpu.wait_dma2 semaphore(%arg9 : memref<!tpu.dma_semaphore, #tpu.memory_space<semaphore_mem>>) src(%dma_wait3A_298 : memref<128x64xf32, #tpu.memory_space<hbm>>) dst(%dma_wait3A_295 : memref<128x64xf32, #tpu.memory_space<vmem>>)
      %dma_wait3A_299 = arith.constant 2 : i32
      %dma_wait3A_300 = arith.constant 128 : i32
      %dma_wait3A_301 = arith.constant 0 : i32
      %dma_wait3A_302 = tpu.memref_slice %arg6[%dma_wait3A_299, %dma_wait3A_300, %dma_wait3A_301] : memref<4x200x64xf32, #tpu.memory_space<vmem>> -> memref<1x72x64xf32, #tpu.memory_space<vmem>>
      %dma_wait3A_303 = tpu.memref_squeeze %dma_wait3A_302 : memref<1x72x64xf32, #tpu.memory_space<vmem>> -> memref<72x64xf32, #tpu.memory_space<vmem>>
      %dma_wait3A_304 = arith.constant 0 : i32
      %dma_wait3A_305 = arith.constant 0 : i32
      %dma_wait3A_306 = tpu.memref_slice %arg2[%dma_wait3A_304, %dma_wait3A_305] : memref<100000x64xf32, #tpu.memory_space<hbm>> -> memref<72x64xf32, #tpu.memory_space<hbm>>
      %dma_wait3A_307 = arith.constant 128 : i32
      %dma_wait3A_308 = arith.constant 0 : i32
      %dma_wait3A_309 = tpu.memref_slice %arg6[%dma_wait3A_299, %dma_wait3A_307, %dma_wait3A_308] : memref<4x200x64xf32, #tpu.memory_space<vmem>> -> memref<1x72x64xf32, #tpu.memory_space<vmem>>
      %dma_wait3A_310 = tpu.memref_squeeze %dma_wait3A_309 : memref<1x72x64xf32, #tpu.memory_space<vmem>> -> memref<72x64xf32, #tpu.memory_space<vmem>>
      %dma_wait3A_311 = arith.constant 0 : i32
      %dma_wait3A_312 = arith.constant 0 : i32
      %dma_wait3A_313 = tpu.memref_slice %arg2[%dma_wait3A_311, %dma_wait3A_312] : memref<100000x64xf32, #tpu.memory_space<hbm>> -> memref<72x64xf32, #tpu.memory_space<hbm>>
      tpu.wait_dma2 semaphore(%arg9 : memref<!tpu.dma_semaphore, #tpu.memory_space<semaphore_mem>>) src(%dma_wait3A_313 : memref<72x64xf32, #tpu.memory_space<hbm>>) dst(%dma_wait3A_310 : memref<72x64xf32, #tpu.memory_space<vmem>>)
      %add3A_314 = arith.addi %mul3A_2, %add3A_283 : i32
      %dma_start3A_315 = arith.constant 2 : i32
      %dma_start3A_316 = arith.constant 0 : i32
      %dma_start3A_317 = arith.constant 0 : i32
      %dma_start3A_318 = tpu.memref_slice %arg6[%dma_start3A_315, %dma_start3A_316, %dma_start3A_317] : memref<4x200x64xf32, #tpu.memory_space<vmem>> -> memref<1x200x64xf32, #tpu.memory_space<vmem>>
      %dma_start3A_319 = tpu.memref_squeeze %dma_start3A_318 : memref<1x200x64xf32, #tpu.memory_space<vmem>> -> memref<200x64xf32, #tpu.memory_space<vmem>>
      %dma_start3A_320 = arith.constant 0 : i32
      %dma_start3A_321 = arith.constant 0 : i32
      %dma_start3A_322 = tpu.memref_slice %arg4[%add3A_314, %dma_start3A_320, %dma_start3A_321] : memref<4096x200x64xf32, #tpu.memory_space<hbm>> -> memref<1x200x64xf32, #tpu.memory_space<hbm>>
      %dma_start3A_323 = tpu.memref_squeeze %dma_start3A_322 : memref<1x200x64xf32, #tpu.memory_space<hbm>> -> memref<200x64xf32, #tpu.memory_space<hbm>>
      %dma_start3A_324 = arith.constant 0 : i32
      %dma_start3A_325 = arith.constant 0 : i32
      %dma_start3A_326 = tpu.memref_slice %arg4[%add3A_314, %dma_start3A_324, %dma_start3A_325] : memref<4096x200x64xf32, #tpu.memory_space<hbm>> -> memref<1x200x64xf32, #tpu.memory_space<hbm>>
      %dma_start3A_327 = tpu.memref_squeeze %dma_start3A_326 : memref<1x200x64xf32, #tpu.memory_space<hbm>> -> memref<200x64xf32, #tpu.memory_space<hbm>>
      %dma_start3A_328 = arith.constant 0 : i32
      %dma_start3A_329 = arith.constant 0 : i32
      %dma_start3A_330 = tpu.memref_slice %arg6[%dma_start3A_315, %dma_start3A_328, %dma_start3A_329] : memref<4x200x64xf32, #tpu.memory_space<vmem>> -> memref<1x200x64xf32, #tpu.memory_space<vmem>>
      %dma_start3A_331 = tpu.memref_squeeze %dma_start3A_330 : memref<1x200x64xf32, #tpu.memory_space<vmem>> -> memref<200x64xf32, #tpu.memory_space<vmem>>
      tpu.enqueue_dma source(%dma_start3A_331 : memref<200x64xf32, #tpu.memory_space<vmem>>) target(%dma_start3A_327 : memref<200x64xf32, #tpu.memory_space<hbm>>) target_semaphore(%arg13 : memref<!tpu.dma_semaphore, #tpu.memory_space<semaphore_mem>>)
      %add3A_332 = arith.constant 5 : i32
      %add3A_333 = arith.addi %mul3A_118, %add3A_332 : i32
      %lt3A_334 = arith.constant 128 : i32
      %lt3A_335 = arith.cmpi slt, %add3A_333, %lt3A_334 : i32
      %convert_element_type3A_336 = arith.extui %lt3A_335 : i1 to i32
      %cond3A_337 = arith.constant 0 : i32
      %cond3A_338 = arith.cmpi ne, %convert_element_type3A_336, %cond3A_337 : i32
      scf.if %cond3A_338 {
        %dma_wait3A_389 = arith.constant 1 : i32
        %dma_wait3A_390 = arith.constant 0 : i32
        %dma_wait3A_391 = arith.constant 0 : i32
        %dma_wait3A_392 = tpu.memref_slice %arg6[%dma_wait3A_389, %dma_wait3A_390, %dma_wait3A_391] : memref<4x200x64xf32, #tpu.memory_space<vmem>> -> memref<1x200x64xf32, #tpu.memory_space<vmem>>
        %dma_wait3A_393 = tpu.memref_squeeze %dma_wait3A_392 : memref<1x200x64xf32, #tpu.memory_space<vmem>> -> memref<200x64xf32, #tpu.memory_space<vmem>>
        %dma_wait3A_394 = arith.constant 0 : i32
        %dma_wait3A_395 = arith.constant 0 : i32
        %dma_wait3A_396 = tpu.memref_slice %arg4[%mul3A_2, %dma_wait3A_394, %dma_wait3A_395] : memref<4096x200x64xf32, #tpu.memory_space<hbm>> -> memref<1x200x64xf32, #tpu.memory_space<hbm>>
        %dma_wait3A_397 = tpu.memref_squeeze %dma_wait3A_396 : memref<1x200x64xf32, #tpu.memory_space<hbm>> -> memref<200x64xf32, #tpu.memory_space<hbm>>
        %dma_wait3A_398 = arith.constant 0 : i32
        %dma_wait3A_399 = arith.constant 0 : i32
        %dma_wait3A_400 = tpu.memref_slice %arg4[%mul3A_2, %dma_wait3A_398, %dma_wait3A_399] : memref<4096x200x64xf32, #tpu.memory_space<hbm>> -> memref<1x200x64xf32, #tpu.memory_space<hbm>>
        %dma_wait3A_401 = tpu.memref_squeeze %dma_wait3A_400 : memref<1x200x64xf32, #tpu.memory_space<hbm>> -> memref<200x64xf32, #tpu.memory_space<hbm>>
        %dma_wait3A_402 = arith.constant 0 : i32
        %dma_wait3A_403 = arith.constant 0 : i32
        %dma_wait3A_404 = tpu.memref_slice %arg6[%dma_wait3A_389, %dma_wait3A_402, %dma_wait3A_403] : memref<4x200x64xf32, #tpu.memory_space<vmem>> -> memref<1x200x64xf32, #tpu.memory_space<vmem>>
        %dma_wait3A_405 = tpu.memref_squeeze %dma_wait3A_404 : memref<1x200x64xf32, #tpu.memory_space<vmem>> -> memref<200x64xf32, #tpu.memory_space<vmem>>
        tpu.wait_dma2 semaphore(%arg12 : memref<!tpu.dma_semaphore, #tpu.memory_space<semaphore_mem>>) src(%dma_wait3A_405 : memref<200x64xf32, #tpu.memory_space<vmem>>) dst(%dma_wait3A_401 : memref<200x64xf32, #tpu.memory_space<hbm>>)
        %add3A_406 = arith.constant 5 : i32
        %add3A_407 = arith.addi %mul3A_118, %add3A_406 : i32
        %mul3A_408 = arith.constant 200 : i32
        %mul3A_409 = arith.muli %add3A_407, %mul3A_408 : i32
        %dma_start3A_410 = arith.constant 1 : i32
        %dma_start3A_411 = arith.constant 0 : i32
        %dma_start3A_412 = arith.constant 0 : i32
        %dma_start3A_413 = tpu.memref_slice %arg6[%dma_start3A_410, %dma_start3A_411, %dma_start3A_412] : memref<4x200x64xf32, #tpu.memory_space<vmem>> -> memref<1x128x64xf32, #tpu.memory_space<vmem>>
        %dma_start3A_414 = tpu.memref_squeeze %dma_start3A_413 : memref<1x128x64xf32, #tpu.memory_space<vmem>> -> memref<128x64xf32, #tpu.memory_space<vmem>>
        %dma_start3A_415 = tpu.memref_slice %arg5[%mul3A_409] : memref<25600xi32, #tpu.memory_space<vmem>> -> memref<128xi32, #tpu.memory_space<vmem>>
        %dma_start3A_416 = arith.constant 0 : i32
        %dma_start3A_417 = arith.constant 0 : i32
        %dma_start3A_418 = tpu.memref_slice %arg2[%dma_start3A_416, %dma_start3A_417] : memref<100000x64xf32, #tpu.memory_space<hbm>> -> memref<100000x64xf32, #tpu.memory_space<hbm>>
        tpu.enqueue_indirect_dma source(%dma_start3A_418 : memref<100000x64xf32, #tpu.memory_space<hbm>>) target(%dma_start3A_414 : memref<128x64xf32, #tpu.memory_space<vmem>>) offsets(%dma_start3A_415 : memref<128xi32, #tpu.memory_space<vmem>>) semaphore(%arg8 : memref<!tpu.dma_semaphore, #tpu.memory_space<semaphore_mem>>)
        %mul3A_419 = arith.constant 200 : i32
        %mul3A_420 = arith.muli %add3A_407, %mul3A_419 : i32
        %add3A_421 = arith.constant 128 : i32
        %add3A_422 = arith.addi %mul3A_420, %add3A_421 : i32
        %dma_start3A_423 = arith.constant 1 : i32
        %dma_start3A_424 = arith.constant 128 : i32
        %dma_start3A_425 = arith.constant 0 : i32
        %dma_start3A_426 = tpu.memref_slice %arg6[%dma_start3A_423, %dma_start3A_424, %dma_start3A_425] : memref<4x200x64xf32, #tpu.memory_space<vmem>> -> memref<1x72x64xf32, #tpu.memory_space<vmem>>
        %dma_start3A_427 = tpu.memref_squeeze %dma_start3A_426 : memref<1x72x64xf32, #tpu.memory_space<vmem>> -> memref<72x64xf32, #tpu.memory_space<vmem>>
        %dma_start3A_428 = tpu.memref_slice %arg5[%add3A_422] : memref<25600xi32, #tpu.memory_space<vmem>> -> memref<72xi32, #tpu.memory_space<vmem>>
        %dma_start3A_429 = arith.constant 0 : i32
        %dma_start3A_430 = arith.constant 0 : i32
        %dma_start3A_431 = tpu.memref_slice %arg2[%dma_start3A_429, %dma_start3A_430] : memref<100000x64xf32, #tpu.memory_space<hbm>> -> memref<100000x64xf32, #tpu.memory_space<hbm>>
        tpu.enqueue_indirect_dma source(%dma_start3A_431 : memref<100000x64xf32, #tpu.memory_space<hbm>>) target(%dma_start3A_427 : memref<72x64xf32, #tpu.memory_space<vmem>>) offsets(%dma_start3A_428 : memref<72xi32, #tpu.memory_space<vmem>>) semaphore(%arg8 : memref<!tpu.dma_semaphore, #tpu.memory_space<semaphore_mem>>)
      } else {
      }
      %add3A_339 = arith.constant 3 : i32
      %add3A_340 = arith.addi %mul3A_118, %add3A_339 : i32
      %dma_wait3A_341 = arith.constant 3 : i32
      %dma_wait3A_342 = arith.constant 0 : i32
      %dma_wait3A_343 = arith.constant 0 : i32
      %dma_wait3A_344 = tpu.memref_slice %arg6[%dma_wait3A_341, %dma_wait3A_342, %dma_wait3A_343] : memref<4x200x64xf32, #tpu.memory_space<vmem>> -> memref<1x128x64xf32, #tpu.memory_space<vmem>>
      %dma_wait3A_345 = tpu.memref_squeeze %dma_wait3A_344 : memref<1x128x64xf32, #tpu.memory_space<vmem>> -> memref<128x64xf32, #tpu.memory_space<vmem>>
      %dma_wait3A_346 = arith.constant 0 : i32
      %dma_wait3A_347 = arith.constant 0 : i32
      %dma_wait3A_348 = tpu.memref_slice %arg2[%dma_wait3A_346, %dma_wait3A_347] : memref<100000x64xf32, #tpu.memory_space<hbm>> -> memref<128x64xf32, #tpu.memory_space<hbm>>
      %dma_wait3A_349 = arith.constant 0 : i32
      %dma_wait3A_350 = arith.constant 0 : i32
      %dma_wait3A_351 = tpu.memref_slice %arg6[%dma_wait3A_341, %dma_wait3A_349, %dma_wait3A_350] : memref<4x200x64xf32, #tpu.memory_space<vmem>> -> memref<1x128x64xf32, #tpu.memory_space<vmem>>
      %dma_wait3A_352 = tpu.memref_squeeze %dma_wait3A_351 : memref<1x128x64xf32, #tpu.memory_space<vmem>> -> memref<128x64xf32, #tpu.memory_space<vmem>>
      %dma_wait3A_353 = arith.constant 0 : i32
      %dma_wait3A_354 = arith.constant 0 : i32
      %dma_wait3A_355 = tpu.memref_slice %arg2[%dma_wait3A_353, %dma_wait3A_354] : memref<100000x64xf32, #tpu.memory_space<hbm>> -> memref<128x64xf32, #tpu.memory_space<hbm>>
      tpu.wait_dma2 semaphore(%arg10 : memref<!tpu.dma_semaphore, #tpu.memory_space<semaphore_mem>>) src(%dma_wait3A_355 : memref<128x64xf32, #tpu.memory_space<hbm>>) dst(%dma_wait3A_352 : memref<128x64xf32, #tpu.memory_space<vmem>>)
      %dma_wait3A_356 = arith.constant 3 : i32
      %dma_wait3A_357 = arith.constant 128 : i32
      %dma_wait3A_358 = arith.constant 0 : i32
      %dma_wait3A_359 = tpu.memref_slice %arg6[%dma_wait3A_356, %dma_wait3A_357, %dma_wait3A_358] : memref<4x200x64xf32, #tpu.memory_space<vmem>> -> memref<1x72x64xf32, #tpu.memory_space<vmem>>
      %dma_wait3A_360 = tpu.memref_squeeze %dma_wait3A_359 : memref<1x72x64xf32, #tpu.memory_space<vmem>> -> memref<72x64xf32, #tpu.memory_space<vmem>>
      %dma_wait3A_361 = arith.constant 0 : i32
      %dma_wait3A_362 = arith.constant 0 : i32
      %dma_wait3A_363 = tpu.memref_slice %arg2[%dma_wait3A_361, %dma_wait3A_362] : memref<100000x64xf32, #tpu.memory_space<hbm>> -> memref<72x64xf32, #tpu.memory_space<hbm>>
      %dma_wait3A_364 = arith.constant 128 : i32
      %dma_wait3A_365 = arith.constant 0 : i32
      %dma_wait3A_366 = tpu.memref_slice %arg6[%dma_wait3A_356, %dma_wait3A_364, %dma_wait3A_365] : memref<4x200x64xf32, #tpu.memory_space<vmem>> -> memref<1x72x64xf32, #tpu.memory_space<vmem>>
      %dma_wait3A_367 = tpu.memref_squeeze %dma_wait3A_366 : memref<1x72x64xf32, #tpu.memory_space<vmem>> -> memref<72x64xf32, #tpu.memory_space<vmem>>
      %dma_wait3A_368 = arith.constant 0 : i32
      %dma_wait3A_369 = arith.constant 0 : i32
      %dma_wait3A_370 = tpu.memref_slice %arg2[%dma_wait3A_368, %dma_wait3A_369] : memref<100000x64xf32, #tpu.memory_space<hbm>> -> memref<72x64xf32, #tpu.memory_space<hbm>>
      tpu.wait_dma2 semaphore(%arg10 : memref<!tpu.dma_semaphore, #tpu.memory_space<semaphore_mem>>) src(%dma_wait3A_370 : memref<72x64xf32, #tpu.memory_space<hbm>>) dst(%dma_wait3A_367 : memref<72x64xf32, #tpu.memory_space<vmem>>)
      %add3A_371 = arith.addi %mul3A_2, %add3A_340 : i32
      %dma_start3A_372 = arith.constant 3 : i32
      %dma_start3A_373 = arith.constant 0 : i32
      %dma_start3A_374 = arith.constant 0 : i32
      %dma_start3A_375 = tpu.memref_slice %arg6[%dma_start3A_372, %dma_start3A_373, %dma_start3A_374] : memref<4x200x64xf32, #tpu.memory_space<vmem>> -> memref<1x200x64xf32, #tpu.memory_space<vmem>>
      %dma_start3A_376 = tpu.memref_squeeze %dma_start3A_375 : memref<1x200x64xf32, #tpu.memory_space<vmem>> -> memref<200x64xf32, #tpu.memory_space<vmem>>
      %dma_start3A_377 = arith.constant 0 : i32
      %dma_start3A_378 = arith.constant 0 : i32
      %dma_start3A_379 = tpu.memref_slice %arg4[%add3A_371, %dma_start3A_377, %dma_start3A_378] : memref<4096x200x64xf32, #tpu.memory_space<hbm>> -> memref<1x200x64xf32, #tpu.memory_space<hbm>>
      %dma_start3A_380 = tpu.memref_squeeze %dma_start3A_379 : memref<1x200x64xf32, #tpu.memory_space<hbm>> -> memref<200x64xf32, #tpu.memory_space<hbm>>
      %dma_start3A_381 = arith.constant 0 : i32
      %dma_start3A_382 = arith.constant 0 : i32
      %dma_start3A_383 = tpu.memref_slice %arg4[%add3A_371, %dma_start3A_381, %dma_start3A_382] : memref<4096x200x64xf32, #tpu.memory_space<hbm>> -> memref<1x200x64xf32, #tpu.memory_space<hbm>>
      %dma_start3A_384 = tpu.memref_squeeze %dma_start3A_383 : memref<1x200x64xf32, #tpu.memory_space<hbm>> -> memref<200x64xf32, #tpu.memory_space<hbm>>
      %dma_start3A_385 = arith.constant 0 : i32
      %dma_start3A_386 = arith.constant 0 : i32
      %dma_start3A_387 = tpu.memref_slice %arg6[%dma_start3A_372, %dma_start3A_385, %dma_start3A_386] : memref<4x200x64xf32, #tpu.memory_space<vmem>> -> memref<1x200x64xf32, #tpu.memory_space<vmem>>
      %dma_start3A_388 = tpu.memref_squeeze %dma_start3A_387 : memref<1x200x64xf32, #tpu.memory_space<vmem>> -> memref<200x64xf32, #tpu.memory_space<vmem>>
      tpu.enqueue_dma source(%dma_start3A_388 : memref<200x64xf32, #tpu.memory_space<vmem>>) target(%dma_start3A_384 : memref<200x64xf32, #tpu.memory_space<hbm>>) target_semaphore(%arg14 : memref<!tpu.dma_semaphore, #tpu.memory_space<semaphore_mem>>)
    }
    %scan3A_48 = arith.constant 32 : i32
    %dma_wait3A = arith.constant 0 : i32
    %dma_wait3A_49 = arith.constant 0 : i32
    %dma_wait3A_50 = arith.constant 0 : i32
    %dma_wait3A_51 = tpu.memref_slice %arg6[%dma_wait3A, %dma_wait3A_49, %dma_wait3A_50] : memref<4x200x64xf32, #tpu.memory_space<vmem>> -> memref<1x200x64xf32, #tpu.memory_space<vmem>>
    %dma_wait3A_52 = tpu.memref_squeeze %dma_wait3A_51 : memref<1x200x64xf32, #tpu.memory_space<vmem>> -> memref<200x64xf32, #tpu.memory_space<vmem>>
    %dma_wait3A_53 = arith.constant 0 : i32
    %dma_wait3A_54 = arith.constant 0 : i32
    %dma_wait3A_55 = tpu.memref_slice %arg4[%mul3A_2, %dma_wait3A_53, %dma_wait3A_54] : memref<4096x200x64xf32, #tpu.memory_space<hbm>> -> memref<1x200x64xf32, #tpu.memory_space<hbm>>
    %dma_wait3A_56 = tpu.memref_squeeze %dma_wait3A_55 : memref<1x200x64xf32, #tpu.memory_space<hbm>> -> memref<200x64xf32, #tpu.memory_space<hbm>>
    %dma_wait3A_57 = arith.constant 0 : i32
    %dma_wait3A_58 = arith.constant 0 : i32
    %dma_wait3A_59 = tpu.memref_slice %arg4[%mul3A_2, %dma_wait3A_57, %dma_wait3A_58] : memref<4096x200x64xf32, #tpu.memory_space<hbm>> -> memref<1x200x64xf32, #tpu.memory_space<hbm>>
    %dma_wait3A_60 = tpu.memref_squeeze %dma_wait3A_59 : memref<1x200x64xf32, #tpu.memory_space<hbm>> -> memref<200x64xf32, #tpu.memory_space<hbm>>
    %dma_wait3A_61 = arith.constant 0 : i32
    %dma_wait3A_62 = arith.constant 0 : i32
    %dma_wait3A_63 = tpu.memref_slice %arg6[%dma_wait3A, %dma_wait3A_61, %dma_wait3A_62] : memref<4x200x64xf32, #tpu.memory_space<vmem>> -> memref<1x200x64xf32, #tpu.memory_space<vmem>>
    %dma_wait3A_64 = tpu.memref_squeeze %dma_wait3A_63 : memref<1x200x64xf32, #tpu.memory_space<vmem>> -> memref<200x64xf32, #tpu.memory_space<vmem>>
    tpu.wait_dma2 semaphore(%arg11 : memref<!tpu.dma_semaphore, #tpu.memory_space<semaphore_mem>>) src(%dma_wait3A_64 : memref<200x64xf32, #tpu.memory_space<vmem>>) dst(%dma_wait3A_60 : memref<200x64xf32, #tpu.memory_space<hbm>>)
    %dma_wait3A_65 = arith.constant 1 : i32
    %dma_wait3A_66 = arith.constant 0 : i32
    %dma_wait3A_67 = arith.constant 0 : i32
    %dma_wait3A_68 = tpu.memref_slice %arg6[%dma_wait3A_65, %dma_wait3A_66, %dma_wait3A_67] : memref<4x200x64xf32, #tpu.memory_space<vmem>> -> memref<1x200x64xf32, #tpu.memory_space<vmem>>
    %dma_wait3A_69 = tpu.memref_squeeze %dma_wait3A_68 : memref<1x200x64xf32, #tpu.memory_space<vmem>> -> memref<200x64xf32, #tpu.memory_space<vmem>>
    %dma_wait3A_70 = arith.constant 0 : i32
    %dma_wait3A_71 = arith.constant 0 : i32
    %dma_wait3A_72 = tpu.memref_slice %arg4[%mul3A_2, %dma_wait3A_70, %dma_wait3A_71] : memref<4096x200x64xf32, #tpu.memory_space<hbm>> -> memref<1x200x64xf32, #tpu.memory_space<hbm>>
    %dma_wait3A_73 = tpu.memref_squeeze %dma_wait3A_72 : memref<1x200x64xf32, #tpu.memory_space<hbm>> -> memref<200x64xf32, #tpu.memory_space<hbm>>
    %dma_wait3A_74 = arith.constant 0 : i32
    %dma_wait3A_75 = arith.constant 0 : i32
    %dma_wait3A_76 = tpu.memref_slice %arg4[%mul3A_2, %dma_wait3A_74, %dma_wait3A_75] : memref<4096x200x64xf32, #tpu.memory_space<hbm>> -> memref<1x200x64xf32, #tpu.memory_space<hbm>>
    %dma_wait3A_77 = tpu.memref_squeeze %dma_wait3A_76 : memref<1x200x64xf32, #tpu.memory_space<hbm>> -> memref<200x64xf32, #tpu.memory_space<hbm>>
    %dma_wait3A_78 = arith.constant 0 : i32
    %dma_wait3A_79 = arith.constant 0 : i32
    %dma_wait3A_80 = tpu.memref_slice %arg6[%dma_wait3A_65, %dma_wait3A_78, %dma_wait3A_79] : memref<4x200x64xf32, #tpu.memory_space<vmem>> -> memref<1x200x64xf32, #tpu.memory_space<vmem>>
    %dma_wait3A_81 = tpu.memref_squeeze %dma_wait3A_80 : memref<1x200x64xf32, #tpu.memory_space<vmem>> -> memref<200x64xf32, #tpu.memory_space<vmem>>
    tpu.wait_dma2 semaphore(%arg12 : memref<!tpu.dma_semaphore, #tpu.memory_space<semaphore_mem>>) src(%dma_wait3A_81 : memref<200x64xf32, #tpu.memory_space<vmem>>) dst(%dma_wait3A_77 : memref<200x64xf32, #tpu.memory_space<hbm>>)
    %dma_wait3A_82 = arith.constant 2 : i32
    %dma_wait3A_83 = arith.constant 0 : i32
    %dma_wait3A_84 = arith.constant 0 : i32
    %dma_wait3A_85 = tpu.memref_slice %arg6[%dma_wait3A_82, %dma_wait3A_83, %dma_wait3A_84] : memref<4x200x64xf32, #tpu.memory_space<vmem>> -> memref<1x200x64xf32, #tpu.memory_space<vmem>>
    %dma_wait3A_86 = tpu.memref_squeeze %dma_wait3A_85 : memref<1x200x64xf32, #tpu.memory_space<vmem>> -> memref<200x64xf32, #tpu.memory_space<vmem>>
    %dma_wait3A_87 = arith.constant 0 : i32
    %dma_wait3A_88 = arith.constant 0 : i32
    %dma_wait3A_89 = tpu.memref_slice %arg4[%mul3A_2, %dma_wait3A_87, %dma_wait3A_88] : memref<4096x200x64xf32, #tpu.memory_space<hbm>> -> memref<1x200x64xf32, #tpu.memory_space<hbm>>
    %dma_wait3A_90 = tpu.memref_squeeze %dma_wait3A_89 : memref<1x200x64xf32, #tpu.memory_space<hbm>> -> memref<200x64xf32, #tpu.memory_space<hbm>>
    %dma_wait3A_91 = arith.constant 0 : i32
    %dma_wait3A_92 = arith.constant 0 : i32
    %dma_wait3A_93 = tpu.memref_slice %arg4[%mul3A_2, %dma_wait3A_91, %dma_wait3A_92] : memref<4096x200x64xf32, #tpu.memory_space<hbm>> -> memref<1x200x64xf32, #tpu.memory_space<hbm>>
    %dma_wait3A_94 = tpu.memref_squeeze %dma_wait3A_93 : memref<1x200x64xf32, #tpu.memory_space<hbm>> -> memref<200x64xf32, #tpu.memory_space<hbm>>
    %dma_wait3A_95 = arith.constant 0 : i32
    %dma_wait3A_96 = arith.constant 0 : i32
    %dma_wait3A_97 = tpu.memref_slice %arg6[%dma_wait3A_82, %dma_wait3A_95, %dma_wait3A_96] : memref<4x200x64xf32, #tpu.memory_space<vmem>> -> memref<1x200x64xf32, #tpu.memory_space<vmem>>
    %dma_wait3A_98 = tpu.memref_squeeze %dma_wait3A_97 : memref<1x200x64xf32, #tpu.memory_space<vmem>> -> memref<200x64xf32, #tpu.memory_space<vmem>>
    tpu.wait_dma2 semaphore(%arg13 : memref<!tpu.dma_semaphore, #tpu.memory_space<semaphore_mem>>) src(%dma_wait3A_98 : memref<200x64xf32, #tpu.memory_space<vmem>>) dst(%dma_wait3A_94 : memref<200x64xf32, #tpu.memory_space<hbm>>)
    %dma_wait3A_99 = arith.constant 3 : i32
    %dma_wait3A_100 = arith.constant 0 : i32
    %dma_wait3A_101 = arith.constant 0 : i32
    %dma_wait3A_102 = tpu.memref_slice %arg6[%dma_wait3A_99, %dma_wait3A_100, %dma_wait3A_101] : memref<4x200x64xf32, #tpu.memory_space<vmem>> -> memref<1x200x64xf32, #tpu.memory_space<vmem>>
    %dma_wait3A_103 = tpu.memref_squeeze %dma_wait3A_102 : memref<1x200x64xf32, #tpu.memory_space<vmem>> -> memref<200x64xf32, #tpu.memory_space<vmem>>
    %dma_wait3A_104 = arith.constant 0 : i32
    %dma_wait3A_105 = arith.constant 0 : i32
    %dma_wait3A_106 = tpu.memref_slice %arg4[%mul3A_2, %dma_wait3A_104, %dma_wait3A_105] : memref<4096x200x64xf32, #tpu.memory_space<hbm>> -> memref<1x200x64xf32, #tpu.memory_space<hbm>>
    %dma_wait3A_107 = tpu.memref_squeeze %dma_wait3A_106 : memref<1x200x64xf32, #tpu.memory_space<hbm>> -> memref<200x64xf32, #tpu.memory_space<hbm>>
    %dma_wait3A_108 = arith.constant 0 : i32
    %dma_wait3A_109 = arith.constant 0 : i32
    %dma_wait3A_110 = tpu.memref_slice %arg4[%mul3A_2, %dma_wait3A_108, %dma_wait3A_109] : memref<4096x200x64xf32, #tpu.memory_space<hbm>> -> memref<1x200x64xf32, #tpu.memory_space<hbm>>
    %dma_wait3A_111 = tpu.memref_squeeze %dma_wait3A_110 : memref<1x200x64xf32, #tpu.memory_space<hbm>> -> memref<200x64xf32, #tpu.memory_space<hbm>>
    %dma_wait3A_112 = arith.constant 0 : i32
    %dma_wait3A_113 = arith.constant 0 : i32
    %dma_wait3A_114 = tpu.memref_slice %arg6[%dma_wait3A_99, %dma_wait3A_112, %dma_wait3A_113] : memref<4x200x64xf32, #tpu.memory_space<vmem>> -> memref<1x200x64xf32, #tpu.memory_space<vmem>>
    %dma_wait3A_115 = tpu.memref_squeeze %dma_wait3A_114 : memref<1x200x64xf32, #tpu.memory_space<vmem>> -> memref<200x64xf32, #tpu.memory_space<vmem>>
    tpu.wait_dma2 semaphore(%arg14 : memref<!tpu.dma_semaphore, #tpu.memory_space<semaphore_mem>>) src(%dma_wait3A_115 : memref<200x64xf32, #tpu.memory_space<vmem>>) dst(%dma_wait3A_111 : memref<200x64xf32, #tpu.memory_space<hbm>>)
    return
  }
}

#map = affine_map<(d0, d1) -> (0, 0)>
#map1 = affine_map<(d0, d1) -> (0)>
module attributes {stable_mosaic.version = 14 : i64} {
  func.func @_build_t2(%arg0: i32, %arg1: i32, %arg2: memref<100000x64xf32, #tpu.memory_space<hbm>>, %arg3: memref<100000xi32, #tpu.memory_space<hbm>>, %arg4: memref<100000xi32, #tpu.memory_space<hbm>>, %arg5: memref<100000x64xf32, #tpu.memory_space<hbm>>, %arg6: memref<2x80xi32, #tpu.memory_space<vmem>>, %arg7: memref<2x80xi32, #tpu.memory_space<vmem>>, %arg8: memref<2x80x64xf32, #tpu.memory_space<vmem>>, %arg9: memref<2x80x64xf32, #tpu.memory_space<vmem>>, %arg10: memref<2x80x64xf32, #tpu.memory_space<vmem>>, %arg11: memref<!tpu.dma_semaphore, #tpu.memory_space<semaphore_mem>>, %arg12: memref<!tpu.dma_semaphore, #tpu.memory_space<semaphore_mem>>, %arg13: memref<!tpu.dma_semaphore, #tpu.memory_space<semaphore_mem>>, %arg14: memref<!tpu.dma_semaphore, #tpu.memory_space<semaphore_mem>>) attributes {dimension_semantics = [#tpu.dimension_semantics<core_parallel>, #tpu.dimension_semantics<subcore_parallel>], iteration_bounds = array<i64: 2, 16>, scalar_prefetch = 0 : i64, scratch_operands = 9 : i64, tpu.core_type = #tpu.core_type<sc_vector_subcore>, window_params = [{transform_indices = #map}, {transform_indices = #map1}, {transform_indices = #map1}, {transform_indices = #map}]} {
    %mul3A = arith.constant 2 : i32
    %mul3A_0 = arith.muli %arg1, %mul3A : i32
    %add3A = arith.addi %mul3A_0, %arg0 : i32
    %mul3A_1 = arith.constant 80 : i32
    %mul3A_2 = arith.muli %add3A, %mul3A_1 : i32
    %run_scoped3A = arith.constant 0 : i32
    "tpu.region"() ({
      %run_scoped3A_74 = tpu.sem_alloc : memref<!tpu.dma_semaphore, #tpu.memory_space<semaphore_mem>>
      %dma_start3A_75 = arith.constant 0 : i32
      %dma_start3A_76 = tpu.memref_slice %arg6[%run_scoped3A, %dma_start3A_75] : memref<2x80xi32, #tpu.memory_space<vmem>> -> memref<1x80xi32, #tpu.memory_space<vmem>>
      %dma_start3A_77 = tpu.memref_squeeze %dma_start3A_76 : memref<1x80xi32, #tpu.memory_space<vmem>> -> memref<80xi32, #tpu.memory_space<vmem>>
      %dma_start3A_78 = tpu.memref_slice %arg3[%mul3A_2] : memref<100000xi32, #tpu.memory_space<hbm>> -> memref<80xi32, #tpu.memory_space<hbm>>
      %dma_start3A_79 = arith.constant 0 : i32
      %dma_start3A_80 = tpu.memref_slice %arg6[%run_scoped3A, %dma_start3A_79] : memref<2x80xi32, #tpu.memory_space<vmem>> -> memref<1x80xi32, #tpu.memory_space<vmem>>
      %dma_start3A_81 = tpu.memref_squeeze %dma_start3A_80 : memref<1x80xi32, #tpu.memory_space<vmem>> -> memref<80xi32, #tpu.memory_space<vmem>>
      %dma_start3A_82 = tpu.memref_slice %arg3[%mul3A_2] : memref<100000xi32, #tpu.memory_space<hbm>> -> memref<80xi32, #tpu.memory_space<hbm>>
      tpu.enqueue_dma source(%dma_start3A_82 : memref<80xi32, #tpu.memory_space<hbm>>) target(%dma_start3A_81 : memref<80xi32, #tpu.memory_space<vmem>>) target_semaphore(%run_scoped3A_74 : memref<!tpu.dma_semaphore, #tpu.memory_space<semaphore_mem>>)
      %dma_wait3A_83 = arith.constant 0 : i32
      %dma_wait3A_84 = tpu.memref_slice %arg6[%run_scoped3A, %dma_wait3A_83] : memref<2x80xi32, #tpu.memory_space<vmem>> -> memref<1x80xi32, #tpu.memory_space<vmem>>
      %dma_wait3A_85 = tpu.memref_squeeze %dma_wait3A_84 : memref<1x80xi32, #tpu.memory_space<vmem>> -> memref<80xi32, #tpu.memory_space<vmem>>
      %dma_wait3A_86 = tpu.memref_slice %arg3[%mul3A_2] : memref<100000xi32, #tpu.memory_space<hbm>> -> memref<80xi32, #tpu.memory_space<hbm>>
      %dma_wait3A_87 = arith.constant 0 : i32
      %dma_wait3A_88 = tpu.memref_slice %arg6[%run_scoped3A, %dma_wait3A_87] : memref<2x80xi32, #tpu.memory_space<vmem>> -> memref<1x80xi32, #tpu.memory_space<vmem>>
      %dma_wait3A_89 = tpu.memref_squeeze %dma_wait3A_88 : memref<1x80xi32, #tpu.memory_space<vmem>> -> memref<80xi32, #tpu.memory_space<vmem>>
      %dma_wait3A_90 = tpu.memref_slice %arg3[%mul3A_2] : memref<100000xi32, #tpu.memory_space<hbm>> -> memref<80xi32, #tpu.memory_space<hbm>>
      tpu.wait_dma2 semaphore(%run_scoped3A_74 : memref<!tpu.dma_semaphore, #tpu.memory_space<semaphore_mem>>) src(%dma_wait3A_90 : memref<80xi32, #tpu.memory_space<hbm>>) dst(%dma_wait3A_89 : memref<80xi32, #tpu.memory_space<vmem>>)
      tpu.yield
    }) : () -> ()
    %run_scoped3A_3 = arith.constant 0 : i32
    "tpu.region"() ({
      %run_scoped3A_74 = tpu.sem_alloc : memref<!tpu.dma_semaphore, #tpu.memory_space<semaphore_mem>>
      %dma_start3A_75 = arith.constant 0 : i32
      %dma_start3A_76 = tpu.memref_slice %arg7[%run_scoped3A_3, %dma_start3A_75] : memref<2x80xi32, #tpu.memory_space<vmem>> -> memref<1x80xi32, #tpu.memory_space<vmem>>
      %dma_start3A_77 = tpu.memref_squeeze %dma_start3A_76 : memref<1x80xi32, #tpu.memory_space<vmem>> -> memref<80xi32, #tpu.memory_space<vmem>>
      %dma_start3A_78 = tpu.memref_slice %arg4[%mul3A_2] : memref<100000xi32, #tpu.memory_space<hbm>> -> memref<80xi32, #tpu.memory_space<hbm>>
      %dma_start3A_79 = arith.constant 0 : i32
      %dma_start3A_80 = tpu.memref_slice %arg7[%run_scoped3A_3, %dma_start3A_79] : memref<2x80xi32, #tpu.memory_space<vmem>> -> memref<1x80xi32, #tpu.memory_space<vmem>>
      %dma_start3A_81 = tpu.memref_squeeze %dma_start3A_80 : memref<1x80xi32, #tpu.memory_space<vmem>> -> memref<80xi32, #tpu.memory_space<vmem>>
      %dma_start3A_82 = tpu.memref_slice %arg4[%mul3A_2] : memref<100000xi32, #tpu.memory_space<hbm>> -> memref<80xi32, #tpu.memory_space<hbm>>
      tpu.enqueue_dma source(%dma_start3A_82 : memref<80xi32, #tpu.memory_space<hbm>>) target(%dma_start3A_81 : memref<80xi32, #tpu.memory_space<vmem>>) target_semaphore(%run_scoped3A_74 : memref<!tpu.dma_semaphore, #tpu.memory_space<semaphore_mem>>)
      %dma_wait3A_83 = arith.constant 0 : i32
      %dma_wait3A_84 = tpu.memref_slice %arg7[%run_scoped3A_3, %dma_wait3A_83] : memref<2x80xi32, #tpu.memory_space<vmem>> -> memref<1x80xi32, #tpu.memory_space<vmem>>
      %dma_wait3A_85 = tpu.memref_squeeze %dma_wait3A_84 : memref<1x80xi32, #tpu.memory_space<vmem>> -> memref<80xi32, #tpu.memory_space<vmem>>
      %dma_wait3A_86 = tpu.memref_slice %arg4[%mul3A_2] : memref<100000xi32, #tpu.memory_space<hbm>> -> memref<80xi32, #tpu.memory_space<hbm>>
      %dma_wait3A_87 = arith.constant 0 : i32
      %dma_wait3A_88 = tpu.memref_slice %arg7[%run_scoped3A_3, %dma_wait3A_87] : memref<2x80xi32, #tpu.memory_space<vmem>> -> memref<1x80xi32, #tpu.memory_space<vmem>>
      %dma_wait3A_89 = tpu.memref_squeeze %dma_wait3A_88 : memref<1x80xi32, #tpu.memory_space<vmem>> -> memref<80xi32, #tpu.memory_space<vmem>>
      %dma_wait3A_90 = tpu.memref_slice %arg4[%mul3A_2] : memref<100000xi32, #tpu.memory_space<hbm>> -> memref<80xi32, #tpu.memory_space<hbm>>
      tpu.wait_dma2 semaphore(%run_scoped3A_74 : memref<!tpu.dma_semaphore, #tpu.memory_space<semaphore_mem>>) src(%dma_wait3A_90 : memref<80xi32, #tpu.memory_space<hbm>>) dst(%dma_wait3A_89 : memref<80xi32, #tpu.memory_space<vmem>>)
      tpu.yield
    }) : () -> ()
    %dma_start3A = arith.constant 0 : i32
    %dma_start3A_4 = arith.constant 0 : i32
    %dma_start3A_5 = arith.constant 0 : i32
    %dma_start3A_6 = tpu.memref_slice %arg8[%dma_start3A, %dma_start3A_4, %dma_start3A_5] : memref<2x80x64xf32, #tpu.memory_space<vmem>> -> memref<1x80x64xf32, #tpu.memory_space<vmem>>
    %dma_start3A_7 = tpu.memref_squeeze %dma_start3A_6 : memref<1x80x64xf32, #tpu.memory_space<vmem>> -> memref<80x64xf32, #tpu.memory_space<vmem>>
    %dma_start3A_8 = arith.constant 0 : i32
    %dma_start3A_9 = tpu.memref_slice %arg2[%mul3A_2, %dma_start3A_8] : memref<100000x64xf32, #tpu.memory_space<hbm>> -> memref<80x64xf32, #tpu.memory_space<hbm>>
    %dma_start3A_10 = arith.constant 0 : i32
    %dma_start3A_11 = arith.constant 0 : i32
    %dma_start3A_12 = tpu.memref_slice %arg8[%dma_start3A, %dma_start3A_10, %dma_start3A_11] : memref<2x80x64xf32, #tpu.memory_space<vmem>> -> memref<1x80x64xf32, #tpu.memory_space<vmem>>
    %dma_start3A_13 = tpu.memref_squeeze %dma_start3A_12 : memref<1x80x64xf32, #tpu.memory_space<vmem>> -> memref<80x64xf32, #tpu.memory_space<vmem>>
    %dma_start3A_14 = arith.constant 0 : i32
    %dma_start3A_15 = tpu.memref_slice %arg2[%mul3A_2, %dma_start3A_14] : memref<100000x64xf32, #tpu.memory_space<hbm>> -> memref<80x64xf32, #tpu.memory_space<hbm>>
    tpu.enqueue_dma source(%dma_start3A_15 : memref<80x64xf32, #tpu.memory_space<hbm>>) target(%dma_start3A_13 : memref<80x64xf32, #tpu.memory_space<vmem>>) target_semaphore(%arg11 : memref<!tpu.dma_semaphore, #tpu.memory_space<semaphore_mem>>)
    %dma_start3A_16 = arith.constant 0 : i32
    %dma_start3A_17 = arith.constant 0 : i32
    %dma_start3A_18 = arith.constant 0 : i32
    %dma_start3A_19 = arith.constant 0 : i32
    %dma_start3A_20 = tpu.memref_slice %arg9[%dma_start3A_17, %dma_start3A_18, %dma_start3A_19] : memref<2x80x64xf32, #tpu.memory_space<vmem>> -> memref<1x80x64xf32, #tpu.memory_space<vmem>>
    %dma_start3A_21 = tpu.memref_squeeze %dma_start3A_20 : memref<1x80x64xf32, #tpu.memory_space<vmem>> -> memref<80x64xf32, #tpu.memory_space<vmem>>
    %dma_start3A_22 = arith.constant 0 : i32
    %dma_start3A_23 = tpu.memref_slice %arg6[%dma_start3A_16, %dma_start3A_22] : memref<2x80xi32, #tpu.memory_space<vmem>> -> memref<1x80xi32, #tpu.memory_space<vmem>>
    %dma_start3A_24 = tpu.memref_squeeze %dma_start3A_23 : memref<1x80xi32, #tpu.memory_space<vmem>> -> memref<80xi32, #tpu.memory_space<vmem>>
    %dma_start3A_25 = arith.constant 0 : i32
    %dma_start3A_26 = arith.constant 0 : i32
    %dma_start3A_27 = tpu.memref_slice %arg2[%dma_start3A_25, %dma_start3A_26] : memref<100000x64xf32, #tpu.memory_space<hbm>> -> memref<100000x64xf32, #tpu.memory_space<hbm>>
    tpu.enqueue_indirect_dma source(%dma_start3A_27 : memref<100000x64xf32, #tpu.memory_space<hbm>>) target(%dma_start3A_21 : memref<80x64xf32, #tpu.memory_space<vmem>>) offsets(%dma_start3A_24 : memref<80xi32, #tpu.memory_space<vmem>>) semaphore(%arg11 : memref<!tpu.dma_semaphore, #tpu.memory_space<semaphore_mem>>)
    %dma_start3A_28 = arith.constant 0 : i32
    %dma_start3A_29 = arith.constant 0 : i32
    %dma_start3A_30 = arith.constant 0 : i32
    %dma_start3A_31 = arith.constant 0 : i32
    %dma_start3A_32 = tpu.memref_slice %arg10[%dma_start3A_29, %dma_start3A_30, %dma_start3A_31] : memref<2x80x64xf32, #tpu.memory_space<vmem>> -> memref<1x80x64xf32, #tpu.memory_space<vmem>>
    %dma_start3A_33 = tpu.memref_squeeze %dma_start3A_32 : memref<1x80x64xf32, #tpu.memory_space<vmem>> -> memref<80x64xf32, #tpu.memory_space<vmem>>
    %dma_start3A_34 = arith.constant 0 : i32
    %dma_start3A_35 = tpu.memref_slice %arg7[%dma_start3A_28, %dma_start3A_34] : memref<2x80xi32, #tpu.memory_space<vmem>> -> memref<1x80xi32, #tpu.memory_space<vmem>>
    %dma_start3A_36 = tpu.memref_squeeze %dma_start3A_35 : memref<1x80xi32, #tpu.memory_space<vmem>> -> memref<80xi32, #tpu.memory_space<vmem>>
    %dma_start3A_37 = arith.constant 0 : i32
    %dma_start3A_38 = arith.constant 0 : i32
    %dma_start3A_39 = tpu.memref_slice %arg2[%dma_start3A_37, %dma_start3A_38] : memref<100000x64xf32, #tpu.memory_space<hbm>> -> memref<100000x64xf32, #tpu.memory_space<hbm>>
    tpu.enqueue_indirect_dma source(%dma_start3A_39 : memref<100000x64xf32, #tpu.memory_space<hbm>>) target(%dma_start3A_33 : memref<80x64xf32, #tpu.memory_space<vmem>>) offsets(%dma_start3A_36 : memref<80xi32, #tpu.memory_space<vmem>>) semaphore(%arg11 : memref<!tpu.dma_semaphore, #tpu.memory_space<semaphore_mem>>)
    %scan3A = arith.constant 0 : i32
    %scan3A_40 = arith.constant 0 : i32
    %scan3A_41 = arith.constant 20 : i32
    %scan3A_42 = arith.addi %scan3A_40, %scan3A_41 : i32
    %scan3A_43 = arith.constant 1 : i32
    scf.for %scan3A_74 = %scan3A_40 to %scan3A_42 step %scan3A_43  : i32 {
      %mul3A_75 = arith.constant 2 : i32
      %mul3A_76 = arith.muli %mul3A_75, %scan3A_74 : i32
      %mul3A_77 = arith.constant 32 : i32
      %mul3A_78 = arith.muli %mul3A_76, %mul3A_77 : i32
      %add3A_79 = arith.addi %add3A, %mul3A_78 : i32
      %add3A_80 = arith.constant 32 : i32
      %add3A_81 = arith.addi %add3A_79, %add3A_80 : i32
      %add3A_82 = arith.constant 32 : i32
      %add3A_83 = arith.addi %add3A_81, %add3A_82 : i32
      %lt3A = arith.constant 1250 : i32
      %lt3A_84 = arith.cmpi slt, %add3A_81, %lt3A : i32
      %convert_element_type3A = arith.extui %lt3A_84 : i1 to i32
      %cond3A = arith.constant 0 : i32
      %cond3A_85 = arith.cmpi ne, %convert_element_type3A, %cond3A : i32
      scf.if %cond3A_85 {
        %ge3A = arith.constant 1 : i32
        %ge3A_101 = arith.cmpi sge, %scan3A_74, %ge3A : i32
        %convert_element_type3A_102 = arith.extui %ge3A_101 : i1 to i32
        %cond3A_103 = arith.constant 0 : i32
        %cond3A_104 = arith.cmpi ne, %convert_element_type3A_102, %cond3A_103 : i32
        scf.if %cond3A_104 {
          %dma_wait3A_146 = arith.constant 1 : i32
          %dma_wait3A_147 = arith.constant 0 : i32
          %dma_wait3A_148 = arith.constant 0 : i32
          %dma_wait3A_149 = tpu.memref_slice %arg8[%dma_wait3A_146, %dma_wait3A_147, %dma_wait3A_148] : memref<2x80x64xf32, #tpu.memory_space<vmem>> -> memref<1x80x64xf32, #tpu.memory_space<vmem>>
          %dma_wait3A_150 = tpu.memref_squeeze %dma_wait3A_149 : memref<1x80x64xf32, #tpu.memory_space<vmem>> -> memref<80x64xf32, #tpu.memory_space<vmem>>
          %dma_wait3A_151 = arith.constant 0 : i32
          %dma_wait3A_152 = arith.constant 0 : i32
          %dma_wait3A_153 = tpu.memref_slice %arg5[%dma_wait3A_151, %dma_wait3A_152] : memref<100000x64xf32, #tpu.memory_space<hbm>> -> memref<80x64xf32, #tpu.memory_space<hbm>>
          %dma_wait3A_154 = arith.constant 0 : i32
          %dma_wait3A_155 = arith.constant 0 : i32
          %dma_wait3A_156 = tpu.memref_slice %arg5[%dma_wait3A_154, %dma_wait3A_155] : memref<100000x64xf32, #tpu.memory_space<hbm>> -> memref<80x64xf32, #tpu.memory_space<hbm>>
          %dma_wait3A_157 = arith.constant 0 : i32
          %dma_wait3A_158 = arith.constant 0 : i32
          %dma_wait3A_159 = tpu.memref_slice %arg8[%dma_wait3A_146, %dma_wait3A_157, %dma_wait3A_158] : memref<2x80x64xf32, #tpu.memory_space<vmem>> -> memref<1x80x64xf32, #tpu.memory_space<vmem>>
          %dma_wait3A_160 = tpu.memref_squeeze %dma_wait3A_159 : memref<1x80x64xf32, #tpu.memory_space<vmem>> -> memref<80x64xf32, #tpu.memory_space<vmem>>
          tpu.wait_dma2 semaphore(%arg14 : memref<!tpu.dma_semaphore, #tpu.memory_space<semaphore_mem>>) src(%dma_wait3A_160 : memref<80x64xf32, #tpu.memory_space<vmem>>) dst(%dma_wait3A_156 : memref<80x64xf32, #tpu.memory_space<hbm>>)
        } else {
        }
        %mul3A_105 = arith.constant 80 : i32
        %mul3A_106 = arith.muli %add3A_81, %mul3A_105 : i32
        %run_scoped3A_107 = arith.constant 1 : i32
        "tpu.region"() ({
          %run_scoped3A_146 = tpu.sem_alloc : memref<!tpu.dma_semaphore, #tpu.memory_space<semaphore_mem>>
          %dma_start3A_147 = arith.constant 0 : i32
          %dma_start3A_148 = tpu.memref_slice %arg6[%run_scoped3A_107, %dma_start3A_147] : memref<2x80xi32, #tpu.memory_space<vmem>> -> memref<1x80xi32, #tpu.memory_space<vmem>>
          %dma_start3A_149 = tpu.memref_squeeze %dma_start3A_148 : memref<1x80xi32, #tpu.memory_space<vmem>> -> memref<80xi32, #tpu.memory_space<vmem>>
          %dma_start3A_150 = tpu.memref_slice %arg3[%mul3A_106] : memref<100000xi32, #tpu.memory_space<hbm>> -> memref<80xi32, #tpu.memory_space<hbm>>
          %dma_start3A_151 = arith.constant 0 : i32
          %dma_start3A_152 = tpu.memref_slice %arg6[%run_scoped3A_107, %dma_start3A_151] : memref<2x80xi32, #tpu.memory_space<vmem>> -> memref<1x80xi32, #tpu.memory_space<vmem>>
          %dma_start3A_153 = tpu.memref_squeeze %dma_start3A_152 : memref<1x80xi32, #tpu.memory_space<vmem>> -> memref<80xi32, #tpu.memory_space<vmem>>
          %dma_start3A_154 = tpu.memref_slice %arg3[%mul3A_106] : memref<100000xi32, #tpu.memory_space<hbm>> -> memref<80xi32, #tpu.memory_space<hbm>>
          tpu.enqueue_dma source(%dma_start3A_154 : memref<80xi32, #tpu.memory_space<hbm>>) target(%dma_start3A_153 : memref<80xi32, #tpu.memory_space<vmem>>) target_semaphore(%run_scoped3A_146 : memref<!tpu.dma_semaphore, #tpu.memory_space<semaphore_mem>>)
          %dma_wait3A_155 = arith.constant 0 : i32
          %dma_wait3A_156 = tpu.memref_slice %arg6[%run_scoped3A_107, %dma_wait3A_155] : memref<2x80xi32, #tpu.memory_space<vmem>> -> memref<1x80xi32, #tpu.memory_space<vmem>>
          %dma_wait3A_157 = tpu.memref_squeeze %dma_wait3A_156 : memref<1x80xi32, #tpu.memory_space<vmem>> -> memref<80xi32, #tpu.memory_space<vmem>>
          %dma_wait3A_158 = tpu.memref_slice %arg3[%mul3A_106] : memref<100000xi32, #tpu.memory_space<hbm>> -> memref<80xi32, #tpu.memory_space<hbm>>
          %dma_wait3A_159 = arith.constant 0 : i32
          %dma_wait3A_160 = tpu.memref_slice %arg6[%run_scoped3A_107, %dma_wait3A_159] : memref<2x80xi32, #tpu.memory_space<vmem>> -> memref<1x80xi32, #tpu.memory_space<vmem>>
          %dma_wait3A_161 = tpu.memref_squeeze %dma_wait3A_160 : memref<1x80xi32, #tpu.memory_space<vmem>> -> memref<80xi32, #tpu.memory_space<vmem>>
          %dma_wait3A_162 = tpu.memref_slice %arg3[%mul3A_106] : memref<100000xi32, #tpu.memory_space<hbm>> -> memref<80xi32, #tpu.memory_space<hbm>>
          tpu.wait_dma2 semaphore(%run_scoped3A_146 : memref<!tpu.dma_semaphore, #tpu.memory_space<semaphore_mem>>) src(%dma_wait3A_162 : memref<80xi32, #tpu.memory_space<hbm>>) dst(%dma_wait3A_161 : memref<80xi32, #tpu.memory_space<vmem>>)
          tpu.yield
        }) : () -> ()
        %run_scoped3A_108 = arith.constant 1 : i32
        "tpu.region"() ({
          %run_scoped3A_146 = tpu.sem_alloc : memref<!tpu.dma_semaphore, #tpu.memory_space<semaphore_mem>>
          %dma_start3A_147 = arith.constant 0 : i32
          %dma_start3A_148 = tpu.memref_slice %arg7[%run_scoped3A_108, %dma_start3A_147] : memref<2x80xi32, #tpu.memory_space<vmem>> -> memref<1x80xi32, #tpu.memory_space<vmem>>
          %dma_start3A_149 = tpu.memref_squeeze %dma_start3A_148 : memref<1x80xi32, #tpu.memory_space<vmem>> -> memref<80xi32, #tpu.memory_space<vmem>>
          %dma_start3A_150 = tpu.memref_slice %arg4[%mul3A_106] : memref<100000xi32, #tpu.memory_space<hbm>> -> memref<80xi32, #tpu.memory_space<hbm>>
          %dma_start3A_151 = arith.constant 0 : i32
          %dma_start3A_152 = tpu.memref_slice %arg7[%run_scoped3A_108, %dma_start3A_151] : memref<2x80xi32, #tpu.memory_space<vmem>> -> memref<1x80xi32, #tpu.memory_space<vmem>>
          %dma_start3A_153 = tpu.memref_squeeze %dma_start3A_152 : memref<1x80xi32, #tpu.memory_space<vmem>> -> memref<80xi32, #tpu.memory_space<vmem>>
          %dma_start3A_154 = tpu.memref_slice %arg4[%mul3A_106] : memref<100000xi32, #tpu.memory_space<hbm>> -> memref<80xi32, #tpu.memory_space<hbm>>
          tpu.enqueue_dma source(%dma_start3A_154 : memref<80xi32, #tpu.memory_space<hbm>>) target(%dma_start3A_153 : memref<80xi32, #tpu.memory_space<vmem>>) target_semaphore(%run_scoped3A_146 : memref<!tpu.dma_semaphore, #tpu.memory_space<semaphore_mem>>)
          %dma_wait3A_155 = arith.constant 0 : i32
          %dma_wait3A_156 = tpu.memref_slice %arg7[%run_scoped3A_108, %dma_wait3A_155] : memref<2x80xi32, #tpu.memory_space<vmem>> -> memref<1x80xi32, #tpu.memory_space<vmem>>
          %dma_wait3A_157 = tpu.memref_squeeze %dma_wait3A_156 : memref<1x80xi32, #tpu.memory_space<vmem>> -> memref<80xi32, #tpu.memory_space<vmem>>
          %dma_wait3A_158 = tpu.memref_slice %arg4[%mul3A_106] : memref<100000xi32, #tpu.memory_space<hbm>> -> memref<80xi32, #tpu.memory_space<hbm>>
          %dma_wait3A_159 = arith.constant 0 : i32
          %dma_wait3A_160 = tpu.memref_slice %arg7[%run_scoped3A_108, %dma_wait3A_159] : memref<2x80xi32, #tpu.memory_space<vmem>> -> memref<1x80xi32, #tpu.memory_space<vmem>>
          %dma_wait3A_161 = tpu.memref_squeeze %dma_wait3A_160 : memref<1x80xi32, #tpu.memory_space<vmem>> -> memref<80xi32, #tpu.memory_space<vmem>>
          %dma_wait3A_162 = tpu.memref_slice %arg4[%mul3A_106] : memref<100000xi32, #tpu.memory_space<hbm>> -> memref<80xi32, #tpu.memory_space<hbm>>
          tpu.wait_dma2 semaphore(%run_scoped3A_146 : memref<!tpu.dma_semaphore, #tpu.memory_space<semaphore_mem>>) src(%dma_wait3A_162 : memref<80xi32, #tpu.memory_space<hbm>>) dst(%dma_wait3A_161 : memref<80xi32, #tpu.memory_space<vmem>>)
          tpu.yield
        }) : () -> ()
        %dma_start3A_109 = arith.constant 1 : i32
        %dma_start3A_110 = arith.constant 0 : i32
        %dma_start3A_111 = arith.constant 0 : i32
        %dma_start3A_112 = tpu.memref_slice %arg8[%dma_start3A_109, %dma_start3A_110, %dma_start3A_111] : memref<2x80x64xf32, #tpu.memory_space<vmem>> -> memref<1x80x64xf32, #tpu.memory_space<vmem>>
        %dma_start3A_113 = tpu.memref_squeeze %dma_start3A_112 : memref<1x80x64xf32, #tpu.memory_space<vmem>> -> memref<80x64xf32, #tpu.memory_space<vmem>>
        %dma_start3A_114 = arith.constant 0 : i32
        %dma_start3A_115 = tpu.memref_slice %arg2[%mul3A_106, %dma_start3A_114] : memref<100000x64xf32, #tpu.memory_space<hbm>> -> memref<80x64xf32, #tpu.memory_space<hbm>>
        %dma_start3A_116 = arith.constant 0 : i32
        %dma_start3A_117 = arith.constant 0 : i32
        %dma_start3A_118 = tpu.memref_slice %arg8[%dma_start3A_109, %dma_start3A_116, %dma_start3A_117] : memref<2x80x64xf32, #tpu.memory_space<vmem>> -> memref<1x80x64xf32, #tpu.memory_space<vmem>>
        %dma_start3A_119 = tpu.memref_squeeze %dma_start3A_118 : memref<1x80x64xf32, #tpu.memory_space<vmem>> -> memref<80x64xf32, #tpu.memory_space<vmem>>
        %dma_start3A_120 = arith.constant 0 : i32
        %dma_start3A_121 = tpu.memref_slice %arg2[%mul3A_106, %dma_start3A_120] : memref<100000x64xf32, #tpu.memory_space<hbm>> -> memref<80x64xf32, #tpu.memory_space<hbm>>
        tpu.enqueue_dma source(%dma_start3A_121 : memref<80x64xf32, #tpu.memory_space<hbm>>) target(%dma_start3A_119 : memref<80x64xf32, #tpu.memory_space<vmem>>) target_semaphore(%arg12 : memref<!tpu.dma_semaphore, #tpu.memory_space<semaphore_mem>>)
        %dma_start3A_122 = arith.constant 1 : i32
        %dma_start3A_123 = arith.constant 1 : i32
        %dma_start3A_124 = arith.constant 0 : i32
        %dma_start3A_125 = arith.constant 0 : i32
        %dma_start3A_126 = tpu.memref_slice %arg9[%dma_start3A_123, %dma_start3A_124, %dma_start3A_125] : memref<2x80x64xf32, #tpu.memory_space<vmem>> -> memref<1x80x64xf32, #tpu.memory_space<vmem>>
        %dma_start3A_127 = tpu.memref_squeeze %dma_start3A_126 : memref<1x80x64xf32, #tpu.memory_space<vmem>> -> memref<80x64xf32, #tpu.memory_space<vmem>>
        %dma_start3A_128 = arith.constant 0 : i32
        %dma_start3A_129 = tpu.memref_slice %arg6[%dma_start3A_122, %dma_start3A_128] : memref<2x80xi32, #tpu.memory_space<vmem>> -> memref<1x80xi32, #tpu.memory_space<vmem>>
        %dma_start3A_130 = tpu.memref_squeeze %dma_start3A_129 : memref<1x80xi32, #tpu.memory_space<vmem>> -> memref<80xi32, #tpu.memory_space<vmem>>
        %dma_start3A_131 = arith.constant 0 : i32
        %dma_start3A_132 = arith.constant 0 : i32
        %dma_start3A_133 = tpu.memref_slice %arg2[%dma_start3A_131, %dma_start3A_132] : memref<100000x64xf32, #tpu.memory_space<hbm>> -> memref<100000x64xf32, #tpu.memory_space<hbm>>
        tpu.enqueue_indirect_dma source(%dma_start3A_133 : memref<100000x64xf32, #tpu.memory_space<hbm>>) target(%dma_start3A_127 : memref<80x64xf32, #tpu.memory_space<vmem>>) offsets(%dma_start3A_130 : memref<80xi32, #tpu.memory_space<vmem>>) semaphore(%arg12 : memref<!tpu.dma_semaphore, #tpu.memory_space<semaphore_mem>>)
        %dma_start3A_134 = arith.constant 1 : i32
        %dma_start3A_135 = arith.constant 1 : i32
        %dma_start3A_136 = arith.constant 0 : i32
        %dma_start3A_137 = arith.constant 0 : i32
        %dma_start3A_138 = tpu.memref_slice %arg10[%dma_start3A_135, %dma_start3A_136, %dma_start3A_137] : memref<2x80x64xf32, #tpu.memory_space<vmem>> -> memref<1x80x64xf32, #tpu.memory_space<vmem>>
        %dma_start3A_139 = tpu.memref_squeeze %dma_start3A_138 : memref<1x80x64xf32, #tpu.memory_space<vmem>> -> memref<80x64xf32, #tpu.memory_space<vmem>>
        %dma_start3A_140 = arith.constant 0 : i32
        %dma_start3A_141 = tpu.memref_slice %arg7[%dma_start3A_134, %dma_start3A_140] : memref<2x80xi32, #tpu.memory_space<vmem>> -> memref<1x80xi32, #tpu.memory_space<vmem>>
        %dma_start3A_142 = tpu.memref_squeeze %dma_start3A_141 : memref<1x80xi32, #tpu.memory_space<vmem>> -> memref<80xi32, #tpu.memory_space<vmem>>
        %dma_start3A_143 = arith.constant 0 : i32
        %dma_start3A_144 = arith.constant 0 : i32
        %dma_start3A_145 = tpu.memref_slice %arg2[%dma_start3A_143, %dma_start3A_144] : memref<100000x64xf32, #tpu.memory_space<hbm>> -> memref<100000x64xf32, #tpu.memory_space<hbm>>
        tpu.enqueue_indirect_dma source(%dma_start3A_145 : memref<100000x64xf32, #tpu.memory_space<hbm>>) target(%dma_start3A_139 : memref<80x64xf32, #tpu.memory_space<vmem>>) offsets(%dma_start3A_142 : memref<80xi32, #tpu.memory_space<vmem>>) semaphore(%arg12 : memref<!tpu.dma_semaphore, #tpu.memory_space<semaphore_mem>>)
      } else {
      }
      %lt3A_86 = arith.constant 1250 : i32
      %lt3A_87 = arith.cmpi slt, %add3A_79, %lt3A_86 : i32
      %convert_element_type3A_88 = arith.extui %lt3A_87 : i1 to i32
      %cond3A_89 = arith.constant 0 : i32
      %cond3A_90 = arith.cmpi ne, %convert_element_type3A_88, %cond3A_89 : i32
      scf.if %cond3A_90 {
        %dma_wait3A_101 = arith.constant 0 : i32
        %dma_wait3A_102 = arith.constant 0 : i32
        %dma_wait3A_103 = arith.constant 0 : i32
        %dma_wait3A_104 = tpu.memref_slice %arg8[%dma_wait3A_101, %dma_wait3A_102, %dma_wait3A_103] : memref<2x80x64xf32, #tpu.memory_space<vmem>> -> memref<1x80x64xf32, #tpu.memory_space<vmem>>
        %dma_wait3A_105 = tpu.memref_squeeze %dma_wait3A_104 : memref<1x80x64xf32, #tpu.memory_space<vmem>> -> memref<80x64xf32, #tpu.memory_space<vmem>>
        %dma_wait3A_106 = arith.constant 0 : i32
        %dma_wait3A_107 = arith.constant 0 : i32
        %dma_wait3A_108 = tpu.memref_slice %arg2[%dma_wait3A_106, %dma_wait3A_107] : memref<100000x64xf32, #tpu.memory_space<hbm>> -> memref<80x64xf32, #tpu.memory_space<hbm>>
        %dma_wait3A_109 = arith.constant 0 : i32
        %dma_wait3A_110 = arith.constant 0 : i32
        %dma_wait3A_111 = tpu.memref_slice %arg8[%dma_wait3A_101, %dma_wait3A_109, %dma_wait3A_110] : memref<2x80x64xf32, #tpu.memory_space<vmem>> -> memref<1x80x64xf32, #tpu.memory_space<vmem>>
        %dma_wait3A_112 = tpu.memref_squeeze %dma_wait3A_111 : memref<1x80x64xf32, #tpu.memory_space<vmem>> -> memref<80x64xf32, #tpu.memory_space<vmem>>
        %dma_wait3A_113 = arith.constant 0 : i32
        %dma_wait3A_114 = arith.constant 0 : i32
        %dma_wait3A_115 = tpu.memref_slice %arg2[%dma_wait3A_113, %dma_wait3A_114] : memref<100000x64xf32, #tpu.memory_space<hbm>> -> memref<80x64xf32, #tpu.memory_space<hbm>>
        tpu.wait_dma2 semaphore(%arg11 : memref<!tpu.dma_semaphore, #tpu.memory_space<semaphore_mem>>) src(%dma_wait3A_115 : memref<80x64xf32, #tpu.memory_space<hbm>>) dst(%dma_wait3A_112 : memref<80x64xf32, #tpu.memory_space<vmem>>)
        %dma_wait3A_116 = arith.constant 0 : i32
        %dma_wait3A_117 = arith.constant 0 : i32
        %dma_wait3A_118 = arith.constant 0 : i32
        %dma_wait3A_119 = tpu.memref_slice %arg9[%dma_wait3A_116, %dma_wait3A_117, %dma_wait3A_118] : memref<2x80x64xf32, #tpu.memory_space<vmem>> -> memref<1x80x64xf32, #tpu.memory_space<vmem>>
        %dma_wait3A_120 = tpu.memref_squeeze %dma_wait3A_119 : memref<1x80x64xf32, #tpu.memory_space<vmem>> -> memref<80x64xf32, #tpu.memory_space<vmem>>
        %dma_wait3A_121 = arith.constant 0 : i32
        %dma_wait3A_122 = arith.constant 0 : i32
        %dma_wait3A_123 = tpu.memref_slice %arg2[%dma_wait3A_121, %dma_wait3A_122] : memref<100000x64xf32, #tpu.memory_space<hbm>> -> memref<80x64xf32, #tpu.memory_space<hbm>>
        %dma_wait3A_124 = arith.constant 0 : i32
        %dma_wait3A_125 = arith.constant 0 : i32
        %dma_wait3A_126 = tpu.memref_slice %arg9[%dma_wait3A_116, %dma_wait3A_124, %dma_wait3A_125] : memref<2x80x64xf32, #tpu.memory_space<vmem>> -> memref<1x80x64xf32, #tpu.memory_space<vmem>>
        %dma_wait3A_127 = tpu.memref_squeeze %dma_wait3A_126 : memref<1x80x64xf32, #tpu.memory_space<vmem>> -> memref<80x64xf32, #tpu.memory_space<vmem>>
        %dma_wait3A_128 = arith.constant 0 : i32
        %dma_wait3A_129 = arith.constant 0 : i32
        %dma_wait3A_130 = tpu.memref_slice %arg2[%dma_wait3A_128, %dma_wait3A_129] : memref<100000x64xf32, #tpu.memory_space<hbm>> -> memref<80x64xf32, #tpu.memory_space<hbm>>
        tpu.wait_dma2 semaphore(%arg11 : memref<!tpu.dma_semaphore, #tpu.memory_space<semaphore_mem>>) src(%dma_wait3A_130 : memref<80x64xf32, #tpu.memory_space<hbm>>) dst(%dma_wait3A_127 : memref<80x64xf32, #tpu.memory_space<vmem>>)
        %dma_wait3A_131 = arith.constant 0 : i32
        %dma_wait3A_132 = arith.constant 0 : i32
        %dma_wait3A_133 = arith.constant 0 : i32
        %dma_wait3A_134 = tpu.memref_slice %arg10[%dma_wait3A_131, %dma_wait3A_132, %dma_wait3A_133] : memref<2x80x64xf32, #tpu.memory_space<vmem>> -> memref<1x80x64xf32, #tpu.memory_space<vmem>>
        %dma_wait3A_135 = tpu.memref_squeeze %dma_wait3A_134 : memref<1x80x64xf32, #tpu.memory_space<vmem>> -> memref<80x64xf32, #tpu.memory_space<vmem>>
        %dma_wait3A_136 = arith.constant 0 : i32
        %dma_wait3A_137 = arith.constant 0 : i32
        %dma_wait3A_138 = tpu.memref_slice %arg2[%dma_wait3A_136, %dma_wait3A_137] : memref<100000x64xf32, #tpu.memory_space<hbm>> -> memref<80x64xf32, #tpu.memory_space<hbm>>
        %dma_wait3A_139 = arith.constant 0 : i32
        %dma_wait3A_140 = arith.constant 0 : i32
        %dma_wait3A_141 = tpu.memref_slice %arg10[%dma_wait3A_131, %dma_wait3A_139, %dma_wait3A_140] : memref<2x80x64xf32, #tpu.memory_space<vmem>> -> memref<1x80x64xf32, #tpu.memory_space<vmem>>
        %dma_wait3A_142 = tpu.memref_squeeze %dma_wait3A_141 : memref<1x80x64xf32, #tpu.memory_space<vmem>> -> memref<80x64xf32, #tpu.memory_space<vmem>>
        %dma_wait3A_143 = arith.constant 0 : i32
        %dma_wait3A_144 = arith.constant 0 : i32
        %dma_wait3A_145 = tpu.memref_slice %arg2[%dma_wait3A_143, %dma_wait3A_144] : memref<100000x64xf32, #tpu.memory_space<hbm>> -> memref<80x64xf32, #tpu.memory_space<hbm>>
        tpu.wait_dma2 semaphore(%arg11 : memref<!tpu.dma_semaphore, #tpu.memory_space<semaphore_mem>>) src(%dma_wait3A_145 : memref<80x64xf32, #tpu.memory_space<hbm>>) dst(%dma_wait3A_142 : memref<80x64xf32, #tpu.memory_space<vmem>>)
        %scan3A_146 = arith.constant 0 : i32
        %scan3A_147 = arith.constant 0 : i32
        %scan3A_148 = arith.constant 40 : i32
        %scan3A_149 = arith.addi %scan3A_147, %scan3A_148 : i32
        %scan3A_150 = arith.constant 1 : i32
        scf.for %scan3A_167 = %scan3A_147 to %scan3A_149 step %scan3A_150  : i32 {
          %mul3A_168 = arith.constant 2 : i32
          %mul3A_169 = arith.muli %mul3A_168, %scan3A_167 : i32
          %add3A_170 = arith.constant 0 : i32
          %add3A_171 = arith.addi %mul3A_169, %add3A_170 : i32
          %get3A = arith.constant 0 : i32
          %get3A_172 = arith.index_cast %get3A : i32 to index
          %get3A_173 = arith.index_cast %add3A_171 : i32 to index
          %get3A_174 = arith.constant 0 : index
          %get3A_175 = tpu.vector_load %arg8[%get3A_172, %get3A_173, %get3A_174] {strides = array<i32>} : memref<2x80x64xf32, #tpu.memory_space<vmem>>, vector<1x1x16xf32>,
          %get3A_176 = vector.shape_cast %get3A_175 : vector<1x1x16xf32> to vector<16xf32>
          %mul3A_177 = arith.constant 2 : i32
          %mul3A_178 = arith.muli %mul3A_177, %scan3A_167 : i32
          %add3A_179 = arith.constant 0 : i32
          %add3A_180 = arith.addi %mul3A_178, %add3A_179 : i32
          %get3A_181 = arith.constant 0 : i32
          %get3A_182 = arith.index_cast %get3A_181 : i32 to index
          %get3A_183 = arith.index_cast %add3A_180 : i32 to index
          %get3A_184 = arith.constant 0 : index
          %get3A_185 = tpu.vector_load %arg9[%get3A_182, %get3A_183, %get3A_184] {strides = array<i32>} : memref<2x80x64xf32, #tpu.memory_space<vmem>>, vector<1x1x16xf32>,
          %get3A_186 = vector.shape_cast %get3A_185 : vector<1x1x16xf32> to vector<16xf32>
          %add3A_187 = arith.addf %get3A_176, %get3A_186 : vector<16xf32>
          %mul3A_188 = arith.constant 2 : i32
          %mul3A_189 = arith.muli %mul3A_188, %scan3A_167 : i32
          %add3A_190 = arith.constant 0 : i32
          %add3A_191 = arith.addi %mul3A_189, %add3A_190 : i32
          %get3A_192 = arith.constant 0 : i32
          %get3A_193 = arith.index_cast %get3A_192 : i32 to index
          %get3A_194 = arith.index_cast %add3A_191 : i32 to index
          %get3A_195 = arith.constant 0 : index
          %get3A_196 = tpu.vector_load %arg10[%get3A_193, %get3A_194, %get3A_195] {strides = array<i32>} : memref<2x80x64xf32, #tpu.memory_space<vmem>>, vector<1x1x16xf32>,
          %get3A_197 = vector.shape_cast %get3A_196 : vector<1x1x16xf32> to vector<16xf32>
          %add3A_198 = arith.addf %add3A_187, %get3A_197 : vector<16xf32>
          %mul3A_199 = arith.constant 2 : i32
          %mul3A_200 = arith.muli %mul3A_199, %scan3A_167 : i32
          %add3A_201 = arith.constant 0 : i32
          %add3A_202 = arith.addi %mul3A_200, %add3A_201 : i32
          %swap3A = arith.constant 0 : i32
          %swap3A_203 = arith.index_cast %swap3A : i32 to index
          %swap3A_204 = arith.index_cast %add3A_202 : i32 to index
          %swap3A_205 = arith.constant 0 : index
          %swap3A_206 = tpu.vector_load %arg8[%swap3A_203, %swap3A_204, %swap3A_205] {strides = array<i32>} : memref<2x80x64xf32, #tpu.memory_space<vmem>>, vector<1x1x16xf32>,
          %swap3A_207 = vector.shape_cast %swap3A_206 : vector<1x1x16xf32> to vector<16xf32>
          %swap3A_208 = vector.shape_cast %add3A_198 : vector<16xf32> to vector<1x1x16xf32>
          tpu.vector_store %arg8[%swap3A_203, %swap3A_204, %swap3A_205], %swap3A_208 {strides = array<i32>} : memref<2x80x64xf32, #tpu.memory_space<vmem>>, vector<1x1x16xf32>,
          %mul3A_209 = arith.constant 2 : i32
          %mul3A_210 = arith.muli %mul3A_209, %scan3A_167 : i32
          %add3A_211 = arith.constant 0 : i32
          %add3A_212 = arith.addi %mul3A_210, %add3A_211 : i32
          %get3A_213 = arith.constant 0 : i32
          %get3A_214 = arith.index_cast %get3A_213 : i32 to index
          %get3A_215 = arith.index_cast %add3A_212 : i32 to index
          %get3A_216 = arith.constant 16 : index
          %get3A_217 = tpu.vector_load %arg8[%get3A_214, %get3A_215, %get3A_216] {strides = array<i32>} : memref<2x80x64xf32, #tpu.memory_space<vmem>>, vector<1x1x16xf32>,
          %get3A_218 = vector.shape_cast %get3A_217 : vector<1x1x16xf32> to vector<16xf32>
          %mul3A_219 = arith.constant 2 : i32
          %mul3A_220 = arith.muli %mul3A_219, %scan3A_167 : i32
          %add3A_221 = arith.constant 0 : i32
          %add3A_222 = arith.addi %mul3A_220, %add3A_221 : i32
          %get3A_223 = arith.constant 0 : i32
          %get3A_224 = arith.index_cast %get3A_223 : i32 to index
          %get3A_225 = arith.index_cast %add3A_222 : i32 to index
          %get3A_226 = arith.constant 16 : index
          %get3A_227 = tpu.vector_load %arg9[%get3A_224, %get3A_225, %get3A_226] {strides = array<i32>} : memref<2x80x64xf32, #tpu.memory_space<vmem>>, vector<1x1x16xf32>,
          %get3A_228 = vector.shape_cast %get3A_227 : vector<1x1x16xf32> to vector<16xf32>
          %add3A_229 = arith.addf %get3A_218, %get3A_228 : vector<16xf32>
          %mul3A_230 = arith.constant 2 : i32
          %mul3A_231 = arith.muli %mul3A_230, %scan3A_167 : i32
          %add3A_232 = arith.constant 0 : i32
          %add3A_233 = arith.addi %mul3A_231, %add3A_232 : i32
          %get3A_234 = arith.constant 0 : i32
          %get3A_235 = arith.index_cast %get3A_234 : i32 to index
          %get3A_236 = arith.index_cast %add3A_233 : i32 to index
          %get3A_237 = arith.constant 16 : index
          %get3A_238 = tpu.vector_load %arg10[%get3A_235, %get3A_236, %get3A_237] {strides = array<i32>} : memref<2x80x64xf32, #tpu.memory_space<vmem>>, vector<1x1x16xf32>,
          %get3A_239 = vector.shape_cast %get3A_238 : vector<1x1x16xf32> to vector<16xf32>
          %add3A_240 = arith.addf %add3A_229, %get3A_239 : vector<16xf32>
          %mul3A_241 = arith.constant 2 : i32
          %mul3A_242 = arith.muli %mul3A_241, %scan3A_167 : i32
          %add3A_243 = arith.constant 0 : i32
          %add3A_244 = arith.addi %mul3A_242, %add3A_243 : i32
          %swap3A_245 = arith.constant 0 : i32
          %swap3A_246 = arith.index_cast %swap3A_245 : i32 to index
          %swap3A_247 = arith.index_cast %add3A_244 : i32 to index
          %swap3A_248 = arith.constant 16 : index
          %swap3A_249 = tpu.vector_load %arg8[%swap3A_246, %swap3A_247, %swap3A_248] {strides = array<i32>} : memref<2x80x64xf32, #tpu.memory_space<vmem>>, vector<1x1x16xf32>,
          %swap3A_250 = vector.shape_cast %swap3A_249 : vector<1x1x16xf32> to vector<16xf32>
          %swap3A_251 = vector.shape_cast %add3A_240 : vector<16xf32> to vector<1x1x16xf32>
          tpu.vector_store %arg8[%swap3A_246, %swap3A_247, %swap3A_248], %swap3A_251 {strides = array<i32>} : memref<2x80x64xf32, #tpu.memory_space<vmem>>, vector<1x1x16xf32>,
          %mul3A_252 = arith.constant 2 : i32
          %mul3A_253 = arith.muli %mul3A_252, %scan3A_167 : i32
          %add3A_254 = arith.constant 0 : i32
          %add3A_255 = arith.addi %mul3A_253, %add3A_254 : i32
          %get3A_256 = arith.constant 0 : i32
          %get3A_257 = arith.index_cast %get3A_256 : i32 to index
          %get3A_258 = arith.index_cast %add3A_255 : i32 to index
          %get3A_259 = arith.constant 32 : index
          %get3A_260 = tpu.vector_load %arg8[%get3A_257, %get3A_258, %get3A_259] {strides = array<i32>} : memref<2x80x64xf32, #tpu.memory_space<vmem>>, vector<1x1x16xf32>,
          %get3A_261 = vector.shape_cast %get3A_260 : vector<1x1x16xf32> to vector<16xf32>
          %mul3A_262 = arith.constant 2 : i32
          %mul3A_263 = arith.muli %mul3A_262, %scan3A_167 : i32
          %add3A_264 = arith.constant 0 : i32
          %add3A_265 = arith.addi %mul3A_263, %add3A_264 : i32
          %get3A_266 = arith.constant 0 : i32
          %get3A_267 = arith.index_cast %get3A_266 : i32 to index
          %get3A_268 = arith.index_cast %add3A_265 : i32 to index
          %get3A_269 = arith.constant 32 : index
          %get3A_270 = tpu.vector_load %arg9[%get3A_267, %get3A_268, %get3A_269] {strides = array<i32>} : memref<2x80x64xf32, #tpu.memory_space<vmem>>, vector<1x1x16xf32>,
          %get3A_271 = vector.shape_cast %get3A_270 : vector<1x1x16xf32> to vector<16xf32>
          %add3A_272 = arith.addf %get3A_261, %get3A_271 : vector<16xf32>
          %mul3A_273 = arith.constant 2 : i32
          %mul3A_274 = arith.muli %mul3A_273, %scan3A_167 : i32
          %add3A_275 = arith.constant 0 : i32
          %add3A_276 = arith.addi %mul3A_274, %add3A_275 : i32
          %get3A_277 = arith.constant 0 : i32
          %get3A_278 = arith.index_cast %get3A_277 : i32 to index
          %get3A_279 = arith.index_cast %add3A_276 : i32 to index
          %get3A_280 = arith.constant 32 : index
          %get3A_281 = tpu.vector_load %arg10[%get3A_278, %get3A_279, %get3A_280] {strides = array<i32>} : memref<2x80x64xf32, #tpu.memory_space<vmem>>, vector<1x1x16xf32>,
          %get3A_282 = vector.shape_cast %get3A_281 : vector<1x1x16xf32> to vector<16xf32>
          %add3A_283 = arith.addf %add3A_272, %get3A_282 : vector<16xf32>
          %mul3A_284 = arith.constant 2 : i32
          %mul3A_285 = arith.muli %mul3A_284, %scan3A_167 : i32
          %add3A_286 = arith.constant 0 : i32
          %add3A_287 = arith.addi %mul3A_285, %add3A_286 : i32
          %swap3A_288 = arith.constant 0 : i32
          %swap3A_289 = arith.index_cast %swap3A_288 : i32 to index
          %swap3A_290 = arith.index_cast %add3A_287 : i32 to index
          %swap3A_291 = arith.constant 32 : index
          %swap3A_292 = tpu.vector_load %arg8[%swap3A_289, %swap3A_290, %swap3A_291] {strides = array<i32>} : memref<2x80x64xf32, #tpu.memory_space<vmem>>, vector<1x1x16xf32>,
          %swap3A_293 = vector.shape_cast %swap3A_292 : vector<1x1x16xf32> to vector<16xf32>
          %swap3A_294 = vector.shape_cast %add3A_283 : vector<16xf32> to vector<1x1x16xf32>
          tpu.vector_store %arg8[%swap3A_289, %swap3A_290, %swap3A_291], %swap3A_294 {strides = array<i32>} : memref<2x80x64xf32, #tpu.memory_space<vmem>>, vector<1x1x16xf32>,
          %mul3A_295 = arith.constant 2 : i32
          %mul3A_296 = arith.muli %mul3A_295, %scan3A_167 : i32
          %add3A_297 = arith.constant 0 : i32
          %add3A_298 = arith.addi %mul3A_296, %add3A_297 : i32
          %get3A_299 = arith.constant 0 : i32
          %get3A_300 = arith.index_cast %get3A_299 : i32 to index
          %get3A_301 = arith.index_cast %add3A_298 : i32 to index
          %get3A_302 = arith.constant 48 : index
          %get3A_303 = tpu.vector_load %arg8[%get3A_300, %get3A_301, %get3A_302] {strides = array<i32>} : memref<2x80x64xf32, #tpu.memory_space<vmem>>, vector<1x1x16xf32>,
          %get3A_304 = vector.shape_cast %get3A_303 : vector<1x1x16xf32> to vector<16xf32>
          %mul3A_305 = arith.constant 2 : i32
          %mul3A_306 = arith.muli %mul3A_305, %scan3A_167 : i32
          %add3A_307 = arith.constant 0 : i32
          %add3A_308 = arith.addi %mul3A_306, %add3A_307 : i32
          %get3A_309 = arith.constant 0 : i32
          %get3A_310 = arith.index_cast %get3A_309 : i32 to index
          %get3A_311 = arith.index_cast %add3A_308 : i32 to index
          %get3A_312 = arith.constant 48 : index
          %get3A_313 = tpu.vector_load %arg9[%get3A_310, %get3A_311, %get3A_312] {strides = array<i32>} : memref<2x80x64xf32, #tpu.memory_space<vmem>>, vector<1x1x16xf32>,
          %get3A_314 = vector.shape_cast %get3A_313 : vector<1x1x16xf32> to vector<16xf32>
          %add3A_315 = arith.addf %get3A_304, %get3A_314 : vector<16xf32>
          %mul3A_316 = arith.constant 2 : i32
          %mul3A_317 = arith.muli %mul3A_316, %scan3A_167 : i32
          %add3A_318 = arith.constant 0 : i32
          %add3A_319 = arith.addi %mul3A_317, %add3A_318 : i32
          %get3A_320 = arith.constant 0 : i32
          %get3A_321 = arith.index_cast %get3A_320 : i32 to index
          %get3A_322 = arith.index_cast %add3A_319 : i32 to index
          %get3A_323 = arith.constant 48 : index
          %get3A_324 = tpu.vector_load %arg10[%get3A_321, %get3A_322, %get3A_323] {strides = array<i32>} : memref<2x80x64xf32, #tpu.memory_space<vmem>>, vector<1x1x16xf32>,
          %get3A_325 = vector.shape_cast %get3A_324 : vector<1x1x16xf32> to vector<16xf32>
          %add3A_326 = arith.addf %add3A_315, %get3A_325 : vector<16xf32>
          %mul3A_327 = arith.constant 2 : i32
          %mul3A_328 = arith.muli %mul3A_327, %scan3A_167 : i32
          %add3A_329 = arith.constant 0 : i32
          %add3A_330 = arith.addi %mul3A_328, %add3A_329 : i32
          %swap3A_331 = arith.constant 0 : i32
          %swap3A_332 = arith.index_cast %swap3A_331 : i32 to index
          %swap3A_333 = arith.index_cast %add3A_330 : i32 to index
          %swap3A_334 = arith.constant 48 : index
          %swap3A_335 = tpu.vector_load %arg8[%swap3A_332, %swap3A_333, %swap3A_334] {strides = array<i32>} : memref<2x80x64xf32, #tpu.memory_space<vmem>>, vector<1x1x16xf32>,
          %swap3A_336 = vector.shape_cast %swap3A_335 : vector<1x1x16xf32> to vector<16xf32>
          %swap3A_337 = vector.shape_cast %add3A_326 : vector<16xf32> to vector<1x1x16xf32>
          tpu.vector_store %arg8[%swap3A_332, %swap3A_333, %swap3A_334], %swap3A_337 {strides = array<i32>} : memref<2x80x64xf32, #tpu.memory_space<vmem>>, vector<1x1x16xf32>,
          %mul3A_338 = arith.constant 2 : i32
          %mul3A_339 = arith.muli %mul3A_338, %scan3A_167 : i32
          %add3A_340 = arith.constant 1 : i32
          %add3A_341 = arith.addi %mul3A_339, %add3A_340 : i32
          %get3A_342 = arith.constant 0 : i32
          %get3A_343 = arith.index_cast %get3A_342 : i32 to index
          %get3A_344 = arith.index_cast %add3A_341 : i32 to index
          %get3A_345 = arith.constant 0 : index
          %get3A_346 = tpu.vector_load %arg8[%get3A_343, %get3A_344, %get3A_345] {strides = array<i32>} : memref<2x80x64xf32, #tpu.memory_space<vmem>>, vector<1x1x16xf32>,
          %get3A_347 = vector.shape_cast %get3A_346 : vector<1x1x16xf32> to vector<16xf32>
          %mul3A_348 = arith.constant 2 : i32
          %mul3A_349 = arith.muli %mul3A_348, %scan3A_167 : i32
          %add3A_350 = arith.constant 1 : i32
          %add3A_351 = arith.addi %mul3A_349, %add3A_350 : i32
          %get3A_352 = arith.constant 0 : i32
          %get3A_353 = arith.index_cast %get3A_352 : i32 to index
          %get3A_354 = arith.index_cast %add3A_351 : i32 to index
          %get3A_355 = arith.constant 0 : index
          %get3A_356 = tpu.vector_load %arg9[%get3A_353, %get3A_354, %get3A_355] {strides = array<i32>} : memref<2x80x64xf32, #tpu.memory_space<vmem>>, vector<1x1x16xf32>,
          %get3A_357 = vector.shape_cast %get3A_356 : vector<1x1x16xf32> to vector<16xf32>
          %add3A_358 = arith.addf %get3A_347, %get3A_357 : vector<16xf32>
          %mul3A_359 = arith.constant 2 : i32
          %mul3A_360 = arith.muli %mul3A_359, %scan3A_167 : i32
          %add3A_361 = arith.constant 1 : i32
          %add3A_362 = arith.addi %mul3A_360, %add3A_361 : i32
          %get3A_363 = arith.constant 0 : i32
          %get3A_364 = arith.index_cast %get3A_363 : i32 to index
          %get3A_365 = arith.index_cast %add3A_362 : i32 to index
          %get3A_366 = arith.constant 0 : index
          %get3A_367 = tpu.vector_load %arg10[%get3A_364, %get3A_365, %get3A_366] {strides = array<i32>} : memref<2x80x64xf32, #tpu.memory_space<vmem>>, vector<1x1x16xf32>,
          %get3A_368 = vector.shape_cast %get3A_367 : vector<1x1x16xf32> to vector<16xf32>
          %add3A_369 = arith.addf %add3A_358, %get3A_368 : vector<16xf32>
          %mul3A_370 = arith.constant 2 : i32
          %mul3A_371 = arith.muli %mul3A_370, %scan3A_167 : i32
          %add3A_372 = arith.constant 1 : i32
          %add3A_373 = arith.addi %mul3A_371, %add3A_372 : i32
          %swap3A_374 = arith.constant 0 : i32
          %swap3A_375 = arith.index_cast %swap3A_374 : i32 to index
          %swap3A_376 = arith.index_cast %add3A_373 : i32 to index
          %swap3A_377 = arith.constant 0 : index
          %swap3A_378 = tpu.vector_load %arg8[%swap3A_375, %swap3A_376, %swap3A_377] {strides = array<i32>} : memref<2x80x64xf32, #tpu.memory_space<vmem>>, vector<1x1x16xf32>,
          %swap3A_379 = vector.shape_cast %swap3A_378 : vector<1x1x16xf32> to vector<16xf32>
          %swap3A_380 = vector.shape_cast %add3A_369 : vector<16xf32> to vector<1x1x16xf32>
          tpu.vector_store %arg8[%swap3A_375, %swap3A_376, %swap3A_377], %swap3A_380 {strides = array<i32>} : memref<2x80x64xf32, #tpu.memory_space<vmem>>, vector<1x1x16xf32>,
          %mul3A_381 = arith.constant 2 : i32
          %mul3A_382 = arith.muli %mul3A_381, %scan3A_167 : i32
          %add3A_383 = arith.constant 1 : i32
          %add3A_384 = arith.addi %mul3A_382, %add3A_383 : i32
          %get3A_385 = arith.constant 0 : i32
          %get3A_386 = arith.index_cast %get3A_385 : i32 to index
          %get3A_387 = arith.index_cast %add3A_384 : i32 to index
          %get3A_388 = arith.constant 16 : index
          %get3A_389 = tpu.vector_load %arg8[%get3A_386, %get3A_387, %get3A_388] {strides = array<i32>} : memref<2x80x64xf32, #tpu.memory_space<vmem>>, vector<1x1x16xf32>,
          %get3A_390 = vector.shape_cast %get3A_389 : vector<1x1x16xf32> to vector<16xf32>
          %mul3A_391 = arith.constant 2 : i32
          %mul3A_392 = arith.muli %mul3A_391, %scan3A_167 : i32
          %add3A_393 = arith.constant 1 : i32
          %add3A_394 = arith.addi %mul3A_392, %add3A_393 : i32
          %get3A_395 = arith.constant 0 : i32
          %get3A_396 = arith.index_cast %get3A_395 : i32 to index
          %get3A_397 = arith.index_cast %add3A_394 : i32 to index
          %get3A_398 = arith.constant 16 : index
          %get3A_399 = tpu.vector_load %arg9[%get3A_396, %get3A_397, %get3A_398] {strides = array<i32>} : memref<2x80x64xf32, #tpu.memory_space<vmem>>, vector<1x1x16xf32>,
          %get3A_400 = vector.shape_cast %get3A_399 : vector<1x1x16xf32> to vector<16xf32>
          %add3A_401 = arith.addf %get3A_390, %get3A_400 : vector<16xf32>
          %mul3A_402 = arith.constant 2 : i32
          %mul3A_403 = arith.muli %mul3A_402, %scan3A_167 : i32
          %add3A_404 = arith.constant 1 : i32
          %add3A_405 = arith.addi %mul3A_403, %add3A_404 : i32
          %get3A_406 = arith.constant 0 : i32
          %get3A_407 = arith.index_cast %get3A_406 : i32 to index
          %get3A_408 = arith.index_cast %add3A_405 : i32 to index
          %get3A_409 = arith.constant 16 : index
          %get3A_410 = tpu.vector_load %arg10[%get3A_407, %get3A_408, %get3A_409] {strides = array<i32>} : memref<2x80x64xf32, #tpu.memory_space<vmem>>, vector<1x1x16xf32>,
          %get3A_411 = vector.shape_cast %get3A_410 : vector<1x1x16xf32> to vector<16xf32>
          %add3A_412 = arith.addf %add3A_401, %get3A_411 : vector<16xf32>
          %mul3A_413 = arith.constant 2 : i32
          %mul3A_414 = arith.muli %mul3A_413, %scan3A_167 : i32
          %add3A_415 = arith.constant 1 : i32
          %add3A_416 = arith.addi %mul3A_414, %add3A_415 : i32
          %swap3A_417 = arith.constant 0 : i32
          %swap3A_418 = arith.index_cast %swap3A_417 : i32 to index
          %swap3A_419 = arith.index_cast %add3A_416 : i32 to index
          %swap3A_420 = arith.constant 16 : index
          %swap3A_421 = tpu.vector_load %arg8[%swap3A_418, %swap3A_419, %swap3A_420] {strides = array<i32>} : memref<2x80x64xf32, #tpu.memory_space<vmem>>, vector<1x1x16xf32>,
          %swap3A_422 = vector.shape_cast %swap3A_421 : vector<1x1x16xf32> to vector<16xf32>
          %swap3A_423 = vector.shape_cast %add3A_412 : vector<16xf32> to vector<1x1x16xf32>
          tpu.vector_store %arg8[%swap3A_418, %swap3A_419, %swap3A_420], %swap3A_423 {strides = array<i32>} : memref<2x80x64xf32, #tpu.memory_space<vmem>>, vector<1x1x16xf32>,
          %mul3A_424 = arith.constant 2 : i32
          %mul3A_425 = arith.muli %mul3A_424, %scan3A_167 : i32
          %add3A_426 = arith.constant 1 : i32
          %add3A_427 = arith.addi %mul3A_425, %add3A_426 : i32
          %get3A_428 = arith.constant 0 : i32
          %get3A_429 = arith.index_cast %get3A_428 : i32 to index
          %get3A_430 = arith.index_cast %add3A_427 : i32 to index
          %get3A_431 = arith.constant 32 : index
          %get3A_432 = tpu.vector_load %arg8[%get3A_429, %get3A_430, %get3A_431] {strides = array<i32>} : memref<2x80x64xf32, #tpu.memory_space<vmem>>, vector<1x1x16xf32>,
          %get3A_433 = vector.shape_cast %get3A_432 : vector<1x1x16xf32> to vector<16xf32>
          %mul3A_434 = arith.constant 2 : i32
          %mul3A_435 = arith.muli %mul3A_434, %scan3A_167 : i32
          %add3A_436 = arith.constant 1 : i32
          %add3A_437 = arith.addi %mul3A_435, %add3A_436 : i32
          %get3A_438 = arith.constant 0 : i32
          %get3A_439 = arith.index_cast %get3A_438 : i32 to index
          %get3A_440 = arith.index_cast %add3A_437 : i32 to index
          %get3A_441 = arith.constant 32 : index
          %get3A_442 = tpu.vector_load %arg9[%get3A_439, %get3A_440, %get3A_441] {strides = array<i32>} : memref<2x80x64xf32, #tpu.memory_space<vmem>>, vector<1x1x16xf32>,
          %get3A_443 = vector.shape_cast %get3A_442 : vector<1x1x16xf32> to vector<16xf32>
          %add3A_444 = arith.addf %get3A_433, %get3A_443 : vector<16xf32>
          %mul3A_445 = arith.constant 2 : i32
          %mul3A_446 = arith.muli %mul3A_445, %scan3A_167 : i32
          %add3A_447 = arith.constant 1 : i32
          %add3A_448 = arith.addi %mul3A_446, %add3A_447 : i32
          %get3A_449 = arith.constant 0 : i32
          %get3A_450 = arith.index_cast %get3A_449 : i32 to index
          %get3A_451 = arith.index_cast %add3A_448 : i32 to index
          %get3A_452 = arith.constant 32 : index
          %get3A_453 = tpu.vector_load %arg10[%get3A_450, %get3A_451, %get3A_452] {strides = array<i32>} : memref<2x80x64xf32, #tpu.memory_space<vmem>>, vector<1x1x16xf32>,
          %get3A_454 = vector.shape_cast %get3A_453 : vector<1x1x16xf32> to vector<16xf32>
          %add3A_455 = arith.addf %add3A_444, %get3A_454 : vector<16xf32>
          %mul3A_456 = arith.constant 2 : i32
          %mul3A_457 = arith.muli %mul3A_456, %scan3A_167 : i32
          %add3A_458 = arith.constant 1 : i32
          %add3A_459 = arith.addi %mul3A_457, %add3A_458 : i32
          %swap3A_460 = arith.constant 0 : i32
          %swap3A_461 = arith.index_cast %swap3A_460 : i32 to index
          %swap3A_462 = arith.index_cast %add3A_459 : i32 to index
          %swap3A_463 = arith.constant 32 : index
          %swap3A_464 = tpu.vector_load %arg8[%swap3A_461, %swap3A_462, %swap3A_463] {strides = array<i32>} : memref<2x80x64xf32, #tpu.memory_space<vmem>>, vector<1x1x16xf32>,
          %swap3A_465 = vector.shape_cast %swap3A_464 : vector<1x1x16xf32> to vector<16xf32>
          %swap3A_466 = vector.shape_cast %add3A_455 : vector<16xf32> to vector<1x1x16xf32>
          tpu.vector_store %arg8[%swap3A_461, %swap3A_462, %swap3A_463], %swap3A_466 {strides = array<i32>} : memref<2x80x64xf32, #tpu.memory_space<vmem>>, vector<1x1x16xf32>,
          %mul3A_467 = arith.constant 2 : i32
          %mul3A_468 = arith.muli %mul3A_467, %scan3A_167 : i32
          %add3A_469 = arith.constant 1 : i32
          %add3A_470 = arith.addi %mul3A_468, %add3A_469 : i32
          %get3A_471 = arith.constant 0 : i32
          %get3A_472 = arith.index_cast %get3A_471 : i32 to index
          %get3A_473 = arith.index_cast %add3A_470 : i32 to index
          %get3A_474 = arith.constant 48 : index
          %get3A_475 = tpu.vector_load %arg8[%get3A_472, %get3A_473, %get3A_474] {strides = array<i32>} : memref<2x80x64xf32, #tpu.memory_space<vmem>>, vector<1x1x16xf32>,
          %get3A_476 = vector.shape_cast %get3A_475 : vector<1x1x16xf32> to vector<16xf32>
          %mul3A_477 = arith.constant 2 : i32
          %mul3A_478 = arith.muli %mul3A_477, %scan3A_167 : i32
          %add3A_479 = arith.constant 1 : i32
          %add3A_480 = arith.addi %mul3A_478, %add3A_479 : i32
          %get3A_481 = arith.constant 0 : i32
          %get3A_482 = arith.index_cast %get3A_481 : i32 to index
          %get3A_483 = arith.index_cast %add3A_480 : i32 to index
          %get3A_484 = arith.constant 48 : index
          %get3A_485 = tpu.vector_load %arg9[%get3A_482, %get3A_483, %get3A_484] {strides = array<i32>} : memref<2x80x64xf32, #tpu.memory_space<vmem>>, vector<1x1x16xf32>,
          %get3A_486 = vector.shape_cast %get3A_485 : vector<1x1x16xf32> to vector<16xf32>
          %add3A_487 = arith.addf %get3A_476, %get3A_486 : vector<16xf32>
          %mul3A_488 = arith.constant 2 : i32
          %mul3A_489 = arith.muli %mul3A_488, %scan3A_167 : i32
          %add3A_490 = arith.constant 1 : i32
          %add3A_491 = arith.addi %mul3A_489, %add3A_490 : i32
          %get3A_492 = arith.constant 0 : i32
          %get3A_493 = arith.index_cast %get3A_492 : i32 to index
          %get3A_494 = arith.index_cast %add3A_491 : i32 to index
          %get3A_495 = arith.constant 48 : index
          %get3A_496 = tpu.vector_load %arg10[%get3A_493, %get3A_494, %get3A_495] {strides = array<i32>} : memref<2x80x64xf32, #tpu.memory_space<vmem>>, vector<1x1x16xf32>,
          %get3A_497 = vector.shape_cast %get3A_496 : vector<1x1x16xf32> to vector<16xf32>
          %add3A_498 = arith.addf %add3A_487, %get3A_497 : vector<16xf32>
          %mul3A_499 = arith.constant 2 : i32
          %mul3A_500 = arith.muli %mul3A_499, %scan3A_167 : i32
          %add3A_501 = arith.constant 1 : i32
          %add3A_502 = arith.addi %mul3A_500, %add3A_501 : i32
          %swap3A_503 = arith.constant 0 : i32
          %swap3A_504 = arith.index_cast %swap3A_503 : i32 to index
          %swap3A_505 = arith.index_cast %add3A_502 : i32 to index
          %swap3A_506 = arith.constant 48 : index
          %swap3A_507 = tpu.vector_load %arg8[%swap3A_504, %swap3A_505, %swap3A_506] {strides = array<i32>} : memref<2x80x64xf32, #tpu.memory_space<vmem>>, vector<1x1x16xf32>,
          %swap3A_508 = vector.shape_cast %swap3A_507 : vector<1x1x16xf32> to vector<16xf32>
          %swap3A_509 = vector.shape_cast %add3A_498 : vector<16xf32> to vector<1x1x16xf32>
          tpu.vector_store %arg8[%swap3A_504, %swap3A_505, %swap3A_506], %swap3A_509 {strides = array<i32>} : memref<2x80x64xf32, #tpu.memory_space<vmem>>, vector<1x1x16xf32>,
        }
        %scan3A_151 = arith.constant 40 : i32
        %mul3A_152 = arith.constant 80 : i32
        %mul3A_153 = arith.muli %add3A_79, %mul3A_152 : i32
        %dma_start3A_154 = arith.constant 0 : i32
        %dma_start3A_155 = arith.constant 0 : i32
        %dma_start3A_156 = arith.constant 0 : i32
        %dma_start3A_157 = tpu.memref_slice %arg8[%dma_start3A_154, %dma_start3A_155, %dma_start3A_156] : memref<2x80x64xf32, #tpu.memory_space<vmem>> -> memref<1x80x64xf32, #tpu.memory_space<vmem>>
        %dma_start3A_158 = tpu.memref_squeeze %dma_start3A_157 : memref<1x80x64xf32, #tpu.memory_space<vmem>> -> memref<80x64xf32, #tpu.memory_space<vmem>>
        %dma_start3A_159 = arith.constant 0 : i32
        %dma_start3A_160 = tpu.memref_slice %arg5[%mul3A_153, %dma_start3A_159] : memref<100000x64xf32, #tpu.memory_space<hbm>> -> memref<80x64xf32, #tpu.memory_space<hbm>>
        %dma_start3A_161 = arith.constant 0 : i32
        %dma_start3A_162 = tpu.memref_slice %arg5[%mul3A_153, %dma_start3A_161] : memref<100000x64xf32, #tpu.memory_space<hbm>> -> memref<80x64xf32, #tpu.memory_space<hbm>>
        %dma_start3A_163 = arith.constant 0 : i32
        %dma_start3A_164 = arith.constant 0 : i32
        %dma_start3A_165 = tpu.memref_slice %arg8[%dma_start3A_154, %dma_start3A_163, %dma_start3A_164] : memref<2x80x64xf32, #tpu.memory_space<vmem>> -> memref<1x80x64xf32, #tpu.memory_space<vmem>>
        %dma_start3A_166 = tpu.memref_squeeze %dma_start3A_165 : memref<1x80x64xf32, #tpu.memory_space<vmem>> -> memref<80x64xf32, #tpu.memory_space<vmem>>
        tpu.enqueue_dma source(%dma_start3A_166 : memref<80x64xf32, #tpu.memory_space<vmem>>) target(%dma_start3A_162 : memref<80x64xf32, #tpu.memory_space<hbm>>) target_semaphore(%arg13 : memref<!tpu.dma_semaphore, #tpu.memory_space<semaphore_mem>>)
      } else {
      }
      %lt3A_91 = arith.constant 1250 : i32
      %lt3A_92 = arith.cmpi slt, %add3A_83, %lt3A_91 : i32
      %convert_element_type3A_93 = arith.extui %lt3A_92 : i1 to i32
      %cond3A_94 = arith.constant 0 : i32
      %cond3A_95 = arith.cmpi ne, %convert_element_type3A_93, %cond3A_94 : i32
      scf.if %cond3A_95 {
        %dma_wait3A_101 = arith.constant 0 : i32
        %dma_wait3A_102 = arith.constant 0 : i32
        %dma_wait3A_103 = arith.constant 0 : i32
        %dma_wait3A_104 = tpu.memref_slice %arg8[%dma_wait3A_101, %dma_wait3A_102, %dma_wait3A_103] : memref<2x80x64xf32, #tpu.memory_space<vmem>> -> memref<1x80x64xf32, #tpu.memory_space<vmem>>
        %dma_wait3A_105 = tpu.memref_squeeze %dma_wait3A_104 : memref<1x80x64xf32, #tpu.memory_space<vmem>> -> memref<80x64xf32, #tpu.memory_space<vmem>>
        %dma_wait3A_106 = arith.constant 0 : i32
        %dma_wait3A_107 = arith.constant 0 : i32
        %dma_wait3A_108 = tpu.memref_slice %arg5[%dma_wait3A_106, %dma_wait3A_107] : memref<100000x64xf32, #tpu.memory_space<hbm>> -> memref<80x64xf32, #tpu.memory_space<hbm>>
        %dma_wait3A_109 = arith.constant 0 : i32
        %dma_wait3A_110 = arith.constant 0 : i32
        %dma_wait3A_111 = tpu.memref_slice %arg5[%dma_wait3A_109, %dma_wait3A_110] : memref<100000x64xf32, #tpu.memory_space<hbm>> -> memref<80x64xf32, #tpu.memory_space<hbm>>
        %dma_wait3A_112 = arith.constant 0 : i32
        %dma_wait3A_113 = arith.constant 0 : i32
        %dma_wait3A_114 = tpu.memref_slice %arg8[%dma_wait3A_101, %dma_wait3A_112, %dma_wait3A_113] : memref<2x80x64xf32, #tpu.memory_space<vmem>> -> memref<1x80x64xf32, #tpu.memory_space<vmem>>
        %dma_wait3A_115 = tpu.memref_squeeze %dma_wait3A_114 : memref<1x80x64xf32, #tpu.memory_space<vmem>> -> memref<80x64xf32, #tpu.memory_space<vmem>>
        tpu.wait_dma2 semaphore(%arg13 : memref<!tpu.dma_semaphore, #tpu.memory_space<semaphore_mem>>) src(%dma_wait3A_115 : memref<80x64xf32, #tpu.memory_space<vmem>>) dst(%dma_wait3A_111 : memref<80x64xf32, #tpu.memory_space<hbm>>)
        %mul3A_116 = arith.constant 80 : i32
        %mul3A_117 = arith.muli %add3A_83, %mul3A_116 : i32
        %run_scoped3A_118 = arith.constant 0 : i32
        "tpu.region"() ({
          %run_scoped3A_157 = tpu.sem_alloc : memref<!tpu.dma_semaphore, #tpu.memory_space<semaphore_mem>>
          %dma_start3A_158 = arith.constant 0 : i32
          %dma_start3A_159 = tpu.memref_slice %arg6[%run_scoped3A_118, %dma_start3A_158] : memref<2x80xi32, #tpu.memory_space<vmem>> -> memref<1x80xi32, #tpu.memory_space<vmem>>
          %dma_start3A_160 = tpu.memref_squeeze %dma_start3A_159 : memref<1x80xi32, #tpu.memory_space<vmem>> -> memref<80xi32, #tpu.memory_space<vmem>>
          %dma_start3A_161 = tpu.memref_slice %arg3[%mul3A_117] : memref<100000xi32, #tpu.memory_space<hbm>> -> memref<80xi32, #tpu.memory_space<hbm>>
          %dma_start3A_162 = arith.constant 0 : i32
          %dma_start3A_163 = tpu.memref_slice %arg6[%run_scoped3A_118, %dma_start3A_162] : memref<2x80xi32, #tpu.memory_space<vmem>> -> memref<1x80xi32, #tpu.memory_space<vmem>>
          %dma_start3A_164 = tpu.memref_squeeze %dma_start3A_163 : memref<1x80xi32, #tpu.memory_space<vmem>> -> memref<80xi32, #tpu.memory_space<vmem>>
          %dma_start3A_165 = tpu.memref_slice %arg3[%mul3A_117] : memref<100000xi32, #tpu.memory_space<hbm>> -> memref<80xi32, #tpu.memory_space<hbm>>
          tpu.enqueue_dma source(%dma_start3A_165 : memref<80xi32, #tpu.memory_space<hbm>>) target(%dma_start3A_164 : memref<80xi32, #tpu.memory_space<vmem>>) target_semaphore(%run_scoped3A_157 : memref<!tpu.dma_semaphore, #tpu.memory_space<semaphore_mem>>)
          %dma_wait3A_166 = arith.constant 0 : i32
          %dma_wait3A_167 = tpu.memref_slice %arg6[%run_scoped3A_118, %dma_wait3A_166] : memref<2x80xi32, #tpu.memory_space<vmem>> -> memref<1x80xi32, #tpu.memory_space<vmem>>
          %dma_wait3A_168 = tpu.memref_squeeze %dma_wait3A_167 : memref<1x80xi32, #tpu.memory_space<vmem>> -> memref<80xi32, #tpu.memory_space<vmem>>
          %dma_wait3A_169 = tpu.memref_slice %arg3[%mul3A_117] : memref<100000xi32, #tpu.memory_space<hbm>> -> memref<80xi32, #tpu.memory_space<hbm>>
          %dma_wait3A_170 = arith.constant 0 : i32
          %dma_wait3A_171 = tpu.memref_slice %arg6[%run_scoped3A_118, %dma_wait3A_170] : memref<2x80xi32, #tpu.memory_space<vmem>> -> memref<1x80xi32, #tpu.memory_space<vmem>>
          %dma_wait3A_172 = tpu.memref_squeeze %dma_wait3A_171 : memref<1x80xi32, #tpu.memory_space<vmem>> -> memref<80xi32, #tpu.memory_space<vmem>>
          %dma_wait3A_173 = tpu.memref_slice %arg3[%mul3A_117] : memref<100000xi32, #tpu.memory_space<hbm>> -> memref<80xi32, #tpu.memory_space<hbm>>
          tpu.wait_dma2 semaphore(%run_scoped3A_157 : memref<!tpu.dma_semaphore, #tpu.memory_space<semaphore_mem>>) src(%dma_wait3A_173 : memref<80xi32, #tpu.memory_space<hbm>>) dst(%dma_wait3A_172 : memref<80xi32, #tpu.memory_space<vmem>>)
          tpu.yield
        }) : () -> ()
        %run_scoped3A_119 = arith.constant 0 : i32
        "tpu.region"() ({
          %run_scoped3A_157 = tpu.sem_alloc : memref<!tpu.dma_semaphore, #tpu.memory_space<semaphore_mem>>
          %dma_start3A_158 = arith.constant 0 : i32
          %dma_start3A_159 = tpu.memref_slice %arg7[%run_scoped3A_119, %dma_start3A_158] : memref<2x80xi32, #tpu.memory_space<vmem>> -> memref<1x80xi32, #tpu.memory_space<vmem>>
          %dma_start3A_160 = tpu.memref_squeeze %dma_start3A_159 : memref<1x80xi32, #tpu.memory_space<vmem>> -> memref<80xi32, #tpu.memory_space<vmem>>
          %dma_start3A_161 = tpu.memref_slice %arg4[%mul3A_117] : memref<100000xi32, #tpu.memory_space<hbm>> -> memref<80xi32, #tpu.memory_space<hbm>>
          %dma_start3A_162 = arith.constant 0 : i32
          %dma_start3A_163 = tpu.memref_slice %arg7[%run_scoped3A_119, %dma_start3A_162] : memref<2x80xi32, #tpu.memory_space<vmem>> -> memref<1x80xi32, #tpu.memory_space<vmem>>
          %dma_start3A_164 = tpu.memref_squeeze %dma_start3A_163 : memref<1x80xi32, #tpu.memory_space<vmem>> -> memref<80xi32, #tpu.memory_space<vmem>>
          %dma_start3A_165 = tpu.memref_slice %arg4[%mul3A_117] : memref<100000xi32, #tpu.memory_space<hbm>> -> memref<80xi32, #tpu.memory_space<hbm>>
          tpu.enqueue_dma source(%dma_start3A_165 : memref<80xi32, #tpu.memory_space<hbm>>) target(%dma_start3A_164 : memref<80xi32, #tpu.memory_space<vmem>>) target_semaphore(%run_scoped3A_157 : memref<!tpu.dma_semaphore, #tpu.memory_space<semaphore_mem>>)
          %dma_wait3A_166 = arith.constant 0 : i32
          %dma_wait3A_167 = tpu.memref_slice %arg7[%run_scoped3A_119, %dma_wait3A_166] : memref<2x80xi32, #tpu.memory_space<vmem>> -> memref<1x80xi32, #tpu.memory_space<vmem>>
          %dma_wait3A_168 = tpu.memref_squeeze %dma_wait3A_167 : memref<1x80xi32, #tpu.memory_space<vmem>> -> memref<80xi32, #tpu.memory_space<vmem>>
          %dma_wait3A_169 = tpu.memref_slice %arg4[%mul3A_117] : memref<100000xi32, #tpu.memory_space<hbm>> -> memref<80xi32, #tpu.memory_space<hbm>>
          %dma_wait3A_170 = arith.constant 0 : i32
          %dma_wait3A_171 = tpu.memref_slice %arg7[%run_scoped3A_119, %dma_wait3A_170] : memref<2x80xi32, #tpu.memory_space<vmem>> -> memref<1x80xi32, #tpu.memory_space<vmem>>
          %dma_wait3A_172 = tpu.memref_squeeze %dma_wait3A_171 : memref<1x80xi32, #tpu.memory_space<vmem>> -> memref<80xi32, #tpu.memory_space<vmem>>
          %dma_wait3A_173 = tpu.memref_slice %arg4[%mul3A_117] : memref<100000xi32, #tpu.memory_space<hbm>> -> memref<80xi32, #tpu.memory_space<hbm>>
          tpu.wait_dma2 semaphore(%run_scoped3A_157 : memref<!tpu.dma_semaphore, #tpu.memory_space<semaphore_mem>>) src(%dma_wait3A_173 : memref<80xi32, #tpu.memory_space<hbm>>) dst(%dma_wait3A_172 : memref<80xi32, #tpu.memory_space<vmem>>)
          tpu.yield
        }) : () -> ()
        %dma_start3A_120 = arith.constant 0 : i32
        %dma_start3A_121 = arith.constant 0 : i32
        %dma_start3A_122 = arith.constant 0 : i32
        %dma_start3A_123 = tpu.memref_slice %arg8[%dma_start3A_120, %dma_start3A_121, %dma_start3A_122] : memref<2x80x64xf32, #tpu.memory_space<vmem>> -> memref<1x80x64xf32, #tpu.memory_space<vmem>>
        %dma_start3A_124 = tpu.memref_squeeze %dma_start3A_123 : memref<1x80x64xf32, #tpu.memory_space<vmem>> -> memref<80x64xf32, #tpu.memory_space<vmem>>
        %dma_start3A_125 = arith.constant 0 : i32
        %dma_start3A_126 = tpu.memref_slice %arg2[%mul3A_117, %dma_start3A_125] : memref<100000x64xf32, #tpu.memory_space<hbm>> -> memref<80x64xf32, #tpu.memory_space<hbm>>
        %dma_start3A_127 = arith.constant 0 : i32
        %dma_start3A_128 = arith.constant 0 : i32
        %dma_start3A_129 = tpu.memref_slice %arg8[%dma_start3A_120, %dma_start3A_127, %dma_start3A_128] : memref<2x80x64xf32, #tpu.memory_space<vmem>> -> memref<1x80x64xf32, #tpu.memory_space<vmem>>
        %dma_start3A_130 = tpu.memref_squeeze %dma_start3A_129 : memref<1x80x64xf32, #tpu.memory_space<vmem>> -> memref<80x64xf32, #tpu.memory_space<vmem>>
        %dma_start3A_131 = arith.constant 0 : i32
        %dma_start3A_132 = tpu.memref_slice %arg2[%mul3A_117, %dma_start3A_131] : memref<100000x64xf32, #tpu.memory_space<hbm>> -> memref<80x64xf32, #tpu.memory_space<hbm>>
        tpu.enqueue_dma source(%dma_start3A_132 : memref<80x64xf32, #tpu.memory_space<hbm>>) target(%dma_start3A_130 : memref<80x64xf32, #tpu.memory_space<vmem>>) target_semaphore(%arg11 : memref<!tpu.dma_semaphore, #tpu.memory_space<semaphore_mem>>)
        %dma_start3A_133 = arith.constant 0 : i32
        %dma_start3A_134 = arith.constant 0 : i32
        %dma_start3A_135 = arith.constant 0 : i32
        %dma_start3A_136 = arith.constant 0 : i32
        %dma_start3A_137 = tpu.memref_slice %arg9[%dma_start3A_134, %dma_start3A_135, %dma_start3A_136] : memref<2x80x64xf32, #tpu.memory_space<vmem>> -> memref<1x80x64xf32, #tpu.memory_space<vmem>>
        %dma_start3A_138 = tpu.memref_squeeze %dma_start3A_137 : memref<1x80x64xf32, #tpu.memory_space<vmem>> -> memref<80x64xf32, #tpu.memory_space<vmem>>
        %dma_start3A_139 = arith.constant 0 : i32
        %dma_start3A_140 = tpu.memref_slice %arg6[%dma_start3A_133, %dma_start3A_139] : memref<2x80xi32, #tpu.memory_space<vmem>> -> memref<1x80xi32, #tpu.memory_space<vmem>>
        %dma_start3A_141 = tpu.memref_squeeze %dma_start3A_140 : memref<1x80xi32, #tpu.memory_space<vmem>> -> memref<80xi32, #tpu.memory_space<vmem>>
        %dma_start3A_142 = arith.constant 0 : i32
        %dma_start3A_143 = arith.constant 0 : i32
        %dma_start3A_144 = tpu.memref_slice %arg2[%dma_start3A_142, %dma_start3A_143] : memref<100000x64xf32, #tpu.memory_space<hbm>> -> memref<100000x64xf32, #tpu.memory_space<hbm>>
        tpu.enqueue_indirect_dma source(%dma_start3A_144 : memref<100000x64xf32, #tpu.memory_space<hbm>>) target(%dma_start3A_138 : memref<80x64xf32, #tpu.memory_space<vmem>>) offsets(%dma_start3A_141 : memref<80xi32, #tpu.memory_space<vmem>>) semaphore(%arg11 : memref<!tpu.dma_semaphore, #tpu.memory_space<semaphore_mem>>)
        %dma_start3A_145 = arith.constant 0 : i32
        %dma_start3A_146 = arith.constant 0 : i32
        %dma_start3A_147 = arith.constant 0 : i32
        %dma_start3A_148 = arith.constant 0 : i32
        %dma_start3A_149 = tpu.memref_slice %arg10[%dma_start3A_146, %dma_start3A_147, %dma_start3A_148] : memref<2x80x64xf32, #tpu.memory_space<vmem>> -> memref<1x80x64xf32, #tpu.memory_space<vmem>>
        %dma_start3A_150 = tpu.memref_squeeze %dma_start3A_149 : memref<1x80x64xf32, #tpu.memory_space<vmem>> -> memref<80x64xf32, #tpu.memory_space<vmem>>
        %dma_start3A_151 = arith.constant 0 : i32
        %dma_start3A_152 = tpu.memref_slice %arg7[%dma_start3A_145, %dma_start3A_151] : memref<2x80xi32, #tpu.memory_space<vmem>> -> memref<1x80xi32, #tpu.memory_space<vmem>>
        %dma_start3A_153 = tpu.memref_squeeze %dma_start3A_152 : memref<1x80xi32, #tpu.memory_space<vmem>> -> memref<80xi32, #tpu.memory_space<vmem>>
        %dma_start3A_154 = arith.constant 0 : i32
        %dma_start3A_155 = arith.constant 0 : i32
        %dma_start3A_156 = tpu.memref_slice %arg2[%dma_start3A_154, %dma_start3A_155] : memref<100000x64xf32, #tpu.memory_space<hbm>> -> memref<100000x64xf32, #tpu.memory_space<hbm>>
        tpu.enqueue_indirect_dma source(%dma_start3A_156 : memref<100000x64xf32, #tpu.memory_space<hbm>>) target(%dma_start3A_150 : memref<80x64xf32, #tpu.memory_space<vmem>>) offsets(%dma_start3A_153 : memref<80xi32, #tpu.memory_space<vmem>>) semaphore(%arg11 : memref<!tpu.dma_semaphore, #tpu.memory_space<semaphore_mem>>)
      } else {
      }
      %lt3A_96 = arith.constant 1250 : i32
      %lt3A_97 = arith.cmpi slt, %add3A_81, %lt3A_96 : i32
      %convert_element_type3A_98 = arith.extui %lt3A_97 : i1 to i32
      %cond3A_99 = arith.constant 0 : i32
      %cond3A_100 = arith.cmpi ne, %convert_element_type3A_98, %cond3A_99 : i32
      scf.if %cond3A_100 {
        %dma_wait3A_101 = arith.constant 1 : i32
        %dma_wait3A_102 = arith.constant 0 : i32
        %dma_wait3A_103 = arith.constant 0 : i32
        %dma_wait3A_104 = tpu.memref_slice %arg8[%dma_wait3A_101, %dma_wait3A_102, %dma_wait3A_103] : memref<2x80x64xf32, #tpu.memory_space<vmem>> -> memref<1x80x64xf32, #tpu.memory_space<vmem>>
        %dma_wait3A_105 = tpu.memref_squeeze %dma_wait3A_104 : memref<1x80x64xf32, #tpu.memory_space<vmem>> -> memref<80x64xf32, #tpu.memory_space<vmem>>
        %dma_wait3A_106 = arith.constant 0 : i32
        %dma_wait3A_107 = arith.constant 0 : i32
        %dma_wait3A_108 = tpu.memref_slice %arg2[%dma_wait3A_106, %dma_wait3A_107] : memref<100000x64xf32, #tpu.memory_space<hbm>> -> memref<80x64xf32, #tpu.memory_space<hbm>>
        %dma_wait3A_109 = arith.constant 0 : i32
        %dma_wait3A_110 = arith.constant 0 : i32
        %dma_wait3A_111 = tpu.memref_slice %arg8[%dma_wait3A_101, %dma_wait3A_109, %dma_wait3A_110] : memref<2x80x64xf32, #tpu.memory_space<vmem>> -> memref<1x80x64xf32, #tpu.memory_space<vmem>>
        %dma_wait3A_112 = tpu.memref_squeeze %dma_wait3A_111 : memref<1x80x64xf32, #tpu.memory_space<vmem>> -> memref<80x64xf32, #tpu.memory_space<vmem>>
        %dma_wait3A_113 = arith.constant 0 : i32
        %dma_wait3A_114 = arith.constant 0 : i32
        %dma_wait3A_115 = tpu.memref_slice %arg2[%dma_wait3A_113, %dma_wait3A_114] : memref<100000x64xf32, #tpu.memory_space<hbm>> -> memref<80x64xf32, #tpu.memory_space<hbm>>
        tpu.wait_dma2 semaphore(%arg12 : memref<!tpu.dma_semaphore, #tpu.memory_space<semaphore_mem>>) src(%dma_wait3A_115 : memref<80x64xf32, #tpu.memory_space<hbm>>) dst(%dma_wait3A_112 : memref<80x64xf32, #tpu.memory_space<vmem>>)
        %dma_wait3A_116 = arith.constant 1 : i32
        %dma_wait3A_117 = arith.constant 0 : i32
        %dma_wait3A_118 = arith.constant 0 : i32
        %dma_wait3A_119 = tpu.memref_slice %arg9[%dma_wait3A_116, %dma_wait3A_117, %dma_wait3A_118] : memref<2x80x64xf32, #tpu.memory_space<vmem>> -> memref<1x80x64xf32, #tpu.memory_space<vmem>>
        %dma_wait3A_120 = tpu.memref_squeeze %dma_wait3A_119 : memref<1x80x64xf32, #tpu.memory_space<vmem>> -> memref<80x64xf32, #tpu.memory_space<vmem>>
        %dma_wait3A_121 = arith.constant 0 : i32
        %dma_wait3A_122 = arith.constant 0 : i32
        %dma_wait3A_123 = tpu.memref_slice %arg2[%dma_wait3A_121, %dma_wait3A_122] : memref<100000x64xf32, #tpu.memory_space<hbm>> -> memref<80x64xf32, #tpu.memory_space<hbm>>
        %dma_wait3A_124 = arith.constant 0 : i32
        %dma_wait3A_125 = arith.constant 0 : i32
        %dma_wait3A_126 = tpu.memref_slice %arg9[%dma_wait3A_116, %dma_wait3A_124, %dma_wait3A_125] : memref<2x80x64xf32, #tpu.memory_space<vmem>> -> memref<1x80x64xf32, #tpu.memory_space<vmem>>
        %dma_wait3A_127 = tpu.memref_squeeze %dma_wait3A_126 : memref<1x80x64xf32, #tpu.memory_space<vmem>> -> memref<80x64xf32, #tpu.memory_space<vmem>>
        %dma_wait3A_128 = arith.constant 0 : i32
        %dma_wait3A_129 = arith.constant 0 : i32
        %dma_wait3A_130 = tpu.memref_slice %arg2[%dma_wait3A_128, %dma_wait3A_129] : memref<100000x64xf32, #tpu.memory_space<hbm>> -> memref<80x64xf32, #tpu.memory_space<hbm>>
        tpu.wait_dma2 semaphore(%arg12 : memref<!tpu.dma_semaphore, #tpu.memory_space<semaphore_mem>>) src(%dma_wait3A_130 : memref<80x64xf32, #tpu.memory_space<hbm>>) dst(%dma_wait3A_127 : memref<80x64xf32, #tpu.memory_space<vmem>>)
        %dma_wait3A_131 = arith.constant 1 : i32
        %dma_wait3A_132 = arith.constant 0 : i32
        %dma_wait3A_133 = arith.constant 0 : i32
        %dma_wait3A_134 = tpu.memref_slice %arg10[%dma_wait3A_131, %dma_wait3A_132, %dma_wait3A_133] : memref<2x80x64xf32, #tpu.memory_space<vmem>> -> memref<1x80x64xf32, #tpu.memory_space<vmem>>
        %dma_wait3A_135 = tpu.memref_squeeze %dma_wait3A_134 : memref<1x80x64xf32, #tpu.memory_space<vmem>> -> memref<80x64xf32, #tpu.memory_space<vmem>>
        %dma_wait3A_136 = arith.constant 0 : i32
        %dma_wait3A_137 = arith.constant 0 : i32
        %dma_wait3A_138 = tpu.memref_slice %arg2[%dma_wait3A_136, %dma_wait3A_137] : memref<100000x64xf32, #tpu.memory_space<hbm>> -> memref<80x64xf32, #tpu.memory_space<hbm>>
        %dma_wait3A_139 = arith.constant 0 : i32
        %dma_wait3A_140 = arith.constant 0 : i32
        %dma_wait3A_141 = tpu.memref_slice %arg10[%dma_wait3A_131, %dma_wait3A_139, %dma_wait3A_140] : memref<2x80x64xf32, #tpu.memory_space<vmem>> -> memref<1x80x64xf32, #tpu.memory_space<vmem>>
        %dma_wait3A_142 = tpu.memref_squeeze %dma_wait3A_141 : memref<1x80x64xf32, #tpu.memory_space<vmem>> -> memref<80x64xf32, #tpu.memory_space<vmem>>
        %dma_wait3A_143 = arith.constant 0 : i32
        %dma_wait3A_144 = arith.constant 0 : i32
        %dma_wait3A_145 = tpu.memref_slice %arg2[%dma_wait3A_143, %dma_wait3A_144] : memref<100000x64xf32, #tpu.memory_space<hbm>> -> memref<80x64xf32, #tpu.memory_space<hbm>>
        tpu.wait_dma2 semaphore(%arg12 : memref<!tpu.dma_semaphore, #tpu.memory_space<semaphore_mem>>) src(%dma_wait3A_145 : memref<80x64xf32, #tpu.memory_space<hbm>>) dst(%dma_wait3A_142 : memref<80x64xf32, #tpu.memory_space<vmem>>)
        %scan3A_146 = arith.constant 0 : i32
        %scan3A_147 = arith.constant 0 : i32
        %scan3A_148 = arith.constant 40 : i32
        %scan3A_149 = arith.addi %scan3A_147, %scan3A_148 : i32
        %scan3A_150 = arith.constant 1 : i32
        scf.for %scan3A_167 = %scan3A_147 to %scan3A_149 step %scan3A_150  : i32 {
          %mul3A_168 = arith.constant 2 : i32
          %mul3A_169 = arith.muli %mul3A_168, %scan3A_167 : i32
          %add3A_170 = arith.constant 0 : i32
          %add3A_171 = arith.addi %mul3A_169, %add3A_170 : i32
          %get3A = arith.constant 1 : i32
          %get3A_172 = arith.index_cast %get3A : i32 to index
          %get3A_173 = arith.index_cast %add3A_171 : i32 to index
          %get3A_174 = arith.constant 0 : index
          %get3A_175 = tpu.vector_load %arg8[%get3A_172, %get3A_173, %get3A_174] {strides = array<i32>} : memref<2x80x64xf32, #tpu.memory_space<vmem>>, vector<1x1x16xf32>,
          %get3A_176 = vector.shape_cast %get3A_175 : vector<1x1x16xf32> to vector<16xf32>
          %mul3A_177 = arith.constant 2 : i32
          %mul3A_178 = arith.muli %mul3A_177, %scan3A_167 : i32
          %add3A_179 = arith.constant 0 : i32
          %add3A_180 = arith.addi %mul3A_178, %add3A_179 : i32
          %get3A_181 = arith.constant 1 : i32
          %get3A_182 = arith.index_cast %get3A_181 : i32 to index
          %get3A_183 = arith.index_cast %add3A_180 : i32 to index
          %get3A_184 = arith.constant 0 : index
          %get3A_185 = tpu.vector_load %arg9[%get3A_182, %get3A_183, %get3A_184] {strides = array<i32>} : memref<2x80x64xf32, #tpu.memory_space<vmem>>, vector<1x1x16xf32>,
          %get3A_186 = vector.shape_cast %get3A_185 : vector<1x1x16xf32> to vector<16xf32>
          %add3A_187 = arith.addf %get3A_176, %get3A_186 : vector<16xf32>
          %mul3A_188 = arith.constant 2 : i32
          %mul3A_189 = arith.muli %mul3A_188, %scan3A_167 : i32
          %add3A_190 = arith.constant 0 : i32
          %add3A_191 = arith.addi %mul3A_189, %add3A_190 : i32
          %get3A_192 = arith.constant 1 : i32
          %get3A_193 = arith.index_cast %get3A_192 : i32 to index
          %get3A_194 = arith.index_cast %add3A_191 : i32 to index
          %get3A_195 = arith.constant 0 : index
          %get3A_196 = tpu.vector_load %arg10[%get3A_193, %get3A_194, %get3A_195] {strides = array<i32>} : memref<2x80x64xf32, #tpu.memory_space<vmem>>, vector<1x1x16xf32>,
          %get3A_197 = vector.shape_cast %get3A_196 : vector<1x1x16xf32> to vector<16xf32>
          %add3A_198 = arith.addf %add3A_187, %get3A_197 : vector<16xf32>
          %mul3A_199 = arith.constant 2 : i32
          %mul3A_200 = arith.muli %mul3A_199, %scan3A_167 : i32
          %add3A_201 = arith.constant 0 : i32
          %add3A_202 = arith.addi %mul3A_200, %add3A_201 : i32
          %swap3A = arith.constant 1 : i32
          %swap3A_203 = arith.index_cast %swap3A : i32 to index
          %swap3A_204 = arith.index_cast %add3A_202 : i32 to index
          %swap3A_205 = arith.constant 0 : index
          %swap3A_206 = tpu.vector_load %arg8[%swap3A_203, %swap3A_204, %swap3A_205] {strides = array<i32>} : memref<2x80x64xf32, #tpu.memory_space<vmem>>, vector<1x1x16xf32>,
          %swap3A_207 = vector.shape_cast %swap3A_206 : vector<1x1x16xf32> to vector<16xf32>
          %swap3A_208 = vector.shape_cast %add3A_198 : vector<16xf32> to vector<1x1x16xf32>
          tpu.vector_store %arg8[%swap3A_203, %swap3A_204, %swap3A_205], %swap3A_208 {strides = array<i32>} : memref<2x80x64xf32, #tpu.memory_space<vmem>>, vector<1x1x16xf32>,
          %mul3A_209 = arith.constant 2 : i32
          %mul3A_210 = arith.muli %mul3A_209, %scan3A_167 : i32
          %add3A_211 = arith.constant 0 : i32
          %add3A_212 = arith.addi %mul3A_210, %add3A_211 : i32
          %get3A_213 = arith.constant 1 : i32
          %get3A_214 = arith.index_cast %get3A_213 : i32 to index
          %get3A_215 = arith.index_cast %add3A_212 : i32 to index
          %get3A_216 = arith.constant 16 : index
          %get3A_217 = tpu.vector_load %arg8[%get3A_214, %get3A_215, %get3A_216] {strides = array<i32>} : memref<2x80x64xf32, #tpu.memory_space<vmem>>, vector<1x1x16xf32>,
          %get3A_218 = vector.shape_cast %get3A_217 : vector<1x1x16xf32> to vector<16xf32>
          %mul3A_219 = arith.constant 2 : i32
          %mul3A_220 = arith.muli %mul3A_219, %scan3A_167 : i32
          %add3A_221 = arith.constant 0 : i32
          %add3A_222 = arith.addi %mul3A_220, %add3A_221 : i32
          %get3A_223 = arith.constant 1 : i32
          %get3A_224 = arith.index_cast %get3A_223 : i32 to index
          %get3A_225 = arith.index_cast %add3A_222 : i32 to index
          %get3A_226 = arith.constant 16 : index
          %get3A_227 = tpu.vector_load %arg9[%get3A_224, %get3A_225, %get3A_226] {strides = array<i32>} : memref<2x80x64xf32, #tpu.memory_space<vmem>>, vector<1x1x16xf32>,
          %get3A_228 = vector.shape_cast %get3A_227 : vector<1x1x16xf32> to vector<16xf32>
          %add3A_229 = arith.addf %get3A_218, %get3A_228 : vector<16xf32>
          %mul3A_230 = arith.constant 2 : i32
          %mul3A_231 = arith.muli %mul3A_230, %scan3A_167 : i32
          %add3A_232 = arith.constant 0 : i32
          %add3A_233 = arith.addi %mul3A_231, %add3A_232 : i32
          %get3A_234 = arith.constant 1 : i32
          %get3A_235 = arith.index_cast %get3A_234 : i32 to index
          %get3A_236 = arith.index_cast %add3A_233 : i32 to index
          %get3A_237 = arith.constant 16 : index
          %get3A_238 = tpu.vector_load %arg10[%get3A_235, %get3A_236, %get3A_237] {strides = array<i32>} : memref<2x80x64xf32, #tpu.memory_space<vmem>>, vector<1x1x16xf32>,
          %get3A_239 = vector.shape_cast %get3A_238 : vector<1x1x16xf32> to vector<16xf32>
          %add3A_240 = arith.addf %add3A_229, %get3A_239 : vector<16xf32>
          %mul3A_241 = arith.constant 2 : i32
          %mul3A_242 = arith.muli %mul3A_241, %scan3A_167 : i32
          %add3A_243 = arith.constant 0 : i32
          %add3A_244 = arith.addi %mul3A_242, %add3A_243 : i32
          %swap3A_245 = arith.constant 1 : i32
          %swap3A_246 = arith.index_cast %swap3A_245 : i32 to index
          %swap3A_247 = arith.index_cast %add3A_244 : i32 to index
          %swap3A_248 = arith.constant 16 : index
          %swap3A_249 = tpu.vector_load %arg8[%swap3A_246, %swap3A_247, %swap3A_248] {strides = array<i32>} : memref<2x80x64xf32, #tpu.memory_space<vmem>>, vector<1x1x16xf32>,
          %swap3A_250 = vector.shape_cast %swap3A_249 : vector<1x1x16xf32> to vector<16xf32>
          %swap3A_251 = vector.shape_cast %add3A_240 : vector<16xf32> to vector<1x1x16xf32>
          tpu.vector_store %arg8[%swap3A_246, %swap3A_247, %swap3A_248], %swap3A_251 {strides = array<i32>} : memref<2x80x64xf32, #tpu.memory_space<vmem>>, vector<1x1x16xf32>,
          %mul3A_252 = arith.constant 2 : i32
          %mul3A_253 = arith.muli %mul3A_252, %scan3A_167 : i32
          %add3A_254 = arith.constant 0 : i32
          %add3A_255 = arith.addi %mul3A_253, %add3A_254 : i32
          %get3A_256 = arith.constant 1 : i32
          %get3A_257 = arith.index_cast %get3A_256 : i32 to index
          %get3A_258 = arith.index_cast %add3A_255 : i32 to index
          %get3A_259 = arith.constant 32 : index
          %get3A_260 = tpu.vector_load %arg8[%get3A_257, %get3A_258, %get3A_259] {strides = array<i32>} : memref<2x80x64xf32, #tpu.memory_space<vmem>>, vector<1x1x16xf32>,
          %get3A_261 = vector.shape_cast %get3A_260 : vector<1x1x16xf32> to vector<16xf32>
          %mul3A_262 = arith.constant 2 : i32
          %mul3A_263 = arith.muli %mul3A_262, %scan3A_167 : i32
          %add3A_264 = arith.constant 0 : i32
          %add3A_265 = arith.addi %mul3A_263, %add3A_264 : i32
          %get3A_266 = arith.constant 1 : i32
          %get3A_267 = arith.index_cast %get3A_266 : i32 to index
          %get3A_268 = arith.index_cast %add3A_265 : i32 to index
          %get3A_269 = arith.constant 32 : index
          %get3A_270 = tpu.vector_load %arg9[%get3A_267, %get3A_268, %get3A_269] {strides = array<i32>} : memref<2x80x64xf32, #tpu.memory_space<vmem>>, vector<1x1x16xf32>,
          %get3A_271 = vector.shape_cast %get3A_270 : vector<1x1x16xf32> to vector<16xf32>
          %add3A_272 = arith.addf %get3A_261, %get3A_271 : vector<16xf32>
          %mul3A_273 = arith.constant 2 : i32
          %mul3A_274 = arith.muli %mul3A_273, %scan3A_167 : i32
          %add3A_275 = arith.constant 0 : i32
          %add3A_276 = arith.addi %mul3A_274, %add3A_275 : i32
          %get3A_277 = arith.constant 1 : i32
          %get3A_278 = arith.index_cast %get3A_277 : i32 to index
          %get3A_279 = arith.index_cast %add3A_276 : i32 to index
          %get3A_280 = arith.constant 32 : index
          %get3A_281 = tpu.vector_load %arg10[%get3A_278, %get3A_279, %get3A_280] {strides = array<i32>} : memref<2x80x64xf32, #tpu.memory_space<vmem>>, vector<1x1x16xf32>,
          %get3A_282 = vector.shape_cast %get3A_281 : vector<1x1x16xf32> to vector<16xf32>
          %add3A_283 = arith.addf %add3A_272, %get3A_282 : vector<16xf32>
          %mul3A_284 = arith.constant 2 : i32
          %mul3A_285 = arith.muli %mul3A_284, %scan3A_167 : i32
          %add3A_286 = arith.constant 0 : i32
          %add3A_287 = arith.addi %mul3A_285, %add3A_286 : i32
          %swap3A_288 = arith.constant 1 : i32
          %swap3A_289 = arith.index_cast %swap3A_288 : i32 to index
          %swap3A_290 = arith.index_cast %add3A_287 : i32 to index
          %swap3A_291 = arith.constant 32 : index
          %swap3A_292 = tpu.vector_load %arg8[%swap3A_289, %swap3A_290, %swap3A_291] {strides = array<i32>} : memref<2x80x64xf32, #tpu.memory_space<vmem>>, vector<1x1x16xf32>,
          %swap3A_293 = vector.shape_cast %swap3A_292 : vector<1x1x16xf32> to vector<16xf32>
          %swap3A_294 = vector.shape_cast %add3A_283 : vector<16xf32> to vector<1x1x16xf32>
          tpu.vector_store %arg8[%swap3A_289, %swap3A_290, %swap3A_291], %swap3A_294 {strides = array<i32>} : memref<2x80x64xf32, #tpu.memory_space<vmem>>, vector<1x1x16xf32>,
          %mul3A_295 = arith.constant 2 : i32
          %mul3A_296 = arith.muli %mul3A_295, %scan3A_167 : i32
          %add3A_297 = arith.constant 0 : i32
          %add3A_298 = arith.addi %mul3A_296, %add3A_297 : i32
          %get3A_299 = arith.constant 1 : i32
          %get3A_300 = arith.index_cast %get3A_299 : i32 to index
          %get3A_301 = arith.index_cast %add3A_298 : i32 to index
          %get3A_302 = arith.constant 48 : index
          %get3A_303 = tpu.vector_load %arg8[%get3A_300, %get3A_301, %get3A_302] {strides = array<i32>} : memref<2x80x64xf32, #tpu.memory_space<vmem>>, vector<1x1x16xf32>,
          %get3A_304 = vector.shape_cast %get3A_303 : vector<1x1x16xf32> to vector<16xf32>
          %mul3A_305 = arith.constant 2 : i32
          %mul3A_306 = arith.muli %mul3A_305, %scan3A_167 : i32
          %add3A_307 = arith.constant 0 : i32
          %add3A_308 = arith.addi %mul3A_306, %add3A_307 : i32
          %get3A_309 = arith.constant 1 : i32
          %get3A_310 = arith.index_cast %get3A_309 : i32 to index
          %get3A_311 = arith.index_cast %add3A_308 : i32 to index
          %get3A_312 = arith.constant 48 : index
          %get3A_313 = tpu.vector_load %arg9[%get3A_310, %get3A_311, %get3A_312] {strides = array<i32>} : memref<2x80x64xf32, #tpu.memory_space<vmem>>, vector<1x1x16xf32>,
          %get3A_314 = vector.shape_cast %get3A_313 : vector<1x1x16xf32> to vector<16xf32>
          %add3A_315 = arith.addf %get3A_304, %get3A_314 : vector<16xf32>
          %mul3A_316 = arith.constant 2 : i32
          %mul3A_317 = arith.muli %mul3A_316, %scan3A_167 : i32
          %add3A_318 = arith.constant 0 : i32
          %add3A_319 = arith.addi %mul3A_317, %add3A_318 : i32
          %get3A_320 = arith.constant 1 : i32
          %get3A_321 = arith.index_cast %get3A_320 : i32 to index
          %get3A_322 = arith.index_cast %add3A_319 : i32 to index
          %get3A_323 = arith.constant 48 : index
          %get3A_324 = tpu.vector_load %arg10[%get3A_321, %get3A_322, %get3A_323] {strides = array<i32>} : memref<2x80x64xf32, #tpu.memory_space<vmem>>, vector<1x1x16xf32>,
          %get3A_325 = vector.shape_cast %get3A_324 : vector<1x1x16xf32> to vector<16xf32>
          %add3A_326 = arith.addf %add3A_315, %get3A_325 : vector<16xf32>
          %mul3A_327 = arith.constant 2 : i32
          %mul3A_328 = arith.muli %mul3A_327, %scan3A_167 : i32
          %add3A_329 = arith.constant 0 : i32
          %add3A_330 = arith.addi %mul3A_328, %add3A_329 : i32
          %swap3A_331 = arith.constant 1 : i32
          %swap3A_332 = arith.index_cast %swap3A_331 : i32 to index
          %swap3A_333 = arith.index_cast %add3A_330 : i32 to index
          %swap3A_334 = arith.constant 48 : index
          %swap3A_335 = tpu.vector_load %arg8[%swap3A_332, %swap3A_333, %swap3A_334] {strides = array<i32>} : memref<2x80x64xf32, #tpu.memory_space<vmem>>, vector<1x1x16xf32>,
          %swap3A_336 = vector.shape_cast %swap3A_335 : vector<1x1x16xf32> to vector<16xf32>
          %swap3A_337 = vector.shape_cast %add3A_326 : vector<16xf32> to vector<1x1x16xf32>
          tpu.vector_store %arg8[%swap3A_332, %swap3A_333, %swap3A_334], %swap3A_337 {strides = array<i32>} : memref<2x80x64xf32, #tpu.memory_space<vmem>>, vector<1x1x16xf32>,
          %mul3A_338 = arith.constant 2 : i32
          %mul3A_339 = arith.muli %mul3A_338, %scan3A_167 : i32
          %add3A_340 = arith.constant 1 : i32
          %add3A_341 = arith.addi %mul3A_339, %add3A_340 : i32
          %get3A_342 = arith.constant 1 : i32
          %get3A_343 = arith.index_cast %get3A_342 : i32 to index
          %get3A_344 = arith.index_cast %add3A_341 : i32 to index
          %get3A_345 = arith.constant 0 : index
          %get3A_346 = tpu.vector_load %arg8[%get3A_343, %get3A_344, %get3A_345] {strides = array<i32>} : memref<2x80x64xf32, #tpu.memory_space<vmem>>, vector<1x1x16xf32>,
          %get3A_347 = vector.shape_cast %get3A_346 : vector<1x1x16xf32> to vector<16xf32>
          %mul3A_348 = arith.constant 2 : i32
          %mul3A_349 = arith.muli %mul3A_348, %scan3A_167 : i32
          %add3A_350 = arith.constant 1 : i32
          %add3A_351 = arith.addi %mul3A_349, %add3A_350 : i32
          %get3A_352 = arith.constant 1 : i32
          %get3A_353 = arith.index_cast %get3A_352 : i32 to index
          %get3A_354 = arith.index_cast %add3A_351 : i32 to index
          %get3A_355 = arith.constant 0 : index
          %get3A_356 = tpu.vector_load %arg9[%get3A_353, %get3A_354, %get3A_355] {strides = array<i32>} : memref<2x80x64xf32, #tpu.memory_space<vmem>>, vector<1x1x16xf32>,
          %get3A_357 = vector.shape_cast %get3A_356 : vector<1x1x16xf32> to vector<16xf32>
          %add3A_358 = arith.addf %get3A_347, %get3A_357 : vector<16xf32>
          %mul3A_359 = arith.constant 2 : i32
          %mul3A_360 = arith.muli %mul3A_359, %scan3A_167 : i32
          %add3A_361 = arith.constant 1 : i32
          %add3A_362 = arith.addi %mul3A_360, %add3A_361 : i32
          %get3A_363 = arith.constant 1 : i32
          %get3A_364 = arith.index_cast %get3A_363 : i32 to index
          %get3A_365 = arith.index_cast %add3A_362 : i32 to index
          %get3A_366 = arith.constant 0 : index
          %get3A_367 = tpu.vector_load %arg10[%get3A_364, %get3A_365, %get3A_366] {strides = array<i32>} : memref<2x80x64xf32, #tpu.memory_space<vmem>>, vector<1x1x16xf32>,
          %get3A_368 = vector.shape_cast %get3A_367 : vector<1x1x16xf32> to vector<16xf32>
          %add3A_369 = arith.addf %add3A_358, %get3A_368 : vector<16xf32>
          %mul3A_370 = arith.constant 2 : i32
          %mul3A_371 = arith.muli %mul3A_370, %scan3A_167 : i32
          %add3A_372 = arith.constant 1 : i32
          %add3A_373 = arith.addi %mul3A_371, %add3A_372 : i32
          %swap3A_374 = arith.constant 1 : i32
          %swap3A_375 = arith.index_cast %swap3A_374 : i32 to index
          %swap3A_376 = arith.index_cast %add3A_373 : i32 to index
          %swap3A_377 = arith.constant 0 : index
          %swap3A_378 = tpu.vector_load %arg8[%swap3A_375, %swap3A_376, %swap3A_377] {strides = array<i32>} : memref<2x80x64xf32, #tpu.memory_space<vmem>>, vector<1x1x16xf32>,
          %swap3A_379 = vector.shape_cast %swap3A_378 : vector<1x1x16xf32> to vector<16xf32>
          %swap3A_380 = vector.shape_cast %add3A_369 : vector<16xf32> to vector<1x1x16xf32>
          tpu.vector_store %arg8[%swap3A_375, %swap3A_376, %swap3A_377], %swap3A_380 {strides = array<i32>} : memref<2x80x64xf32, #tpu.memory_space<vmem>>, vector<1x1x16xf32>,
          %mul3A_381 = arith.constant 2 : i32
          %mul3A_382 = arith.muli %mul3A_381, %scan3A_167 : i32
          %add3A_383 = arith.constant 1 : i32
          %add3A_384 = arith.addi %mul3A_382, %add3A_383 : i32
          %get3A_385 = arith.constant 1 : i32
          %get3A_386 = arith.index_cast %get3A_385 : i32 to index
          %get3A_387 = arith.index_cast %add3A_384 : i32 to index
          %get3A_388 = arith.constant 16 : index
          %get3A_389 = tpu.vector_load %arg8[%get3A_386, %get3A_387, %get3A_388] {strides = array<i32>} : memref<2x80x64xf32, #tpu.memory_space<vmem>>, vector<1x1x16xf32>,
          %get3A_390 = vector.shape_cast %get3A_389 : vector<1x1x16xf32> to vector<16xf32>
          %mul3A_391 = arith.constant 2 : i32
          %mul3A_392 = arith.muli %mul3A_391, %scan3A_167 : i32
          %add3A_393 = arith.constant 1 : i32
          %add3A_394 = arith.addi %mul3A_392, %add3A_393 : i32
          %get3A_395 = arith.constant 1 : i32
          %get3A_396 = arith.index_cast %get3A_395 : i32 to index
          %get3A_397 = arith.index_cast %add3A_394 : i32 to index
          %get3A_398 = arith.constant 16 : index
          %get3A_399 = tpu.vector_load %arg9[%get3A_396, %get3A_397, %get3A_398] {strides = array<i32>} : memref<2x80x64xf32, #tpu.memory_space<vmem>>, vector<1x1x16xf32>,
          %get3A_400 = vector.shape_cast %get3A_399 : vector<1x1x16xf32> to vector<16xf32>
          %add3A_401 = arith.addf %get3A_390, %get3A_400 : vector<16xf32>
          %mul3A_402 = arith.constant 2 : i32
          %mul3A_403 = arith.muli %mul3A_402, %scan3A_167 : i32
          %add3A_404 = arith.constant 1 : i32
          %add3A_405 = arith.addi %mul3A_403, %add3A_404 : i32
          %get3A_406 = arith.constant 1 : i32
          %get3A_407 = arith.index_cast %get3A_406 : i32 to index
          %get3A_408 = arith.index_cast %add3A_405 : i32 to index
          %get3A_409 = arith.constant 16 : index
          %get3A_410 = tpu.vector_load %arg10[%get3A_407, %get3A_408, %get3A_409] {strides = array<i32>} : memref<2x80x64xf32, #tpu.memory_space<vmem>>, vector<1x1x16xf32>,
          %get3A_411 = vector.shape_cast %get3A_410 : vector<1x1x16xf32> to vector<16xf32>
          %add3A_412 = arith.addf %add3A_401, %get3A_411 : vector<16xf32>
          %mul3A_413 = arith.constant 2 : i32
          %mul3A_414 = arith.muli %mul3A_413, %scan3A_167 : i32
          %add3A_415 = arith.constant 1 : i32
          %add3A_416 = arith.addi %mul3A_414, %add3A_415 : i32
          %swap3A_417 = arith.constant 1 : i32
          %swap3A_418 = arith.index_cast %swap3A_417 : i32 to index
          %swap3A_419 = arith.index_cast %add3A_416 : i32 to index
          %swap3A_420 = arith.constant 16 : index
          %swap3A_421 = tpu.vector_load %arg8[%swap3A_418, %swap3A_419, %swap3A_420] {strides = array<i32>} : memref<2x80x64xf32, #tpu.memory_space<vmem>>, vector<1x1x16xf32>,
          %swap3A_422 = vector.shape_cast %swap3A_421 : vector<1x1x16xf32> to vector<16xf32>
          %swap3A_423 = vector.shape_cast %add3A_412 : vector<16xf32> to vector<1x1x16xf32>
          tpu.vector_store %arg8[%swap3A_418, %swap3A_419, %swap3A_420], %swap3A_423 {strides = array<i32>} : memref<2x80x64xf32, #tpu.memory_space<vmem>>, vector<1x1x16xf32>,
          %mul3A_424 = arith.constant 2 : i32
          %mul3A_425 = arith.muli %mul3A_424, %scan3A_167 : i32
          %add3A_426 = arith.constant 1 : i32
          %add3A_427 = arith.addi %mul3A_425, %add3A_426 : i32
          %get3A_428 = arith.constant 1 : i32
          %get3A_429 = arith.index_cast %get3A_428 : i32 to index
          %get3A_430 = arith.index_cast %add3A_427 : i32 to index
          %get3A_431 = arith.constant 32 : index
          %get3A_432 = tpu.vector_load %arg8[%get3A_429, %get3A_430, %get3A_431] {strides = array<i32>} : memref<2x80x64xf32, #tpu.memory_space<vmem>>, vector<1x1x16xf32>,
          %get3A_433 = vector.shape_cast %get3A_432 : vector<1x1x16xf32> to vector<16xf32>
          %mul3A_434 = arith.constant 2 : i32
          %mul3A_435 = arith.muli %mul3A_434, %scan3A_167 : i32
          %add3A_436 = arith.constant 1 : i32
          %add3A_437 = arith.addi %mul3A_435, %add3A_436 : i32
          %get3A_438 = arith.constant 1 : i32
          %get3A_439 = arith.index_cast %get3A_438 : i32 to index
          %get3A_440 = arith.index_cast %add3A_437 : i32 to index
          %get3A_441 = arith.constant 32 : index
          %get3A_442 = tpu.vector_load %arg9[%get3A_439, %get3A_440, %get3A_441] {strides = array<i32>} : memref<2x80x64xf32, #tpu.memory_space<vmem>>, vector<1x1x16xf32>,
          %get3A_443 = vector.shape_cast %get3A_442 : vector<1x1x16xf32> to vector<16xf32>
          %add3A_444 = arith.addf %get3A_433, %get3A_443 : vector<16xf32>
          %mul3A_445 = arith.constant 2 : i32
          %mul3A_446 = arith.muli %mul3A_445, %scan3A_167 : i32
          %add3A_447 = arith.constant 1 : i32
          %add3A_448 = arith.addi %mul3A_446, %add3A_447 : i32
          %get3A_449 = arith.constant 1 : i32
          %get3A_450 = arith.index_cast %get3A_449 : i32 to index
          %get3A_451 = arith.index_cast %add3A_448 : i32 to index
          %get3A_452 = arith.constant 32 : index
          %get3A_453 = tpu.vector_load %arg10[%get3A_450, %get3A_451, %get3A_452] {strides = array<i32>} : memref<2x80x64xf32, #tpu.memory_space<vmem>>, vector<1x1x16xf32>,
          %get3A_454 = vector.shape_cast %get3A_453 : vector<1x1x16xf32> to vector<16xf32>
          %add3A_455 = arith.addf %add3A_444, %get3A_454 : vector<16xf32>
          %mul3A_456 = arith.constant 2 : i32
          %mul3A_457 = arith.muli %mul3A_456, %scan3A_167 : i32
          %add3A_458 = arith.constant 1 : i32
          %add3A_459 = arith.addi %mul3A_457, %add3A_458 : i32
          %swap3A_460 = arith.constant 1 : i32
          %swap3A_461 = arith.index_cast %swap3A_460 : i32 to index
          %swap3A_462 = arith.index_cast %add3A_459 : i32 to index
          %swap3A_463 = arith.constant 32 : index
          %swap3A_464 = tpu.vector_load %arg8[%swap3A_461, %swap3A_462, %swap3A_463] {strides = array<i32>} : memref<2x80x64xf32, #tpu.memory_space<vmem>>, vector<1x1x16xf32>,
          %swap3A_465 = vector.shape_cast %swap3A_464 : vector<1x1x16xf32> to vector<16xf32>
          %swap3A_466 = vector.shape_cast %add3A_455 : vector<16xf32> to vector<1x1x16xf32>
          tpu.vector_store %arg8[%swap3A_461, %swap3A_462, %swap3A_463], %swap3A_466 {strides = array<i32>} : memref<2x80x64xf32, #tpu.memory_space<vmem>>, vector<1x1x16xf32>,
          %mul3A_467 = arith.constant 2 : i32
          %mul3A_468 = arith.muli %mul3A_467, %scan3A_167 : i32
          %add3A_469 = arith.constant 1 : i32
          %add3A_470 = arith.addi %mul3A_468, %add3A_469 : i32
          %get3A_471 = arith.constant 1 : i32
          %get3A_472 = arith.index_cast %get3A_471 : i32 to index
          %get3A_473 = arith.index_cast %add3A_470 : i32 to index
          %get3A_474 = arith.constant 48 : index
          %get3A_475 = tpu.vector_load %arg8[%get3A_472, %get3A_473, %get3A_474] {strides = array<i32>} : memref<2x80x64xf32, #tpu.memory_space<vmem>>, vector<1x1x16xf32>,
          %get3A_476 = vector.shape_cast %get3A_475 : vector<1x1x16xf32> to vector<16xf32>
          %mul3A_477 = arith.constant 2 : i32
          %mul3A_478 = arith.muli %mul3A_477, %scan3A_167 : i32
          %add3A_479 = arith.constant 1 : i32
          %add3A_480 = arith.addi %mul3A_478, %add3A_479 : i32
          %get3A_481 = arith.constant 1 : i32
          %get3A_482 = arith.index_cast %get3A_481 : i32 to index
          %get3A_483 = arith.index_cast %add3A_480 : i32 to index
          %get3A_484 = arith.constant 48 : index
          %get3A_485 = tpu.vector_load %arg9[%get3A_482, %get3A_483, %get3A_484] {strides = array<i32>} : memref<2x80x64xf32, #tpu.memory_space<vmem>>, vector<1x1x16xf32>,
          %get3A_486 = vector.shape_cast %get3A_485 : vector<1x1x16xf32> to vector<16xf32>
          %add3A_487 = arith.addf %get3A_476, %get3A_486 : vector<16xf32>
          %mul3A_488 = arith.constant 2 : i32
          %mul3A_489 = arith.muli %mul3A_488, %scan3A_167 : i32
          %add3A_490 = arith.constant 1 : i32
          %add3A_491 = arith.addi %mul3A_489, %add3A_490 : i32
          %get3A_492 = arith.constant 1 : i32
          %get3A_493 = arith.index_cast %get3A_492 : i32 to index
          %get3A_494 = arith.index_cast %add3A_491 : i32 to index
          %get3A_495 = arith.constant 48 : index
          %get3A_496 = tpu.vector_load %arg10[%get3A_493, %get3A_494, %get3A_495] {strides = array<i32>} : memref<2x80x64xf32, #tpu.memory_space<vmem>>, vector<1x1x16xf32>,
          %get3A_497 = vector.shape_cast %get3A_496 : vector<1x1x16xf32> to vector<16xf32>
          %add3A_498 = arith.addf %add3A_487, %get3A_497 : vector<16xf32>
          %mul3A_499 = arith.constant 2 : i32
          %mul3A_500 = arith.muli %mul3A_499, %scan3A_167 : i32
          %add3A_501 = arith.constant 1 : i32
          %add3A_502 = arith.addi %mul3A_500, %add3A_501 : i32
          %swap3A_503 = arith.constant 1 : i32
          %swap3A_504 = arith.index_cast %swap3A_503 : i32 to index
          %swap3A_505 = arith.index_cast %add3A_502 : i32 to index
          %swap3A_506 = arith.constant 48 : index
          %swap3A_507 = tpu.vector_load %arg8[%swap3A_504, %swap3A_505, %swap3A_506] {strides = array<i32>} : memref<2x80x64xf32, #tpu.memory_space<vmem>>, vector<1x1x16xf32>,
          %swap3A_508 = vector.shape_cast %swap3A_507 : vector<1x1x16xf32> to vector<16xf32>
          %swap3A_509 = vector.shape_cast %add3A_498 : vector<16xf32> to vector<1x1x16xf32>
          tpu.vector_store %arg8[%swap3A_504, %swap3A_505, %swap3A_506], %swap3A_509 {strides = array<i32>} : memref<2x80x64xf32, #tpu.memory_space<vmem>>, vector<1x1x16xf32>,
        }
        %scan3A_151 = arith.constant 40 : i32
        %mul3A_152 = arith.constant 80 : i32
        %mul3A_153 = arith.muli %add3A_81, %mul3A_152 : i32
        %dma_start3A_154 = arith.constant 1 : i32
        %dma_start3A_155 = arith.constant 0 : i32
        %dma_start3A_156 = arith.constant 0 : i32
        %dma_start3A_157 = tpu.memref_slice %arg8[%dma_start3A_154, %dma_start3A_155, %dma_start3A_156] : memref<2x80x64xf32, #tpu.memory_space<vmem>> -> memref<1x80x64xf32, #tpu.memory_space<vmem>>
        %dma_start3A_158 = tpu.memref_squeeze %dma_start3A_157 : memref<1x80x64xf32, #tpu.memory_space<vmem>> -> memref<80x64xf32, #tpu.memory_space<vmem>>
        %dma_start3A_159 = arith.constant 0 : i32
        %dma_start3A_160 = tpu.memref_slice %arg5[%mul3A_153, %dma_start3A_159] : memref<100000x64xf32, #tpu.memory_space<hbm>> -> memref<80x64xf32, #tpu.memory_space<hbm>>
        %dma_start3A_161 = arith.constant 0 : i32
        %dma_start3A_162 = tpu.memref_slice %arg5[%mul3A_153, %dma_start3A_161] : memref<100000x64xf32, #tpu.memory_space<hbm>> -> memref<80x64xf32, #tpu.memory_space<hbm>>
        %dma_start3A_163 = arith.constant 0 : i32
        %dma_start3A_164 = arith.constant 0 : i32
        %dma_start3A_165 = tpu.memref_slice %arg8[%dma_start3A_154, %dma_start3A_163, %dma_start3A_164] : memref<2x80x64xf32, #tpu.memory_space<vmem>> -> memref<1x80x64xf32, #tpu.memory_space<vmem>>
        %dma_start3A_166 = tpu.memref_squeeze %dma_start3A_165 : memref<1x80x64xf32, #tpu.memory_space<vmem>> -> memref<80x64xf32, #tpu.memory_space<vmem>>
        tpu.enqueue_dma source(%dma_start3A_166 : memref<80x64xf32, #tpu.memory_space<vmem>>) target(%dma_start3A_162 : memref<80x64xf32, #tpu.memory_space<hbm>>) target_semaphore(%arg14 : memref<!tpu.dma_semaphore, #tpu.memory_space<semaphore_mem>>)
      } else {
      }
    }
    %scan3A_44 = arith.constant 20 : i32
    %dma_wait3A = arith.constant 0 : i32
    %dma_wait3A_45 = arith.constant 0 : i32
    %dma_wait3A_46 = arith.constant 0 : i32
    %dma_wait3A_47 = tpu.memref_slice %arg8[%dma_wait3A, %dma_wait3A_45, %dma_wait3A_46] : memref<2x80x64xf32, #tpu.memory_space<vmem>> -> memref<1x80x64xf32, #tpu.memory_space<vmem>>
    %dma_wait3A_48 = tpu.memref_squeeze %dma_wait3A_47 : memref<1x80x64xf32, #tpu.memory_space<vmem>> -> memref<80x64xf32, #tpu.memory_space<vmem>>
    %dma_wait3A_49 = arith.constant 0 : i32
    %dma_wait3A_50 = arith.constant 0 : i32
    %dma_wait3A_51 = tpu.memref_slice %arg5[%dma_wait3A_49, %dma_wait3A_50] : memref<100000x64xf32, #tpu.memory_space<hbm>> -> memref<80x64xf32, #tpu.memory_space<hbm>>
    %dma_wait3A_52 = arith.constant 0 : i32
    %dma_wait3A_53 = arith.constant 0 : i32
    %dma_wait3A_54 = tpu.memref_slice %arg5[%dma_wait3A_52, %dma_wait3A_53] : memref<100000x64xf32, #tpu.memory_space<hbm>> -> memref<80x64xf32, #tpu.memory_space<hbm>>
    %dma_wait3A_55 = arith.constant 0 : i32
    %dma_wait3A_56 = arith.constant 0 : i32
    %dma_wait3A_57 = tpu.memref_slice %arg8[%dma_wait3A, %dma_wait3A_55, %dma_wait3A_56] : memref<2x80x64xf32, #tpu.memory_space<vmem>> -> memref<1x80x64xf32, #tpu.memory_space<vmem>>
    %dma_wait3A_58 = tpu.memref_squeeze %dma_wait3A_57 : memref<1x80x64xf32, #tpu.memory_space<vmem>> -> memref<80x64xf32, #tpu.memory_space<vmem>>
    tpu.wait_dma2 semaphore(%arg13 : memref<!tpu.dma_semaphore, #tpu.memory_space<semaphore_mem>>) src(%dma_wait3A_58 : memref<80x64xf32, #tpu.memory_space<vmem>>) dst(%dma_wait3A_54 : memref<80x64xf32, #tpu.memory_space<hbm>>)
    %dma_wait3A_59 = arith.constant 1 : i32
    %dma_wait3A_60 = arith.constant 0 : i32
    %dma_wait3A_61 = arith.constant 0 : i32
    %dma_wait3A_62 = tpu.memref_slice %arg8[%dma_wait3A_59, %dma_wait3A_60, %dma_wait3A_61] : memref<2x80x64xf32, #tpu.memory_space<vmem>> -> memref<1x80x64xf32, #tpu.memory_space<vmem>>
    %dma_wait3A_63 = tpu.memref_squeeze %dma_wait3A_62 : memref<1x80x64xf32, #tpu.memory_space<vmem>> -> memref<80x64xf32, #tpu.memory_space<vmem>>
    %dma_wait3A_64 = arith.constant 0 : i32
    %dma_wait3A_65 = arith.constant 0 : i32
    %dma_wait3A_66 = tpu.memref_slice %arg5[%dma_wait3A_64, %dma_wait3A_65] : memref<100000x64xf32, #tpu.memory_space<hbm>> -> memref<80x64xf32, #tpu.memory_space<hbm>>
    %dma_wait3A_67 = arith.constant 0 : i32
    %dma_wait3A_68 = arith.constant 0 : i32
    %dma_wait3A_69 = tpu.memref_slice %arg5[%dma_wait3A_67, %dma_wait3A_68] : memref<100000x64xf32, #tpu.memory_space<hbm>> -> memref<80x64xf32, #tpu.memory_space<hbm>>
    %dma_wait3A_70 = arith.constant 0 : i32
    %dma_wait3A_71 = arith.constant 0 : i32
    %dma_wait3A_72 = tpu.memref_slice %arg8[%dma_wait3A_59, %dma_wait3A_70, %dma_wait3A_71] : memref<2x80x64xf32, #tpu.memory_space<vmem>> -> memref<1x80x64xf32, #tpu.memory_space<vmem>>
    %dma_wait3A_73 = tpu.memref_squeeze %dma_wait3A_72 : memref<1x80x64xf32, #tpu.memory_space<vmem>> -> memref<80x64xf32, #tpu.memory_space<vmem>>
    tpu.wait_dma2 semaphore(%arg14 : memref<!tpu.dma_semaphore, #tpu.memory_space<semaphore_mem>>) src(%dma_wait3A_73 : memref<80x64xf32, #tpu.memory_space<vmem>>) dst(%dma_wait3A_69 : memref<80x64xf32, #tpu.memory_space<hbm>>)
    return
  }
}

</mosaic_0001>

<sc_bundles>
// kernel: kernel.4.cloned.1.call-start
scs
__scs_entry_jumppad:
0x0: {  	(pc) =	sbr.rel $0x88, $3  }
0x1: {  	(tag) =	ssettag $0x0;
	lr =	simm.s32 $0x1  }
0x2: {  	[smem:$0x3F9D] =	sst lr;
	_ =	strace $0xD0000000  }
0x3: {  	_ = 	snop  }
0x4: {  	_ = 	snop  }
0x5: {  	_ = 	snop  }
0x6: {  	_ = 	snop  }
0x7: {  	_ = 	snop  }
__scs_overlays_trampoline_lowered:
0x8: {  	[smem:$0x3FAC] =	sst s0  }
0x9: {  	[smem:$0x3FAD] =	sst s1  }
0xa: {  	[smem:$0x3FAE] =	sst s2  }
0xb: {  	[smem:$0x3FAF] =	sst s3  }
0xc: {  	[smem:$0x3FB0] =	sst s4  }
0xd: {  	[smem:$0x3FB1] =	sst s5  }
0xe: {  	[smem:$0x3FB2] =	sst s6  }
0xf: {  	[smem:$0x3FB3] =	sst s7  }
0x10: {  	[smem:$0x3FB4] =	sst s8  }
0x11: {  	[smem:$0x3FB5] =	sst s9;
	s0 =	simm.s32 @!p0 $0x0  }
0x12: {  	s1 =	sld [smem:$0x3F9B];
	s0 =	simm.s32 @p0 $0x1  }
0x13: {  	[smem:$0x3FB6] =	sst s0;
	s0 =	simm.s32 @!p1 $0x0  }
0x14: {  	s2 =	sld [smem:$0x3F9A];
	s0 =	simm.s32 @p1 $0x1  }
0x15: {  	[smem:$0x3FB7] =	sst s0;
	s0 =	simm.s32 @!p2 $0x0  }
0x16: {  	s3 =	sld [smem:$0x3FDB];
	s0 =	simm.s32 @p2 $0x1  }
0x17: {  	s4 =	simm.s32 $0x1BF5;
	[smem:$0x3FB9] =	sst s0  }
0x18: {  	s0 =	sld [smem:$0x3F9C];
	_ =	swait.ge [sflag:s4], $0x0  }
0x19: {  	s7 =	sld [smem:$0x3F9D]  }
0x1a: {  	s8 =	sadd.s32 $0xFFFFE003, lr  }
0x1b: {  	s9 =	sadd.s32 $0xFFFFFEF7, lr;
	s5 =	simm.s32 $0xFFFFFFFF;
	p2 =	slt.u32 s8, $0xFFFFF086  }
0x1c: {  	p1 =	slt.u32 s9, $0xF7A;
	s5 =	simm.s32 @!p2 $0x0  }
0x1d: {  	s5 =	simm.s32 @p1 $0x1;
	p0 =	seq.s32 s7, s2  }
0x1e: {  	s7 =	smul.u32 @!p0 $0xF7A, s2;
	p2 =	seq.s32 @!p0 s5, $0x0  }
0x1f: {  	s9 =	smul.u32 $0xF7A, s1;
	s8 =	simm.s32 @!p0 $0x1BF5;
	p2 =	por !p2, p0  }
0x20: {  	[sflag:s8] =	ssyncset.s32 @!p0 $0xFFFFF086;
	s6 =	sadd.s32 @!p0 s3, s7;
	s7 =	simm.s32 @!p0 $0x108  }
0x21: {  	s3 =	sadd.s32 s3, s9;
	s6 =	sadd.s32 @!p0 $0x88, s6;
	s7 =	simm.s32 @p2 $0x1082  }
0x22: {  	[simem:s7], [sflag:s8] =	dma.local @!p0 [hbm:s6], $0xF7A  }
0x23: {  	s9 =	sor.u32 $0xD0000000, s2;
	s6 =	simm.s32 $0x108;
	_ =	swait.ge @!p0 [sflag:s8], $0x0  }
0x24: {  	s3 =	sadd.s32 $0x88, s3;
	s6 =	simm.s32 @!p1 $0x1082;
	[sflag:s4] =	ssyncset.s32 $0xFFFFF086  }
0x25: {  	[simem:s6], [sflag:s4] =	dma.local [hbm:s3], $0xF7A  }
0x26: {  	[smem:$0x3F9D] =	sst s1;
	(tag) =	ssettag s2;
	_ =	strace s9  }
0x27: {  	s1 =	sld [smem:$0x3FAD]  }
0x28: {  	s2 =	sld [smem:$0x3FAE]  }
0x29: {  	s4 =	sld [smem:$0x3FB0]  }
0x2a: {  	p0 =	seq.s32 s5, $0x0;
	s5 =	sld [smem:$0x3FB1]  }
0x2b: {  	s6 =	sld [smem:$0x3FB2]  }
0x2c: {  	s7 =	sld [smem:$0x3FB3]  }
0x2d: {  	s3 =	simm.s32 $0x108;
	s8 =	sld [smem:$0x3FB4]  }
0x2e: {  	s3 =	simm.s32 @!p0 $0x1082;
	s9 =	sld [smem:$0x3FB5]  }
0x2f: {  	lr =	sadd.s32 s0, s3;
	s0 =	sld [smem:$0x3FAC]  }
0x30: {  	s3 =	sld [smem:$0x3FAF]  }
0x31: {  	[smem:$0x3FB8] =	sst s10  }
0x32: {  	s10 =	sld [smem:$0x3FB6];
	_ =	sdelay $0x3  }
0x33: {  	p0 =	seq.s32 s10, $0x1;
	s10 =	sld [smem:$0x3FB8];
	_ =	sdelay $0x3  }
0x34: {  	[smem:$0x3FB8] =	sst s10  }
0x35: {  	s10 =	sld [smem:$0x3FB7];
	_ =	sdelay $0x3  }
0x36: {  	p1 =	seq.s32 s10, $0x1;
	s10 =	sld [smem:$0x3FB8];
	_ =	sdelay $0x3  }
0x37: {  	[smem:$0x3FB8] =	sst s10  }
0x38: {  	s10 =	sld [smem:$0x3FB9]  }
0x39: {  	_ = 	snop;
	(pc) =	sbr.ind lr, $3  }
0x3a: {  	_ = 	snop  }
0x3b: {  	_ = 	snop  }
0x3c: {  	p2 =	seq.s32 s10, $0x1;
	s10 =	sld [smem:$0x3FB8]  }
0x3d: {  	_ =	shalt  }
0x3e: {  	_ =	shalt  }
0x3f: {  	_ =	shalt  }
0x40: {  	_ =	shalt  }
0x41: {  	_ =	shalt  }
0x42: {  	_ =	shalt  }
0x43: {  	_ =	shalt  }
0x44: {  	_ =	shalt  }
0x45: {  	_ =	shalt  }
0x46: {  	_ =	shalt  }
0x47: {  	_ =	shalt  }
0x48: {  	_ =	shalt  }
0x49: {  	_ =	shalt  }
0x4a: {  	_ =	shalt  }
0x4b: {  	_ =	shalt  }
0x4c: {  	_ =	shalt  }
0x4d: {  	_ =	shalt  }
0x4e: {  	_ =	shalt  }
0x4f: {  	_ =	shalt  }
0x50: {  	_ =	shalt  }
0x51: {  	_ =	shalt  }
0x52: {  	_ =	shalt  }
0x53: {  	_ =	shalt  }
0x54: {  	_ =	shalt  }
0x55: {  	_ =	shalt  }
0x56: {  	_ =	shalt  }
0x57: {  	_ =	shalt  }
0x58: {  	_ =	shalt  }
0x59: {  	_ =	shalt  }
0x5a: {  	_ =	shalt  }
0x5b: {  	_ =	shalt  }
0x5c: {  	_ =	shalt  }
0x5d: {  	_ =	shalt  }
0x5e: {  	_ =	shalt  }
0x5f: {  	_ =	shalt  }
0x60: {  	_ =	shalt  }
0x61: {  	_ =	shalt  }
0x62: {  	_ =	shalt  }
0x63: {  	_ =	shalt  }
0x64: {  	_ =	shalt  }
0x65: {  	_ =	shalt  }
0x66: {  	_ =	shalt  }
0x67: {  	_ =	shalt  }
0x68: {  	_ =	shalt  }
0x69: {  	_ =	shalt  }
0x6a: {  	_ =	shalt  }
0x6b: {  	_ =	shalt  }
0x6c: {  	_ =	shalt  }
0x6d: {  	_ =	shalt  }
0x6e: {  	_ =	shalt  }
0x6f: {  	_ =	shalt  }
0x70: {  	_ =	shalt  }
0x71: {  	_ =	shalt  }
0x72: {  	_ =	shalt  }
0x73: {  	_ =	shalt  }
0x74: {  	_ =	shalt  }
0x75: {  	_ =	shalt  }
0x76: {  	_ =	shalt  }
0x77: {  	_ =	shalt  }
0x78: {  	_ =	shalt  }
0x79: {  	_ =	shalt  }
0x7a: {  	_ =	shalt  }
0x7b: {  	_ =	shalt  }
0x7c: {  	_ =	shalt  }
0x7d: {  	_ =	shalt  }
0x7e: {  	_ =	shalt  }
0x7f: {  	_ =	shalt  }
0x80: {  	_ =	shalt  }
0x81: {  	_ =	shalt  }
0x82: {  	_ =	shalt  }
0x83: {  	_ =	shalt  }
0x84: {  	_ =	shalt  }
0x85: {  	_ =	shalt  }
0x86: {  	_ =	shalt  }
0x87: {  	_ =	shalt  }
.Lfunc_end0:
.L_simem_size_0:
called_computation.1_lowered:
.L_overlay_start_0:
0x88: {  	s2 =	sld [smem:$0x3FD9]  }
0x89: {  	s3 =	sld [smem:$0x3FFE];
	_ =	sdelay $0x1  }
0x8a: {  	s1 =	srdreg.scid  }
0x8b: {  	s0 =	sand.u32 $0x1, s1  }
0x8c: {  	s17 =	sshll.u32 s0, $0xA;
	s2 =	sadd.s32 s3, s2  }
0x8d: {  	s2 =	sadd.s32 s2, s17  }
0x8e: {  	[smem:$0x3FC4] =	sst s2  }
0x8f: {  	_ = 	snop  }
0x90: {  	s2 =	sld [smem:$0x3FC7]  }
0x91: {  	s18 =	sld [smem:$0x3FC6];
	(tm) =	ssettm $0x1  }
0x92: {  	s4 =	sld [smem:$0x3FFB];
	_ =	sdelay $0x3  }
0x93: {  	_ =	strace s4  }
0x94: {  	s4 =	sld [smem:$0x3FFC];
	_ =	sdelay $0x3  }
0x95: {  	_ =	strace s4  }
0x96: {  	s4 =	sld [smem:$0x3FFD];
	_ =	sdelay $0x3  }
0x97: {  	_ =	strace s4  }
0x98: {  	_ =	strace $0x8FFFFFFF  }
0x99: {  	s19 =	sld [smem:$0x3FDB];
	_ =	sdelay $0x1  }
0x9a: {  	s5 =	simm.s32 $_scs_section_size  }
0x9b: {  	s6 =	simm.s32 $_size__tile_overlayer_lowered;
	s7 =	simm.s32 $_tile_overlayer_lowered  }
0x9c: {  	s22 =	simm.s32 $0x1BFF;
	s21 =	sshll.u32 s7, $0x1;
	s4 =	sadd.s32 s5, s19  }
0x9d: {  	s8 =	simm.s32 $0x0;
	s20 =	sshll.u32 s6, $0x1;
	s6 =	sadd.s32 s21, s4  }
0x9e: {  	[timem:s8], [sflag:s22] =	dma.local [hbm:s6], s20  }
0x9f: {  	_ =	swait.ge [sflag:s22], s20  }
0xa0: {  	s5 =	ssub.s32 $0x0, s20;
	[sflag:s22] =	ssyncset.done $0x0  }
0xa1: {  	[sflag:s22] =	ssyncadd.s32 s5;
	_ =	sdelay $0x1  }
0xa2: {  	s23 =	simm.s32 $0x1B8B  }
0xa3: {  	_ =	swait.ge [sflag:s23], $0x1  }
0xa4: {  	[sflag:s23] =	ssyncset.done $0x0  }
0xa5: {  	s25 =	simm.s32 $0x1B8E;
	s24 =	sld [smem:$0x3FFE];
	[sflag:s23] =	ssyncadd.s32 $0xFFFFFFFF  }
0xa6: {  	s26 =	simm.s32 $execute0_lowered;
	[smem:$0x3FD2] =	sst s25  }
0xa7: {  	s6 =	sshll.u32 s26, $0x1;
	_ =	strace $0x80000046;
	[dreg:$0x1] =	wrdreg $0xFFFFFFFF  }
0xa8: {  	s28 =	simm.s32 $_size_execute0_lowered;
	s4 =	sadd.s32 s4, s6;
	[dreg:$0x0] =	wrdreg $0x0  }
0xa9: {  	s6 =	sshll.u32 s28, $0x1;
	[dreg:$0x2] =	wrdreg s4  }
0xaa: {  	[dreg:$0x3] =	wrdreg s6  }
0xab: {  	[dreg:$0x4] =	wrdreg $0xC0  }
0xac: {  	_ =	task [dreg:s8], $0x5FFFF  }
0xad: {  	[dreg:$0x1] =	wrdreg $0xFFFFFFFF  }
0xae: {  	[dreg:$0x0] =	wrdreg $0x60  }
0xaf: {  	[dreg:$0x2] =	wrdreg s24  }
0xb0: {  	[dreg:$0x3] =	wrdreg s2  }
0xb1: {  	[dreg:$0x4] =	wrdreg s18  }
0xb2: {  	[dreg:$0x5] =	wrdreg $0x9  }
0xb3: {  	_ =	task.clear_ibuf [dreg:s8], $0x6FFFF;
	_ =	strace $0x90000046  }
0xb4: {  	s29 =	simm.s32 $0x9;
	_ =	strace $0x80000048  }
0xb5: {  	_ =	swait.ge [sflag:s29], $0x1  }
0xb6: {  	[sflag:s29] =	ssyncadd.s32 $0xFFFFFFFF  }
0xb7: {  	_ =	strace $0x90000048  }
0xb8: {  	_ =	sfence  }
0xb9: {  	s30 =	sld [smem:$0x0];
	_ =	sdelay $0x2  }
0xba: {  	s31 =	sshll.u32 s1, $0xD;
	s1 =	sshrl.u32 s1, $0x2  }
0xbb: {  	s3 =	sand.u32 $0x4000, s31;
	s1 =	sadd.s32 s1, s30  }
0xbc: {  	s0 =	sor.u32 s3, s0;
	s1 =	sshll.u32 s1, $0x11  }
0xbd: {  	s0 =	sor.u32 s1, s0  }
0xbe: {  	s0 =	sadd.s32 $0x8F2B, s0  }
0xbf: {  	[sflag:s0] =	ssyncadd.remote.s32 $0x1  }
0xc0: {  	_ =	sfence.sel $0xFFFF  }
0xc1: {  	[dreg:$0x0] =	wrdreg $0xFFFFFFFF;
	(pc) =	sbr.abs _section_cstart, $3  }
0xc2: {  	[dreg:$0x1] =	wrdreg $0xFFFFFFFF  }
0xc3: {  	_ =	task.clear_ibuf [dreg:s8], $0x2FFFF;
	_ =	strace $0x9FFFFFFF  }
0xc4: {  	(tm) =	ssettm $0x7FFFFFFF  }
0xc5: {  	_ =	shalt  }
tec
execute0_lowered:
.L_overlay_start_1:
0x0: {  	(tag) =	ssettag $0x1  }
0x1: {  	s7 =	rddreg [dreg:$0x0]  }
0x2: {  	s2 =	rddreg [dreg:$0x1]  }
0x3: {  	s3 =	rddreg [dreg:$0x2]  }
0x4: {  	s5 =	srdreg.scid;
	s1 =	stileid.u32  }
0x5: {  	s4 =	simm.s32 $0x0;
	s13 =	simm.s32 $0xA0;
	s14 =	simm.s32 $0x140  }
0x6: {  	s15 =	simm.s32 $0x50;
	s16 =	simm.s32 $0x2940;
	s17 =	simm.s32 $0x5140  }
0x7: {  	s18 =	simm.s32 $0x1;
	s19 =	simm.s32 $0x3;
	s20 =	simm.s32 $0x2  }
0x8: {  	s21 =	simm.s32 $0x1540;
	s22 =	simm.s32 $0x4;
	s23 =	simm.s32 $0x0  }
0x9: {  	s6 =	sand.u32 $0x1, s5;
	s31 =	sshll.u32 s1, $0x1;
	[smem:$0x7FF] =	sst s4  }
.Ltmp0:
0xa: {  	s5 =	sor.u32 s6, s31;
	_ =	strace $0x80000047;
	(pc) =	sbr.rel .LBB2_1-.Ltmp0, $4  }
0xb: {  	s8 =	ssub.s32 $0x2, s6;
	s6 =	sadd.s32 $0xE00, s7;
	s9 =	smul.u32 $0xA, s5  }
0xc: {  	s7 =	sadd.s32 $0xC4400, s7;
	s10 =	sshrl.u32 s8, $0x1;
	s11 =	smul.u32 $0x280, s5  }
0xd: {  	s12 =	ssub.s32 s8, s10;
	s8 =	sadd.s32 s2, s9;
	s9 =	sadd.s32 s3, s9  }
0xe: {  	s10 =	sadd.s32 s6, s11;
	s11 =	smax.u32 s12, $0x1;
	s12 =	simm.s32 $0x5  }
.LBB2_11:
0xf: {  	s23 =	sadd.s32 $0x1, s23  }
0x10: {  	_ =	swait.ge [sflag:s19], $0x1400;
	p0 =	sne.s32 s23, s11  }
.Ltmp1:
0x11: {  	[sflag:s19] =	ssyncset.done $0x0;
	(pc) =	sbr.rel @!p0 .LBB2_12-.Ltmp1, $4  }
0x12: {  	[sflag:s19] =	ssyncadd.s32 $0xFFFFEC00  }
0x13: {  	_ =	swait.ge [sflag:s22], $0x1400  }
0x14: {  	[sflag:s22] =	ssyncset.done $0x0  }
0x15: {  	[sflag:s22] =	ssyncadd.s32 $0xFFFFEC00  }
.LBB2_1:
0x16: {  	[tilespmem:s4], [sflag:$0x5] =	stream.linear.gather [hbm4b:s8+s4], $0x50, $0x38;
	[tilespmem:$0x7940] =	vst v63  }
0x17: {  	_ =	swait.ge [sflag:s12], $0x50  }
0x18: {  	[sflag:s12] =	ssyncset.done $0x0  }
0x19: {  	[sflag:s12] =	ssyncadd.s32 $0xFFFFFFB0  }
0x1a: {  	[tilespmem:s13], [sflag:$0x5] =	stream.linear.gather [hbm4b:s9+s4], $0x50, $0x38;
	[tilespmem:$0x7940] =	vst v63  }
0x1b: {  	_ =	swait.ge [sflag:s12], $0x50  }
0x1c: {  	[sflag:s12] =	ssyncset.done $0x0  }
0x1d: {  	[sflag:s12] =	ssyncadd.s32 $0xFFFFFFB0  }
0x1e: {  	[tilespmem:s14], [sflag:$0x1] =	stream.linear.gather [hbm4b:s10+s4], $0x1400, $0x38;
	[tilespmem:$0x7940] =	vst v63  }
.Ltmp2:
0x1f: {  	_ = 	snop;
	(pc) =	sbr.rel .LBB2_2-.Ltmp2, $4  }
0x20: {  	_ = 	snop  }
0x21: {  	[tilespmem:s16], [sflag:$0x1] =	stream.indirect.gather [hbm4b:s6+s15], $0x40, s4, s15, $0xb8;
	[tilespmem:$0x7940] =	vst v63  }
0x22: {  	s24 =	simm.s32 $0x0  }
0x23: {  	[tilespmem:s17], [sflag:$0x1] =	stream.indirect.gather [hbm4b:s6+s15], $0x40, s13, s15, $0xb8;
	[tilespmem:$0x7940] =	vst v63  }
.LBB2_10:
0x24: {  	s24 =	sadd.s32 $0x1, s24  }
0x25: {  	p0 =	sne.s32 s24, $0x14  }
.Ltmp3:
0x26: {  	_ = 	snop;
	(pc) =	sbr.rel @!p0 .LBB2_11-.Ltmp3, $1  }
0x27: {  	_ =	sdelay $0x3  }
.LBB2_2:
0x28: {  	s25 =	sshll.u32 s24, $0x6  }
0x29: {  	s26 =	sor.u32 s5, s25  }
0x2a: {  	s25 =	sor.u32 $0x20, s26  }
0x2b: {  	p0 =	sgt.u32 s25, $0x4E1  }
0x2c: {  	p1 =	seq.s32 @!p0 s24, $0x0  }
0x2d: {  	p1 =	por p1, p0  }
0x2e: {  	s28 =	simm.s32 @!p1 $0x4  }
0x2f: {  	s29 =	smul.u32 @!p0 $0xA, s25;
	_ =	swait.ge @!p1 [sflag:s28], $0x1400  }
0x30: {  	s30 =	simm.s32 @!p0 $0x0;
	[sflag:s28] =	ssyncset.done @!p1 $0x0  }
0x31: {  	s31 =	simm.s32 @!p0 $0x50;
	[sflag:s28] =	ssyncadd.s32 @!p1 $0xFFFFEC00;
	s28 =	sadd.s32 @!p0 s2, s29  }
0x32: {  	[tilespmem:s31], [sflag:$0x5] =	stream.linear.gather @!p0 [hbm4b:s28+s30], $0x50, $0x38;
	[tilespmem:$0x7940] =	vst v63  }
0x33: {  	s28 =	simm.s32 @!p0 $0x5  }
0x34: {  	_ =	swait.ge @!p0 [sflag:s28], $0x50  }
0x35: {  	[sflag:s28] =	ssyncset.done @!p0 $0x0  }
0x36: {  	s0 =	simm.s32 @!p0 $0xF0;
	s29 =	sadd.s32 @!p0 s3, s29;
	[sflag:s28] =	ssyncadd.s32 @!p0 $0xFFFFFFB0  }
0x37: {  	[tilespmem:s0], [sflag:$0x5] =	stream.linear.gather @!p0 [hbm4b:s29+s30], $0x50, $0x38;
	[tilespmem:$0x7940] =	vst v63  }
0x38: {  	s29 =	smul.u32 @!p0 $0x280, s25;
	_ =	swait.ge @!p0 [sflag:s28], $0x50  }
0x39: {  	[sflag:s28] =	ssyncset.done @!p0 $0x0  }
0x3a: {  	[sflag:s28] =	ssyncadd.s32 @!p0 $0xFFFFFFB0;
	s28 =	sadd.s32 @!p0 s6, s29;
	s29 =	simm.s32 @!p0 $0x1540  }
0x3b: {  	[tilespmem:s29], [sflag:$0x2] =	stream.linear.gather @!p0 [hbm4b:s28+s30], $0x1400, $0x38;
	[tilespmem:$0x7940] =	vst v63  }
0x3c: {  	s28 =	simm.s32 @!p0 $0x3D40  }
0x3d: {  	[tilespmem:s28], [sflag:$0x2] =	stream.indirect.gather @!p0 [hbm4b:s6+s31], $0x40, s31, s31, $0xb8;
	[tilespmem:$0x7940] =	vst v63  }
0x3e: {  	s28 =	simm.s32 @!p0 $0x6540  }
0x3f: {  	[tilespmem:s28], [sflag:$0x2] =	stream.indirect.gather @!p0 [hbm4b:s6+s31], $0x40, s0, s31, $0xb8;
	[tilespmem:$0x7940] =	vst v63  }
0x40: {  	_ =	swait.ge [sflag:s18], $0x1400  }
0x41: {  	[sflag:s18] =	ssyncset.done $0x0  }
0x42: {  	[sflag:s18] =	ssyncadd.s32 $0xFFFFEC00  }
0x43: {  	_ =	swait.ge [sflag:s18], $0x1400  }
0x44: {  	[sflag:s18] =	ssyncset.done $0x0  }
0x45: {  	[sflag:s18] =	ssyncadd.s32 $0xFFFFEC00  }
0x46: {  	_ =	swait.ge [sflag:s18], $0x1400  }
0x47: {  	[sflag:s18] =	ssyncset.done $0x0  }
0x48: {  	s28 =	simm.s32 $0x70;
	[sflag:s18] =	ssyncadd.s32 $0xFFFFEC00  }
0x49: {  	v5 =	vld [tilespmem:s28+$0x50D0]  }
0x4a: {  	v4 =	vld [tilespmem:s28+$0x50E0]  }
0x4b: {  	v3 =	vld [tilespmem:s28+$0x50F0]  }
0x4c: {  	v2 =	vld [tilespmem:s28+$0x5100]  }
0x4d: {  	v1 =	vld [tilespmem:s28+$0x5110]  }
0x4e: {  	v0 =	vld [tilespmem:s28+$0x5120]  }
0x4f: {  	v12 =	vld [tilespmem:s28+$0x28D0]  }
0x50: {  	v17 =	vld [tilespmem:s28+$0x28E0]  }
0x51: {  	v11 =	vld [tilespmem:s28+$0x28F0]  }
0x52: {  	v10 =	vld [tilespmem:s28+$0x2900]  }
0x53: {  	v9 =	vld [tilespmem:s28+$0x2910]  }
0x54: {  	v8 =	vld [tilespmem:s28+$0x2920]  }
0x55: {  	v7 =	vld [tilespmem:s28+$0x2930]  }
0x56: {  	v6 =	vld [tilespmem:s28+$0x2940]  }
0x57: {  	v18 =	vld [tilespmem:s28+$0xD0]  }
0x58: {  	v19 =	vld [tilespmem:s28+$0xE0]  }
0x59: {  	v16 =	vld [tilespmem:s28+$0xF0]  }
0x5a: {  	v15 =	vld [tilespmem:s28+$0x100]  }
0x5b: {  	v14 =	vld [tilespmem:s28+$0x110]  }
0x5c: {  	v13 =	vld [tilespmem:s28+$0x120];
	v18 =	vadd.f32 v12, v18  }
0x5d: {  	s29 =	sadd.s32 $0x40, s26;
	s30 =	simm.s32 $0x3C0;
	v17 =	vadd.f32 v17, v19;
	v12 =	vld [tilespmem:s28+$0x130]  }
.LBB2_3:
0x5e: {  	p1 =	sne.s32 s30, $0x4FC0;
	v5 =	vadd.f32 v5, v18;
	v11 =	vadd.f32 v11, v16;
	v16 =	vld [tilespmem:s28+$0x140]  }
0x5f: {  	v4 =	vadd.f32 v4, v17;
	v10 =	vadd.f32 v10, v15;
	v15 =	vld [tilespmem:s28+$0x5130]  }
0x60: {  	s0 =	sshra.s32 s30, $0x2;
	[tilespmem:s28+$0xD0] =	vst v5;
	v3 =	vadd.f32 v3, v11;
	v9 =	vadd.f32 v9, v14;
	v11 =	vld [tilespmem:s28+$0x5140]  }
0x61: {  	v5 =	vld [tilespmem:s0+$0x50D0];
	[tilespmem:s28+$0xE0] =	vst v4;
	v2 =	vadd.f32 v2, v10;
	v8 =	vadd.f32 v8, v13  }
0x62: {  	v4 =	vld [tilespmem:s0+$0x50E0];
	[tilespmem:s28+$0xF0] =	vst v3;
	v1 =	vadd.f32 v1, v9;
	v7 =	vadd.f32 v7, v12  }
0x63: {  	v3 =	vld [tilespmem:s0+$0x50F0];
	[tilespmem:s28+$0x100] =	vst v2;
	v0 =	vadd.f32 v0, v8;
	v6 =	vadd.f32 v6, v16  }
0x64: {  	v2 =	vld [tilespmem:s0+$0x5100];
	[tilespmem:s28+$0x110] =	vst v1;
	v7 =	vadd.f32 v15, v7  }
0x65: {  	v1 =	vld [tilespmem:s0+$0x5110];
	[tilespmem:s28+$0x120] =	vst v0;
	v6 =	vadd.f32 v11, v6  }
0x66: {  	v0 =	vld [tilespmem:s0+$0x5120];
	[tilespmem:s28+$0x130] =	vst v7  }
0x67: {  	v12 =	vld [tilespmem:s0+$0x28D0];
	[tilespmem:s28+$0x140] =	vst v6;
	s28 =	smov.u32 s0  }
0x68: {  	v17 =	vld [tilespmem:s28+$0x28E0]  }
0x69: {  	v11 =	vld [tilespmem:s28+$0x28F0]  }
0x6a: {  	v10 =	vld [tilespmem:s28+$0x2900]  }
0x6b: {  	v9 =	vld [tilespmem:s28+$0x2910]  }
0x6c: {  	v8 =	vld [tilespmem:s28+$0x2920]  }
0x6d: {  	v7 =	vld [tilespmem:s28+$0x2930]  }
0x6e: {  	v6 =	vld [tilespmem:s28+$0x2940]  }
0x6f: {  	v13 =	vld [tilespmem:s28+$0xD0]  }
0x70: {  	v19 =	vld [tilespmem:s28+$0xE0]  }
.Ltmp4:
0x71: {  	v16 =	vld [tilespmem:s28+$0xF0];
	(pc) =	sbr.rel @p1 .LBB2_3-.Ltmp4, $4  }
0x72: {  	v15 =	vld [tilespmem:s28+$0x100]  }
0x73: {  	v14 =	vld [tilespmem:s28+$0x110]  }
0x74: {  	v18 =	vadd.f32 v12, v13;
	v13 =	vld [tilespmem:s28+$0x120]  }
0x75: {  	s30 =	sadd.s32 $0x200, s30;
	v17 =	vadd.f32 v17, v19;
	v12 =	vld [tilespmem:s28+$0x130]  }
0x76: {  	v5 =	vadd.f32 v5, v18;
	v55 =	vld [tilespmem:s28+$0x140];
	v11 =	vadd.f32 v11, v16  }
0x77: {  	v56 =	vld [tilespmem:s28+$0x5130];
	v4 =	vadd.f32 v4, v17;
	v10 =	vadd.f32 v10, v15  }
0x78: {  	v58 =	vld [tilespmem:s28+$0x5140];
	[tilespmem:s28+$0xD0] =	vst v5;
	v3 =	vadd.f32 v3, v11;
	v57 =	vadd.f32 v9, v14  }
0x79: {  	[tilespmem:s28+$0xE0] =	vst v4;
	v2 =	vadd.f32 v2, v10;
	v59 =	vadd.f32 v8, v13  }
0x7a: {  	[tilespmem:s28+$0xF0] =	vst v3;
	v1 =	vadd.f32 v1, v57;
	v60 =	vadd.f32 v7, v12  }
0x7b: {  	p1 =	sgt.u32 s26, $0x4A1;
	[tilespmem:s28+$0x100] =	vst v2;
	v0 =	vadd.f32 v0, v59;
	v61 =	vadd.f32 v6, v55  }
.Ltmp5:
0x7c: {  	[tilespmem:s28+$0x110] =	vst v1;
	v62 =	vadd.f32 v56, v60;
	(pc) =	sbr.rel @p1 .LBB2_6-.Ltmp5, $4  }
0x7d: {  	s0 =	smul.u32 $0x280, s26;
	[tilespmem:s28+$0x120] =	vst v0;
	v63 =	vadd.f32 v58, v61  }
0x7e: {  	[tilespmem:s28+$0x130] =	vst v62  }
0x7f: {  	s0 =	sadd.s32 s7, s0;
	[tilespmem:s28+$0x140] =	vst v63  }
0x80: {  	[hbm4b:s0+s4] =	stream.linear.scatter [tilespmem:s14], [sflag:$0x3], $0x1400, $0x38;
	[tilespmem:$0x7940] =	vst v63  }
0x81: {  	_ =	swait.ge [sflag:s19], $0x1400;
	s0 =	smul.u32 $0xA, s29  }
0x82: {  	[sflag:s19] =	ssyncset.done $0x0  }
0x83: {  	[sflag:s19] =	ssyncadd.s32 $0xFFFFEC00;
	s26 =	sadd.s32 s2, s0  }
0x84: {  	[tilespmem:s4], [sflag:$0x5] =	stream.linear.gather [hbm4b:s26+s4], $0x50, $0x38;
	[tilespmem:$0x7940] =	vst v63  }
0x85: {  	_ =	swait.ge [sflag:s12], $0x50  }
0x86: {  	[sflag:s12] =	ssyncset.done $0x0  }
0x87: {  	s0 =	sadd.s32 s3, s0;
	[sflag:s12] =	ssyncadd.s32 $0xFFFFFFB0  }
0x88: {  	[tilespmem:s13], [sflag:$0x5] =	stream.linear.gather [hbm4b:s0+s4], $0x50, $0x38;
	[tilespmem:$0x7940] =	vst v63  }
0x89: {  	s31 =	smul.u32 $0x280, s29;
	_ =	swait.ge [sflag:s12], $0x50  }
0x8a: {  	[sflag:s12] =	ssyncset.done $0x0  }
0x8b: {  	s0 =	sadd.s32 s6, s31;
	[sflag:s12] =	ssyncadd.s32 $0xFFFFFFB0  }
0x8c: {  	[tilespmem:s14], [sflag:$0x1] =	stream.linear.gather [hbm4b:s0+s4], $0x1400, $0x38;
	[tilespmem:$0x7940] =	vst v63  }
.Ltmp6:
0x8d: {  	_ = 	snop;
	(pc) =	sbr.rel .LBB2_7-.Ltmp6, $4  }
0x8e: {  	_ = 	snop  }
0x8f: {  	[tilespmem:s16], [sflag:$0x1] =	stream.indirect.gather [hbm4b:s6+s15], $0x40, s4, s15, $0xb8;
	[tilespmem:$0x7940] =	vst v63  }
0x90: {  	_ = 	snop  }
0x91: {  	[tilespmem:s17], [sflag:$0x1] =	stream.indirect.gather [hbm4b:s6+s15], $0x40, s13, s15, $0xb8;
	[tilespmem:$0x7940] =	vst v63  }
.LBB2_6:
.Ltmp7:
0x92: {  	(pc) =	sbr.rel @p0 .LBB2_10-.Ltmp7, $1  }
0x93: {  	_ =	sdelay $0x3  }
.LBB2_7:
0x94: {  	_ =	swait.ge [sflag:s20], $0x1400  }
0x95: {  	[sflag:s20] =	ssyncset.done $0x0  }
0x96: {  	[sflag:s20] =	ssyncadd.s32 $0xFFFFEC00  }
0x97: {  	_ =	swait.ge [sflag:s20], $0x1400  }
0x98: {  	[sflag:s20] =	ssyncset.done $0x0  }
0x99: {  	[sflag:s20] =	ssyncadd.s32 $0xFFFFEC00  }
0x9a: {  	_ =	swait.ge [sflag:s20], $0x1400  }
0x9b: {  	[sflag:s20] =	ssyncset.done $0x0  }
0x9c: {  	s26 =	simm.s32 $0x0;
	[sflag:s20] =	ssyncadd.s32 $0xFFFFEC00  }
0x9d: {  	v5 =	vld [tilespmem:s26+$0x6540]  }
0x9e: {  	v4 =	vld [tilespmem:s26+$0x6550]  }
0x9f: {  	v3 =	vld [tilespmem:s26+$0x6560]  }
0xa0: {  	v2 =	vld [tilespmem:s26+$0x6570]  }
0xa1: {  	v1 =	vld [tilespmem:s26+$0x6580]  }
0xa2: {  	v0 =	vld [tilespmem:s26+$0x6590]  }
0xa3: {  	v12 =	vld [tilespmem:s26+$0x3D40]  }
0xa4: {  	v17 =	vld [tilespmem:s26+$0x3D50]  }
0xa5: {  	v11 =	vld [tilespmem:s26+$0x3D60]  }
0xa6: {  	v10 =	vld [tilespmem:s26+$0x3D70]  }
0xa7: {  	v9 =	vld [tilespmem:s26+$0x3D80]  }
0xa8: {  	v8 =	vld [tilespmem:s26+$0x3D90]  }
0xa9: {  	v7 =	vld [tilespmem:s26+$0x3DA0]  }
0xaa: {  	v6 =	vld [tilespmem:s26+$0x3DB0]  }
0xab: {  	v18 =	vld [tilespmem:s26+$0x1540]  }
0xac: {  	v19 =	vld [tilespmem:s26+$0x1550]  }
0xad: {  	v16 =	vld [tilespmem:s26+$0x1560]  }
0xae: {  	v15 =	vld [tilespmem:s26+$0x1570]  }
0xaf: {  	v14 =	vld [tilespmem:s26+$0x1580]  }
0xb0: {  	v13 =	vld [tilespmem:s26+$0x1590];
	v18 =	vadd.f32 v12, v18  }
0xb1: {  	s28 =	simm.s32 $0x200;
	v17 =	vadd.f32 v17, v19;
	v12 =	vld [tilespmem:s26+$0x15A0]  }
.LBB2_8:
0xb2: {  	p0 =	sne.s32 s28, $0x4E00;
	v5 =	vadd.f32 v5, v18;
	v11 =	vadd.f32 v11, v16;
	v16 =	vld [tilespmem:s26+$0x15B0]  }
0xb3: {  	v4 =	vadd.f32 v4, v17;
	v10 =	vadd.f32 v10, v15;
	v15 =	vld [tilespmem:s26+$0x65A0]  }
0xb4: {  	s0 =	sshra.s32 s28, $0x2;
	[tilespmem:s26+$0x1540] =	vst v5;
	v3 =	vadd.f32 v3, v11;
	v9 =	vadd.f32 v9, v14;
	v11 =	vld [tilespmem:s26+$0x65B0]  }
0xb5: {  	v5 =	vld [tilespmem:s0+$0x6540];
	[tilespmem:s26+$0x1550] =	vst v4;
	v2 =	vadd.f32 v2, v10;
	v8 =	vadd.f32 v8, v13  }
0xb6: {  	v4 =	vld [tilespmem:s0+$0x6550];
	[tilespmem:s26+$0x1560] =	vst v3;
	v1 =	vadd.f32 v1, v9;
	v7 =	vadd.f32 v7, v12  }
0xb7: {  	v3 =	vld [tilespmem:s0+$0x6560];
	[tilespmem:s26+$0x1570] =	vst v2;
	v0 =	vadd.f32 v0, v8;
	v6 =	vadd.f32 v6, v16  }
0xb8: {  	v2 =	vld [tilespmem:s0+$0x6570];
	[tilespmem:s26+$0x1580] =	vst v1;
	v7 =	vadd.f32 v15, v7  }
0xb9: {  	v1 =	vld [tilespmem:s0+$0x6580];
	[tilespmem:s26+$0x1590] =	vst v0;
	v6 =	vadd.f32 v11, v6  }
0xba: {  	v0 =	vld [tilespmem:s0+$0x6590];
	[tilespmem:s26+$0x15A0] =	vst v7  }
0xbb: {  	v12 =	vld [tilespmem:s0+$0x3D40];
	[tilespmem:s26+$0x15B0] =	vst v6;
	s26 =	smov.u32 s0  }
0xbc: {  	v17 =	vld [tilespmem:s26+$0x3D50]  }
0xbd: {  	v11 =	vld [tilespmem:s26+$0x3D60]  }
0xbe: {  	v10 =	vld [tilespmem:s26+$0x3D70]  }
0xbf: {  	v9 =	vld [tilespmem:s26+$0x3D80]  }
0xc0: {  	v8 =	vld [tilespmem:s26+$0x3D90]  }
0xc1: {  	v7 =	vld [tilespmem:s26+$0x3DA0]  }
0xc2: {  	v6 =	vld [tilespmem:s26+$0x3DB0]  }
0xc3: {  	v13 =	vld [tilespmem:s26+$0x1540]  }
0xc4: {  	v19 =	vld [tilespmem:s26+$0x1550]  }
.Ltmp8:
0xc5: {  	v16 =	vld [tilespmem:s26+$0x1560];
	(pc) =	sbr.rel @p0 .LBB2_8-.Ltmp8, $4  }
0xc6: {  	v15 =	vld [tilespmem:s26+$0x1570]  }
0xc7: {  	v14 =	vld [tilespmem:s26+$0x1580]  }
0xc8: {  	v18 =	vadd.f32 v12, v13;
	v13 =	vld [tilespmem:s26+$0x1590]  }
0xc9: {  	s28 =	sadd.s32 $0x200, s28;
	v17 =	vadd.f32 v17, v19;
	v12 =	vld [tilespmem:s26+$0x15A0]  }
0xca: {  	v5 =	vadd.f32 v5, v18;
	v55 =	vld [tilespmem:s26+$0x15B0];
	v11 =	vadd.f32 v11, v16  }
0xcb: {  	v56 =	vld [tilespmem:s26+$0x65A0];
	v4 =	vadd.f32 v4, v17;
	v10 =	vadd.f32 v10, v15  }
0xcc: {  	v58 =	vld [tilespmem:s26+$0x65B0];
	[tilespmem:s26+$0x1540] =	vst v5;
	v3 =	vadd.f32 v3, v11;
	v57 =	vadd.f32 v9, v14  }
0xcd: {  	[tilespmem:s26+$0x1550] =	vst v4;
	v2 =	vadd.f32 v2, v10;
	v59 =	vadd.f32 v8, v13  }
0xce: {  	[tilespmem:s26+$0x1560] =	vst v3;
	v1 =	vadd.f32 v1, v57;
	v60 =	vadd.f32 v7, v12  }
0xcf: {  	[tilespmem:s26+$0x1570] =	vst v2;
	v0 =	vadd.f32 v0, v59;
	v61 =	vadd.f32 v6, v55  }
.Ltmp9:
0xd0: {  	[tilespmem:s26+$0x1580] =	vst v1;
	v62 =	vadd.f32 v56, v60;
	(pc) =	sbr.rel .LBB2_10-.Ltmp9, $4  }
0xd1: {  	s0 =	smul.u32 $0x280, s25;
	[tilespmem:s26+$0x1590] =	vst v0;
	v63 =	vadd.f32 v58, v61  }
0xd2: {  	[tilespmem:s26+$0x15A0] =	vst v62  }
0xd3: {  	s0 =	sadd.s32 s7, s0;
	[tilespmem:s26+$0x15B0] =	vst v63  }
0xd4: {  	[hbm4b:s0+s4] =	stream.linear.scatter [tilespmem:s21], [sflag:$0x4], $0x1400, $0x38;
	[tilespmem:$0x7940] =	vst v63  }
.LBB2_12:
0xd5: {  	_ =	sfence.sel $0x180000  }
0xd6: {  	[bflag:$0x0] =	sbarrier.arrive $0xFFFF  }
0xd7: {  	_ =	strace $0x90000047  }
0xd8: {  	[bflag:$0x2] =	sbarrier.arrive $0xFFFF  }
0xd9: {  	p0 =	sne.s32 s1, $0x0;
	s0 =	rddreg [dreg:$0x3]  }
0xda: {  	s0 =	sadd.s32 @!p0 $0x100000, s0  }
0xdb: {  	[sflag:s0] =	ssyncadd.tile.s32 @!p0 $0x1;
	_ =	shalt  }
.Lfunc_end2:
_tile_overlayer_lowered:
.L_overlay_start_2:
0xdc: {  	(tag) =	ssettag $0x2  }
0xdd: {  	s0 =	rddreg [dreg:$0x0];
	s2 =	stileid.u32  }
0xde: {  	s1 =	rddreg [dreg:$0x1];
	p0 =	sne.s32 s2, $0x0  }
0xdf: {  	s3 =	rddreg [dreg:$0x2];
	[bflag:$0x3] =	sbarrier.arrive $0xFFFF;
	s2 =	simm.s32 @!p0 $0x1C05  }
0xe0: {  	[timem:s3], [sflag:s2] =	dma.local @!p0 [hbm:s0], s1  }
0xe1: {  	s0 =	simm.s32 @!p0 $0x5  }
0xe2: {  	_ =	swait.ge @!p0 [sflag:s0], s1  }
0xe3: {  	s1 =	ssub.s32 @!p0 $0x0, s1;
	[sflag:s0] =	ssyncset.done @!p0 $0x0  }
0xe4: {  	[sflag:s0] =	ssyncadd.s32 @!p0 s1  }
0xe5: {  	[bflag:$0x3] =	sbarrier.arrive $0xFFFF  }
0xe6: {  	_ =	shalt  }

// kernel: kernel.7.cloned.1.call-start
scs
__scs_entry_jumppad:
0x0: {  	(pc) =	sbr.rel $0x88, $3  }
0x1: {  	(tag) =	ssettag $0x0;
	lr =	simm.s32 $0x1  }
0x2: {  	[smem:$0x3F9D] =	sst lr;
	_ =	strace $0xD0000000  }
0x3: {  	_ = 	snop  }
0x4: {  	_ = 	snop  }
0x5: {  	_ = 	snop  }
0x6: {  	_ = 	snop  }
0x7: {  	_ = 	snop  }
__scs_overlays_trampoline_lowered:
0x8: {  	[smem:$0x3FAC] =	sst s0  }
0x9: {  	[smem:$0x3FAD] =	sst s1  }
0xa: {  	[smem:$0x3FAE] =	sst s2  }
0xb: {  	[smem:$0x3FAF] =	sst s3  }
0xc: {  	[smem:$0x3FB0] =	sst s4  }
0xd: {  	[smem:$0x3FB1] =	sst s5  }
0xe: {  	[smem:$0x3FB2] =	sst s6  }
0xf: {  	[smem:$0x3FB3] =	sst s7  }
0x10: {  	[smem:$0x3FB4] =	sst s8  }
0x11: {  	[smem:$0x3FB5] =	sst s9;
	s0 =	simm.s32 @!p0 $0x0  }
0x12: {  	s1 =	sld [smem:$0x3F9B];
	s0 =	simm.s32 @p0 $0x1  }
0x13: {  	[smem:$0x3FB6] =	sst s0;
	s0 =	simm.s32 @!p1 $0x0  }
0x14: {  	s2 =	sld [smem:$0x3F9A];
	s0 =	simm.s32 @p1 $0x1  }
0x15: {  	[smem:$0x3FB7] =	sst s0;
	s0 =	simm.s32 @!p2 $0x0  }
0x16: {  	s3 =	sld [smem:$0x3FDB];
	s0 =	simm.s32 @p2 $0x1  }
0x17: {  	s4 =	simm.s32 $0x1BF5;
	[smem:$0x3FB9] =	sst s0  }
0x18: {  	s0 =	sld [smem:$0x3F9C];
	_ =	swait.ge [sflag:s4], $0x0  }
0x19: {  	s7 =	sld [smem:$0x3F9D]  }
0x1a: {  	s8 =	sadd.s32 $0xFFFFE003, lr  }
0x1b: {  	s9 =	sadd.s32 $0xFFFFFEF7, lr;
	s5 =	simm.s32 $0xFFFFFFFF;
	p2 =	slt.u32 s8, $0xFFFFF086  }
0x1c: {  	p1 =	slt.u32 s9, $0xF7A;
	s5 =	simm.s32 @!p2 $0x0  }
0x1d: {  	s5 =	simm.s32 @p1 $0x1;
	p0 =	seq.s32 s7, s2  }
0x1e: {  	s7 =	smul.u32 @!p0 $0xF7A, s2;
	p2 =	seq.s32 @!p0 s5, $0x0  }
0x1f: {  	s9 =	smul.u32 $0xF7A, s1;
	s8 =	simm.s32 @!p0 $0x1BF5;
	p2 =	por !p2, p0  }
0x20: {  	[sflag:s8] =	ssyncset.s32 @!p0 $0xFFFFF086;
	s6 =	sadd.s32 @!p0 s3, s7;
	s7 =	simm.s32 @!p0 $0x108  }
0x21: {  	s3 =	sadd.s32 s3, s9;
	s6 =	sadd.s32 @!p0 $0x88, s6;
	s7 =	simm.s32 @p2 $0x1082  }
0x22: {  	[simem:s7], [sflag:s8] =	dma.local @!p0 [hbm:s6], $0xF7A  }
0x23: {  	s9 =	sor.u32 $0xD0000000, s2;
	s6 =	simm.s32 $0x108;
	_ =	swait.ge @!p0 [sflag:s8], $0x0  }
0x24: {  	s3 =	sadd.s32 $0x88, s3;
	s6 =	simm.s32 @!p1 $0x1082;
	[sflag:s4] =	ssyncset.s32 $0xFFFFF086  }
0x25: {  	[simem:s6], [sflag:s4] =	dma.local [hbm:s3], $0xF7A  }
0x26: {  	[smem:$0x3F9D] =	sst s1;
	(tag) =	ssettag s2;
	_ =	strace s9  }
0x27: {  	s1 =	sld [smem:$0x3FAD]  }
0x28: {  	s2 =	sld [smem:$0x3FAE]  }
0x29: {  	s4 =	sld [smem:$0x3FB0]  }
0x2a: {  	p0 =	seq.s32 s5, $0x0;
	s5 =	sld [smem:$0x3FB1]  }
0x2b: {  	s6 =	sld [smem:$0x3FB2]  }
0x2c: {  	s7 =	sld [smem:$0x3FB3]  }
0x2d: {  	s3 =	simm.s32 $0x108;
	s8 =	sld [smem:$0x3FB4]  }
0x2e: {  	s3 =	simm.s32 @!p0 $0x1082;
	s9 =	sld [smem:$0x3FB5]  }
0x2f: {  	lr =	sadd.s32 s0, s3;
	s0 =	sld [smem:$0x3FAC]  }
0x30: {  	s3 =	sld [smem:$0x3FAF]  }
0x31: {  	[smem:$0x3FB8] =	sst s10  }
0x32: {  	s10 =	sld [smem:$0x3FB6];
	_ =	sdelay $0x3  }
0x33: {  	p0 =	seq.s32 s10, $0x1;
	s10 =	sld [smem:$0x3FB8];
	_ =	sdelay $0x3  }
0x34: {  	[smem:$0x3FB8] =	sst s10  }
0x35: {  	s10 =	sld [smem:$0x3FB7];
	_ =	sdelay $0x3  }
0x36: {  	p1 =	seq.s32 s10, $0x1;
	s10 =	sld [smem:$0x3FB8];
	_ =	sdelay $0x3  }
0x37: {  	[smem:$0x3FB8] =	sst s10  }
0x38: {  	s10 =	sld [smem:$0x3FB9]  }
0x39: {  	_ = 	snop;
	(pc) =	sbr.ind lr, $3  }
0x3a: {  	_ = 	snop  }
0x3b: {  	_ = 	snop  }
0x3c: {  	p2 =	seq.s32 s10, $0x1;
	s10 =	sld [smem:$0x3FB8]  }
0x3d: {  	_ =	shalt  }
0x3e: {  	_ =	shalt  }
0x3f: {  	_ =	shalt  }
0x40: {  	_ =	shalt  }
0x41: {  	_ =	shalt  }
0x42: {  	_ =	shalt  }
0x43: {  	_ =	shalt  }
0x44: {  	_ =	shalt  }
0x45: {  	_ =	shalt  }
0x46: {  	_ =	shalt  }
0x47: {  	_ =	shalt  }
0x48: {  	_ =	shalt  }
0x49: {  	_ =	shalt  }
0x4a: {  	_ =	shalt  }
0x4b: {  	_ =	shalt  }
0x4c: {  	_ =	shalt  }
0x4d: {  	_ =	shalt  }
0x4e: {  	_ =	shalt  }
0x4f: {  	_ =	shalt  }
0x50: {  	_ =	shalt  }
0x51: {  	_ =	shalt  }
0x52: {  	_ =	shalt  }
0x53: {  	_ =	shalt  }
0x54: {  	_ =	shalt  }
0x55: {  	_ =	shalt  }
0x56: {  	_ =	shalt  }
0x57: {  	_ =	shalt  }
0x58: {  	_ =	shalt  }
0x59: {  	_ =	shalt  }
0x5a: {  	_ =	shalt  }
0x5b: {  	_ =	shalt  }
0x5c: {  	_ =	shalt  }
0x5d: {  	_ =	shalt  }
0x5e: {  	_ =	shalt  }
0x5f: {  	_ =	shalt  }
0x60: {  	_ =	shalt  }
0x61: {  	_ =	shalt  }
0x62: {  	_ =	shalt  }
0x63: {  	_ =	shalt  }
0x64: {  	_ =	shalt  }
0x65: {  	_ =	shalt  }
0x66: {  	_ =	shalt  }
0x67: {  	_ =	shalt  }
0x68: {  	_ =	shalt  }
0x69: {  	_ =	shalt  }
0x6a: {  	_ =	shalt  }
0x6b: {  	_ =	shalt  }
0x6c: {  	_ =	shalt  }
0x6d: {  	_ =	shalt  }
0x6e: {  	_ =	shalt  }
0x6f: {  	_ =	shalt  }
0x70: {  	_ =	shalt  }
0x71: {  	_ =	shalt  }
0x72: {  	_ =	shalt  }
0x73: {  	_ =	shalt  }
0x74: {  	_ =	shalt  }
0x75: {  	_ =	shalt  }
0x76: {  	_ =	shalt  }
0x77: {  	_ =	shalt  }
0x78: {  	_ =	shalt  }
0x79: {  	_ =	shalt  }
0x7a: {  	_ =	shalt  }
0x7b: {  	_ =	shalt  }
0x7c: {  	_ =	shalt  }
0x7d: {  	_ =	shalt  }
0x7e: {  	_ =	shalt  }
0x7f: {  	_ =	shalt  }
0x80: {  	_ =	shalt  }
0x81: {  	_ =	shalt  }
0x82: {  	_ =	shalt  }
0x83: {  	_ =	shalt  }
0x84: {  	_ =	shalt  }
0x85: {  	_ =	shalt  }
0x86: {  	_ =	shalt  }
0x87: {  	_ =	shalt  }
.Lfunc_end0:
.L_simem_size_0:
called_computation.2_lowered:
.L_overlay_start_0:
0x88: {  	s2 =	sld [smem:$0x3FD9]  }
0x89: {  	s3 =	sld [smem:$0x3FFE];
	_ =	sdelay $0x1  }
0x8a: {  	s1 =	srdreg.scid  }
0x8b: {  	s0 =	sand.u32 $0x1, s1  }
0x8c: {  	s17 =	sshll.u32 s0, $0xA;
	s2 =	sadd.s32 s3, s2  }
0x8d: {  	s2 =	sadd.s32 s2, s17  }
0x8e: {  	[smem:$0x3FC4] =	sst s2  }
0x8f: {  	_ = 	snop  }
0x90: {  	s2 =	sld [smem:$0x3FD0];
	(tm) =	ssettm $0x1  }
0x91: {  	s18 =	sld [smem:$0x3FFB];
	_ =	sdelay $0x3  }
0x92: {  	_ =	strace s18  }
0x93: {  	s3 =	sld [smem:$0x3FFC];
	_ =	sdelay $0x3  }
0x94: {  	_ =	strace s3  }
0x95: {  	s3 =	sld [smem:$0x3FFD];
	_ =	sdelay $0x3  }
0x96: {  	_ =	strace s3  }
0x97: {  	_ =	strace $0x8FFFFFFF  }
0x98: {  	s19 =	sld [smem:$0x3FDB];
	_ =	sdelay $0x1  }
0x99: {  	s4 =	simm.s32 $_scs_section_size  }
0x9a: {  	s5 =	simm.s32 $_size__tile_overlayer_lowered;
	s6 =	simm.s32 $_tile_overlayer_lowered  }
0x9b: {  	s22 =	simm.s32 $0x1BFF;
	s21 =	sshll.u32 s6, $0x1;
	s3 =	sadd.s32 s4, s19  }
0x9c: {  	s7 =	simm.s32 $0x0;
	s20 =	sshll.u32 s5, $0x1;
	s5 =	sadd.s32 s21, s3  }
0x9d: {  	[timem:s7], [sflag:s22] =	dma.local [hbm:s5], s20  }
0x9e: {  	_ =	swait.ge [sflag:s22], s20  }
0x9f: {  	s4 =	ssub.s32 $0x0, s20;
	[sflag:s22] =	ssyncset.done $0x0  }
0xa0: {  	[sflag:s22] =	ssyncadd.s32 s4;
	_ =	sdelay $0x1  }
0xa1: {  	s23 =	simm.s32 $0x1B8B  }
0xa2: {  	_ =	swait.ge [sflag:s23], $0x1  }
0xa3: {  	[sflag:s23] =	ssyncset.done $0x0  }
0xa4: {  	s25 =	simm.s32 $0x1B8E;
	s24 =	sld [smem:$0x3FFE];
	[sflag:s23] =	ssyncadd.s32 $0xFFFFFFFF  }
0xa5: {  	s26 =	simm.s32 $execute0_lowered;
	[smem:$0x3FD2] =	sst s25  }
0xa6: {  	s5 =	sshll.u32 s26, $0x1;
	_ =	strace $0x80000049;
	[dreg:$0x1] =	wrdreg $0xFFFFFFFF  }
0xa7: {  	s28 =	simm.s32 $_size_execute0_lowered;
	s3 =	sadd.s32 s3, s5;
	[dreg:$0x0] =	wrdreg $0x0  }
0xa8: {  	s5 =	sshll.u32 s28, $0x1;
	[dreg:$0x2] =	wrdreg s3  }
0xa9: {  	[dreg:$0x3] =	wrdreg s5  }
0xaa: {  	[dreg:$0x4] =	wrdreg $0xC0  }
0xab: {  	_ =	task [dreg:s7], $0x5FFFF  }
0xac: {  	[dreg:$0x1] =	wrdreg $0xFFFFFFFF  }
0xad: {  	[dreg:$0x0] =	wrdreg $0x60  }
0xae: {  	[dreg:$0x2] =	wrdreg s24  }
0xaf: {  	[dreg:$0x3] =	wrdreg s2  }
0xb0: {  	[dreg:$0x4] =	wrdreg $0x9  }
0xb1: {  	_ =	task.clear_ibuf [dreg:s7], $0x5FFFF;
	_ =	strace $0x90000049  }
0xb2: {  	s29 =	simm.s32 $0x9;
	_ =	strace $0x8000004B  }
0xb3: {  	_ =	swait.ge [sflag:s29], $0x1  }
0xb4: {  	[sflag:s29] =	ssyncadd.s32 $0xFFFFFFFF  }
0xb5: {  	_ =	strace $0x9000004B  }
0xb6: {  	_ =	sfence  }
0xb7: {  	s30 =	sld [smem:$0x0];
	_ =	sdelay $0x2  }
0xb8: {  	s31 =	sshll.u32 s1, $0xD;
	s1 =	sshrl.u32 s1, $0x2  }
0xb9: {  	s3 =	sand.u32 $0x4000, s31;
	s1 =	sadd.s32 s1, s30  }
0xba: {  	s0 =	sor.u32 s3, s0;
	s1 =	sshll.u32 s1, $0x11  }
0xbb: {  	s0 =	sor.u32 s1, s0  }
0xbc: {  	s0 =	sadd.s32 $0x8F2B, s0  }
0xbd: {  	[sflag:s0] =	ssyncadd.remote.s32 $0x1  }
0xbe: {  	_ =	sfence.sel $0xFFFF  }
0xbf: {  	[dreg:$0x0] =	wrdreg $0xFFFFFFFF;
	(pc) =	sbr.abs _section_cstart, $3  }
0xc0: {  	[dreg:$0x1] =	wrdreg $0xFFFFFFFF  }
0xc1: {  	_ =	task.clear_ibuf [dreg:s7], $0x2FFFF;
	_ =	strace $0x9FFFFFFF  }
0xc2: {  	(tm) =	ssettm $0x7FFFFFFF  }
0xc3: {  	_ =	shalt  }
tec
execute0_lowered:
.L_overlay_start_1:
0x0: {  	(tag) =	ssettag $0x1  }
0x1: {  	s0 =	rddreg [dreg:$0x0];
	s1 =	srdreg.scid  }
0x2: {  	s7 =	stileid.u32;
	s4 =	rddreg [dreg:$0x1]  }
0x3: {  	s2 =	simm.s32 $0x0;
	s9 =	simm.s32 $0x6400;
	s10 =	simm.s32 $0x48  }
0x4: {  	s13 =	simm.s32 $0x9600;
	s30 =	simm.s32 $0xE800;
	s16 =	simm.s32 $0xC800  }
0x5: {  	s17 =	simm.s32 $0x1;
	s18 =	simm.s32 $0xFA00;
	s31 =	simm.s32 $0x11A00  }
0x6: {  	s19 =	simm.s32 $0x2;
	s20 =	simm.s32 $0x3;
	s21 =	simm.s32 $0x4  }
0x7: {  	s22 =	simm.s32 $0x5;
	s23 =	simm.s32 $0x6;
	s24 =	simm.s32 $0x7  }
0x8: {  	s25 =	simm.s32 $0x8;
	s26 =	simm.s32 $0x0;
	s1 =	sand.u32 $0x1, s1  }
0x9: {  	s3 =	sshll.u32 s7, $0x1;
	[smem:$0x7FF] =	sst s2;
	s7 =	smul.u32 $0x64000, s7  }
0xa: {  	s3 =	sor.u32 s1, s3;
	s6 =	ssub.s32 $0x2, s1;
	s1 =	smul.u32 $0x32000, s1  }
0xb: {  	_ =	strace $0x8000004A;
	[dreg:$0x3] =	wrdreg s30;
	s5 =	smul.u32 $0xC80, s3  }
0xc: {  	[dreg:$0x4] =	wrdreg s31;
	s3 =	sadd.s32 $0xC4400, s0;
	s8 =	sshrl.u32 s6, $0x1  }
0xd: {  	s29 =	sadd.s32 s7, s4;
	s7 =	simm.s32 $0x9;
	s0 =	sadd.s32 s5, s0  }
0xe: {  	s28 =	ssub.s32 s6, s8;
	s6 =	sadd.s32 s1, s29;
	s0 =	sadd.s32 $0x187A00, s0  }
0xf: {  	s8 =	simm.s32 $0x80;
	s5 =	smax.u32 s28, $0x1;
	[dreg:$0x5] =	wrdreg s0  }
.LBB2_1:
0x10: {  	s0 =	rddreg [dreg:$0x5]  }
0x11: {  	[tilespmem:s2], [sflag:$0x9] =	stream.linear.gather [hbm4b:s0+s2], $0x6400, $0x38;
	[tilespmem:$0x12C00] =	vst v63  }
0x12: {  	_ =	swait.ge [sflag:s7], $0x6400  }
0x13: {  	[sflag:s7] =	ssyncset.done $0x0  }
0x14: {  	[sflag:s7] =	ssyncadd.s32 $0xFFFF9C00  }
0x15: {  	[tilespmem:s9], [sflag:$0x1] =	stream.indirect.gather [hbm4b:s3+s8], $0x40, s2, s8, $0xb8;
	[tilespmem:$0x12C00] =	vst v63  }
0x16: {  	s11 =	simm.s32 $0x8400;
	p0 =	por $0x1, $0x1  }
0x17: {  	[tilespmem:s11], [sflag:$0x1] =	stream.indirect.gather [hbm4b:s3+s10], $0x40, s8, s10, $0xb8;
	[tilespmem:$0x12C00] =	vst v63  }
0x18: {  	s12 =	simm.s32 $0xC8;
	p0 =	por p0, p0  }
0x19: {  	[tilespmem:s13], [sflag:$0x2] =	stream.indirect.gather [hbm4b:s3+s8], $0x40, s12, s8, $0xb8;
	[tilespmem:$0x12C00] =	vst v63  }
0x1a: {  	s14 =	simm.s32 $0x148;
	s1 =	simm.s32 $0xB600;
	s0 =	simm.s32 @!p0 $0x7  }
0x1b: {  	[tilespmem:s1], [sflag:$0x2] =	stream.indirect.gather [hbm4b:s3+s10], $0x40, s14, s10, $0xb8;
	[tilespmem:$0x12C00] =	vst v63  }
0x1c: {  	_ =	swait.ge @!p0 [sflag:s0], $0x3200  }
0x1d: {  	[sflag:s0] =	ssyncset.done @!p0 $0x0  }
0x1e: {  	s15 =	simm.s32 $0x190;
	[sflag:s0] =	ssyncadd.s32 @!p0 $0xFFFFCE00  }
0x1f: {  	[tilespmem:s16], [sflag:$0x3] =	stream.indirect.gather [hbm4b:s3+s8], $0x40, s15, s8, $0xb8;
	[tilespmem:$0x12C00] =	vst v63  }
0x20: {  	s4 =	simm.s32 $0x210;
	s31 =	rddreg [dreg:$0x3]  }
0x21: {  	[tilespmem:s31], [sflag:$0x3] =	stream.indirect.gather [hbm4b:s3+s10], $0x40, s4, s10, $0xb8;
	[tilespmem:$0x12C00] =	vst v63  }
0x22: {  	_ =	swait.ge [sflag:s17], $0x2000  }
0x23: {  	[sflag:s17] =	ssyncset.done $0x0  }
0x24: {  	[sflag:s17] =	ssyncadd.s32 $0xFFFFE000  }
0x25: {  	_ =	swait.ge [sflag:s17], $0x1200  }
0x26: {  	[sflag:s17] =	ssyncset.done $0x0  }
0x27: {  	s0 =	simm.s32 @!p0 $0x8;
	[sflag:s17] =	ssyncadd.s32 $0xFFFFEE00  }
0x28: {  	[hbm4b:s6+s2] =	stream.linear.scatter [tilespmem:s9], [sflag:$0x5], $0x3200, $0x38;
	[tilespmem:$0x12C00] =	vst v63  }
0x29: {  	_ =	swait.ge @!p0 [sflag:s0], $0x3200  }
0x2a: {  	[sflag:s0] =	ssyncset.done @!p0 $0x0  }
0x2b: {  	s11 =	simm.s32 $0x258;
	[sflag:s0] =	ssyncadd.s32 @!p0 $0xFFFFCE00  }
0x2c: {  	[tilespmem:s18], [sflag:$0x4] =	stream.indirect.gather [hbm4b:s3+s8], $0x40, s11, s8, $0xb8;
	[tilespmem:$0x12C00] =	vst v63  }
0x2d: {  	s14 =	simm.s32 $0x2D8;
	s12 =	rddreg [dreg:$0x4]  }
0x2e: {  	[tilespmem:s12], [sflag:$0x4] =	stream.indirect.gather [hbm4b:s3+s10], $0x40, s14, s10, $0xb8;
	[tilespmem:$0x12C00] =	vst v63  }
0x2f: {  	_ =	swait.ge [sflag:s19], $0x2000  }
0x30: {  	[sflag:s19] =	ssyncset.done $0x0  }
0x31: {  	[sflag:s19] =	ssyncadd.s32 $0xFFFFE000  }
0x32: {  	_ =	swait.ge [sflag:s19], $0x1200  }
0x33: {  	p0 =	por $0x0, $0x0;
	[sflag:s19] =	ssyncset.done $0x0  }
0x34: {  	s15 =	sadd.s32 $0x640, s6;
	s0 =	simm.s32 @!p0 $0x5;
	[sflag:s19] =	ssyncadd.s32 $0xFFFFEE00  }
0x35: {  	[hbm4b:s15+s2] =	stream.linear.scatter [tilespmem:s13], [sflag:$0x6], $0x3200, $0x38;
	[tilespmem:$0x12C00] =	vst v63  }
0x36: {  	_ =	swait.ge @!p0 [sflag:s0], $0x3200  }
0x37: {  	s1 =	simm.s32 @!p0 $0x320;
	[sflag:s0] =	ssyncset.done @!p0 $0x0  }
0x38: {  	s11 =	simm.s32 @!p0 $0x80;
	s28 =	simm.s32 @!p0 $0x6400;
	[sflag:s0] =	ssyncadd.s32 @!p0 $0xFFFFCE00  }
0x39: {  	[tilespmem:s28], [sflag:$0x1] =	stream.indirect.gather @!p0 [hbm4b:s3+s11], $0x40, s1, s11, $0xb8;
	[tilespmem:$0x12C00] =	vst v63  }
0x3a: {  	s0 =	simm.s32 @!p0 $0x3A0;
	s1 =	simm.s32 @!p0 $0x48;
	s28 =	simm.s32 @!p0 $0x8400  }
0x3b: {  	[tilespmem:s28], [sflag:$0x1] =	stream.indirect.gather @!p0 [hbm4b:s3+s1], $0x40, s0, s1, $0xb8;
	[tilespmem:$0x12C00] =	vst v63  }
0x3c: {  	_ =	swait.ge [sflag:s20], $0x2000  }
0x3d: {  	[sflag:s20] =	ssyncset.done $0x0  }
0x3e: {  	[sflag:s20] =	ssyncadd.s32 $0xFFFFE000  }
0x3f: {  	_ =	swait.ge [sflag:s20], $0x1200  }
0x40: {  	[sflag:s20] =	ssyncset.done $0x0  }
0x41: {  	s31 =	sadd.s32 $0xC80, s6;
	s28 =	simm.s32 @!p0 $0x6;
	[sflag:s20] =	ssyncadd.s32 $0xFFFFEE00  }
0x42: {  	[hbm4b:s31+s2] =	stream.linear.scatter [tilespmem:s16], [sflag:$0x7], $0x3200, $0x38;
	[tilespmem:$0x12C00] =	vst v63  }
0x43: {  	_ =	swait.ge @!p0 [sflag:s28], $0x3200  }
0x44: {  	[sflag:s28] =	ssyncset.done @!p0 $0x0  }
0x45: {  	s29 =	simm.s32 @!p0 $0x9600;
	s0 =	simm.s32 @!p0 $0x3E8;
	[sflag:s28] =	ssyncadd.s32 @!p0 $0xFFFFCE00  }
0x46: {  	[tilespmem:s29], [sflag:$0x2] =	stream.indirect.gather @!p0 [hbm4b:s3+s11], $0x40, s0, s11, $0xb8;
	[tilespmem:$0x12C00] =	vst v63  }
0x47: {  	s0 =	simm.s32 @!p0 $0x468;
	s11 =	simm.s32 @!p0 $0xB600  }
0x48: {  	[tilespmem:s11], [sflag:$0x2] =	stream.indirect.gather @!p0 [hbm4b:s3+s1], $0x40, s0, s1, $0xb8;
	[tilespmem:$0x12C00] =	vst v63  }
0x49: {  	_ =	swait.ge [sflag:s21], $0x2000  }
0x4a: {  	p6 =	por $0x0, $0x0;
	[sflag:s21] =	ssyncset.done $0x0  }
0x4b: {  	s30 =	simm.s32 $0x1900;
	s28 =	sadd.s32 $0x1900, s6;
	[sflag:s21] =	ssyncadd.s32 $0xFFFFE000  }
0x4c: {  	s29 =	simm.s32 $0xC80;
	p0 =	por p6, p6;
	_ =	swait.ge [sflag:s21], $0x1200  }
0x4d: {  	s11 =	sadd.s32 $0x12C0, s6;
	s0 =	simm.s32 @!p0 $0x7;
	[sflag:s21] =	ssyncset.done $0x0  }
.LBB2_2:
0x4e: {  	[sflag:s21] =	ssyncadd.s32 $0xFFFFEE00  }
0x4f: {  	[hbm4b:s11+s2] =	stream.linear.scatter [tilespmem:s18], [sflag:$0x8], $0x3200, $0x38;
	[tilespmem:$0x12C00] =	vst v63  }
0x50: {  	_ =	swait.ge @!p0 [sflag:s0], $0x3200  }
0x51: {  	s11 =	sshra.s32 s29, $0x2;
	[sflag:s0] =	ssyncset.done @!p0 $0x0  }
0x52: {  	s4 =	sadd.s32 $0x190, s11;
	[sflag:s0] =	ssyncadd.s32 @!p0 $0xFFFFCE00  }
0x53: {  	[tilespmem:s16], [sflag:$0x3] =	stream.indirect.gather [hbm4b:s3+s8], $0x40, s4, s8, $0xb8;
	[tilespmem:$0x12C00] =	vst v63  }
0x54: {  	s14 =	sadd.s32 $0x210, s11;
	s12 =	rddreg [dreg:$0x3]  }
0x55: {  	[tilespmem:s12], [sflag:$0x3] =	stream.indirect.gather [hbm4b:s3+s10], $0x40, s14, s10, $0xb8;
	[tilespmem:$0x12C00] =	vst v63  }
0x56: {  	_ =	swait.ge [sflag:s17], $0x2000  }
0x57: {  	[sflag:s17] =	ssyncset.done $0x0  }
0x58: {  	[sflag:s17] =	ssyncadd.s32 $0xFFFFE000  }
0x59: {  	_ =	swait.ge [sflag:s17], $0x1200  }
0x5a: {  	[sflag:s17] =	ssyncset.done $0x0  }
0x5b: {  	s0 =	simm.s32 @!p0 $0x8;
	[sflag:s17] =	ssyncadd.s32 $0xFFFFEE00  }
0x5c: {  	[hbm4b:s28+s2] =	stream.linear.scatter [tilespmem:s9], [sflag:$0x5], $0x3200, $0x38;
	[tilespmem:$0x12C00] =	vst v63  }
0x5d: {  	_ =	swait.ge @!p0 [sflag:s0], $0x3200  }
0x5e: {  	[sflag:s0] =	ssyncset.done @!p0 $0x0  }
0x5f: {  	s15 =	sadd.s32 $0x258, s11;
	[sflag:s0] =	ssyncadd.s32 @!p0 $0xFFFFCE00  }
0x60: {  	[tilespmem:s18], [sflag:$0x4] =	stream.indirect.gather [hbm4b:s3+s8], $0x40, s15, s8, $0xb8;
	[tilespmem:$0x12C00] =	vst v63  }
0x61: {  	s11 =	sadd.s32 $0x2D8, s11;
	s4 =	rddreg [dreg:$0x4]  }
0x62: {  	[tilespmem:s4], [sflag:$0x4] =	stream.indirect.gather [hbm4b:s3+s10], $0x40, s11, s10, $0xb8;
	[tilespmem:$0x12C00] =	vst v63  }
0x63: {  	_ =	swait.ge [sflag:s19], $0x2000  }
0x64: {  	[sflag:s19] =	ssyncset.done $0x0  }
0x65: {  	[sflag:s19] =	ssyncadd.s32 $0xFFFFE000  }
0x66: {  	p2 =	seq.s32 s30, $0x0;
	_ =	swait.ge [sflag:s19], $0x1200  }
0x67: {  	p0 =	por p2, p2;
	p2 =	seq.s32 s29, $0x18380;
	[sflag:s19] =	ssyncset.done $0x0  }
0x68: {  	s14 =	sadd.s32 $0x640, s28;
	s0 =	simm.s32 @!p2 $0x5;
	[sflag:s19] =	ssyncadd.s32 $0xFFFFEE00  }
0x69: {  	[hbm4b:s14+s2] =	stream.linear.scatter [tilespmem:s13], [sflag:$0x6], $0x3200, $0x38;
	[tilespmem:$0x12C00] =	vst v63  }
0x6a: {  	s1 =	smov.u32 s30;
	s15 =	simm.s32 @!p2 $0x6400;
	_ =	swait.ge @!p2 [sflag:s0], $0x3200  }
0x6b: {  	s11 =	sshra.s32 @!p2 s29, $0x2;
	s29 =	smov.u32 s1;
	[sflag:s0] =	ssyncset.done @!p2 $0x0  }
0x6c: {  	s1 =	sadd.s32 @!p2 $0x320, s11;
	s14 =	simm.s32 @!p2 $0x80;
	[sflag:s0] =	ssyncadd.s32 @!p2 $0xFFFFCE00  }
0x6d: {  	[tilespmem:s15], [sflag:$0x1] =	stream.indirect.gather @!p2 [hbm4b:s3+s14], $0x40, s1, s14, $0xb8;
	[tilespmem:$0x12C00] =	vst v63  }
0x6e: {  	s4 =	simm.s32 @!p2 $0x8400;
	s12 =	sadd.s32 @!p2 $0x3A0, s11;
	s0 =	simm.s32 @!p2 $0x48  }
0x6f: {  	[tilespmem:s4], [sflag:$0x1] =	stream.indirect.gather @!p2 [hbm4b:s3+s0], $0x40, s12, s0, $0xb8;
	[tilespmem:$0x12C00] =	vst v63  }
0x70: {  	_ =	swait.ge [sflag:s20], $0x2000  }
0x71: {  	[sflag:s20] =	ssyncset.done $0x0  }
0x72: {  	[sflag:s20] =	ssyncadd.s32 $0xFFFFE000  }
0x73: {  	_ =	swait.ge [sflag:s20], $0x1200  }
0x74: {  	[sflag:s20] =	ssyncset.done $0x0  }
0x75: {  	s15 =	sadd.s32 $0xC80, s28;
	s12 =	simm.s32 @!p2 $0x6;
	[sflag:s20] =	ssyncadd.s32 $0xFFFFEE00  }
0x76: {  	[hbm4b:s15+s2] =	stream.linear.scatter [tilespmem:s16], [sflag:$0x7], $0x3200, $0x38;
	[tilespmem:$0x12C00] =	vst v63  }
0x77: {  	_ =	swait.ge @!p2 [sflag:s12], $0x3200  }
0x78: {  	s30 =	sadd.s32 $0xC80, s30;
	[sflag:s12] =	ssyncset.done @!p2 $0x0  }
0x79: {  	s1 =	sadd.s32 @!p2 $0x3E8, s11;
	s4 =	simm.s32 @!p2 $0x9600;
	[sflag:s12] =	ssyncadd.s32 @!p2 $0xFFFFCE00  }
0x7a: {  	[tilespmem:s4], [sflag:$0x2] =	stream.indirect.gather @!p2 [hbm4b:s3+s14], $0x40, s1, s14, $0xb8;
	[tilespmem:$0x12C00] =	vst v63  }
0x7b: {  	p1 =	sne.s32 s30, $0x19000;
	s11 =	sadd.s32 @!p2 $0x468, s11;
	s12 =	simm.s32 @!p2 $0xB600  }
0x7c: {  	[tilespmem:s12], [sflag:$0x2] =	stream.indirect.gather @!p2 [hbm4b:s3+s0], $0x40, s11, s0, $0xb8;
	[tilespmem:$0x12C00] =	vst v63  }
.Ltmp0:
0x7d: {  	_ =	swait.ge [sflag:s21], $0x2000;
	(pc) =	sbr.rel @p1 .LBB2_2-.Ltmp0, $4  }
0x7e: {  	[sflag:s21] =	ssyncset.done $0x0  }
0x7f: {  	[sflag:s21] =	ssyncadd.s32 $0xFFFFE000  }
0x80: {  	s31 =	smov.u32 s28;
	s28 =	sadd.s32 $0x1900, s28;
	_ =	swait.ge [sflag:s21], $0x1200  }
0x81: {  	s0 =	simm.s32 @!p0 $0x7;
	s11 =	sadd.s32 $0x12C0, s31;
	[sflag:s21] =	ssyncset.done $0x0  }
0x82: {  	[sflag:s21] =	ssyncadd.s32 $0xFFFFEE00  }
0x83: {  	[hbm4b:s11+s2] =	stream.linear.scatter [tilespmem:s18], [sflag:$0x8], $0x3200, $0x38;
	[tilespmem:$0x12C00] =	vst v63  }
0x84: {  	_ =	swait.ge @!p0 [sflag:s0], $0x3200  }
0x85: {  	s1 =	sshra.s32 s29, $0x2;
	[sflag:s0] =	ssyncset.done @!p0 $0x0  }
0x86: {  	s30 =	sadd.s32 $0x190, s1;
	[sflag:s0] =	ssyncadd.s32 @!p0 $0xFFFFCE00  }
0x87: {  	[tilespmem:s16], [sflag:$0x3] =	stream.indirect.gather [hbm4b:s3+s8], $0x40, s30, s8, $0xb8;
	[tilespmem:$0x12C00] =	vst v63  }
0x88: {  	s31 =	sadd.s32 $0x210, s1;
	s4 =	rddreg [dreg:$0x3]  }
0x89: {  	[tilespmem:s4], [sflag:$0x3] =	stream.indirect.gather [hbm4b:s3+s10], $0x40, s31, s10, $0xb8;
	[tilespmem:$0x12C00] =	vst v63  }
0x8a: {  	_ =	swait.ge [sflag:s17], $0x2000  }
0x8b: {  	[sflag:s17] =	ssyncset.done $0x0  }
0x8c: {  	[sflag:s17] =	ssyncadd.s32 $0xFFFFE000  }
0x8d: {  	_ =	swait.ge [sflag:s17], $0x1200  }
0x8e: {  	[sflag:s17] =	ssyncset.done $0x0  }
0x8f: {  	s0 =	simm.s32 @!p0 $0x8;
	[sflag:s17] =	ssyncadd.s32 $0xFFFFEE00  }
0x90: {  	[hbm4b:s28+s2] =	stream.linear.scatter [tilespmem:s9], [sflag:$0x5], $0x3200, $0x38;
	[tilespmem:$0x12C00] =	vst v63  }
0x91: {  	_ =	swait.ge @!p0 [sflag:s0], $0x3200  }
0x92: {  	[sflag:s0] =	ssyncset.done @!p0 $0x0  }
0x93: {  	s11 =	sadd.s32 $0x258, s1;
	[sflag:s0] =	ssyncadd.s32 @!p0 $0xFFFFCE00  }
0x94: {  	[tilespmem:s18], [sflag:$0x4] =	stream.indirect.gather [hbm4b:s3+s8], $0x40, s11, s8, $0xb8;
	[tilespmem:$0x12C00] =	vst v63  }
0x95: {  	s14 =	sadd.s32 $0x2D8, s1;
	s12 =	rddreg [dreg:$0x4]  }
0x96: {  	[tilespmem:s12], [sflag:$0x4] =	stream.indirect.gather [hbm4b:s3+s10], $0x40, s14, s10, $0xb8;
	[tilespmem:$0x12C00] =	vst v63  }
0x97: {  	_ =	swait.ge [sflag:s19], $0x2000  }
0x98: {  	[sflag:s19] =	ssyncset.done $0x0  }
0x99: {  	[sflag:s19] =	ssyncadd.s32 $0xFFFFE000  }
0x9a: {  	_ =	swait.ge [sflag:s19], $0x1200  }
0x9b: {  	p0 =	seq.s32 s29, $0x18380;
	[sflag:s19] =	ssyncset.done $0x0  }
0x9c: {  	s15 =	sadd.s32 $0x640, s28;
	s0 =	simm.s32 @!p0 $0x5;
	[sflag:s19] =	ssyncadd.s32 $0xFFFFEE00  }
0x9d: {  	[hbm4b:s15+s2] =	stream.linear.scatter [tilespmem:s13], [sflag:$0x6], $0x3200, $0x38;
	[tilespmem:$0x12C00] =	vst v63  }
0x9e: {  	_ =	swait.ge @!p0 [sflag:s0], $0x3200  }
0x9f: {  	s1 =	sshra.s32 @!p0 s29, $0x2;
	s11 =	simm.s32 @!p0 $0x80;
	[sflag:s0] =	ssyncset.done @!p0 $0x0  }
0xa0: {  	s4 =	sadd.s32 @!p0 $0x320, s1;
	s12 =	simm.s32 @!p0 $0x6400;
	[sflag:s0] =	ssyncadd.s32 @!p0 $0xFFFFCE00  }
0xa1: {  	[tilespmem:s12], [sflag:$0x1] =	stream.indirect.gather @!p0 [hbm4b:s3+s11], $0x40, s4, s11, $0xb8;
	[tilespmem:$0x12C00] =	vst v63  }
0xa2: {  	s0 =	sadd.s32 @!p0 $0x3A0, s1;
	s4 =	simm.s32 @!p0 $0x48;
	s12 =	simm.s32 @!p0 $0x8400  }
0xa3: {  	[tilespmem:s12], [sflag:$0x1] =	stream.indirect.gather @!p0 [hbm4b:s3+s4], $0x40, s0, s4, $0xb8;
	[tilespmem:$0x12C00] =	vst v63  }
0xa4: {  	_ =	swait.ge [sflag:s20], $0x2000  }
0xa5: {  	[sflag:s20] =	ssyncset.done $0x0  }
0xa6: {  	[sflag:s20] =	ssyncadd.s32 $0xFFFFE000  }
0xa7: {  	_ =	swait.ge [sflag:s20], $0x1200  }
0xa8: {  	[sflag:s20] =	ssyncset.done $0x0  }
0xa9: {  	s30 =	sadd.s32 $0xC80, s28;
	s12 =	simm.s32 @!p0 $0x6;
	[sflag:s20] =	ssyncadd.s32 $0xFFFFEE00  }
0xaa: {  	[hbm4b:s30+s2] =	stream.linear.scatter [tilespmem:s16], [sflag:$0x7], $0x3200, $0x38;
	[tilespmem:$0x12C00] =	vst v63  }
0xab: {  	_ =	swait.ge @!p0 [sflag:s12], $0x3200  }
0xac: {  	[sflag:s12] =	ssyncset.done @!p0 $0x0  }
0xad: {  	s14 =	simm.s32 @!p0 $0x9600;
	s0 =	sadd.s32 @!p0 $0x3E8, s1;
	[sflag:s12] =	ssyncadd.s32 @!p0 $0xFFFFCE00  }
0xae: {  	[tilespmem:s14], [sflag:$0x2] =	stream.indirect.gather @!p0 [hbm4b:s3+s11], $0x40, s0, s11, $0xb8;
	[tilespmem:$0x12C00] =	vst v63  }
0xaf: {  	s0 =	sadd.s32 @!p0 $0x468, s1;
	s1 =	simm.s32 @!p0 $0xB600  }
0xb0: {  	[tilespmem:s1], [sflag:$0x2] =	stream.indirect.gather @!p0 [hbm4b:s3+s4], $0x40, s0, s4, $0xb8;
	[tilespmem:$0x12C00] =	vst v63  }
0xb1: {  	_ =	swait.ge [sflag:s21], $0x2000  }
0xb2: {  	[sflag:s21] =	ssyncset.done $0x0  }
0xb3: {  	[sflag:s21] =	ssyncadd.s32 $0xFFFFE000  }
0xb4: {  	_ =	swait.ge [sflag:s21], $0x1200  }
0xb5: {  	[sflag:s21] =	ssyncset.done $0x0  }
0xb6: {  	s31 =	sadd.s32 $0x12C0, s28;
	[sflag:s21] =	ssyncadd.s32 $0xFFFFEE00  }
0xb7: {  	[hbm4b:s31+s2] =	stream.linear.scatter [tilespmem:s18], [sflag:$0x8], $0x3200, $0x38;
	[tilespmem:$0x12C00] =	vst v63  }
0xb8: {  	_ =	swait.ge [sflag:s22], $0x3200  }
0xb9: {  	[sflag:s22] =	ssyncset.done $0x0  }
0xba: {  	[sflag:s22] =	ssyncadd.s32 $0xFFFFCE00  }
0xbb: {  	_ =	swait.ge [sflag:s23], $0x3200  }
0xbc: {  	[sflag:s23] =	ssyncset.done $0x0  }
0xbd: {  	s26 =	sadd.s32 $0x1, s26;
	[sflag:s23] =	ssyncadd.s32 $0xFFFFCE00  }
0xbe: {  	p0 =	sne.s32 s26, s5;
	_ =	swait.ge [sflag:s24], $0x3200  }
.Ltmp1:
0xbf: {  	[sflag:s24] =	ssyncset.done $0x0;
	(pc) =	sbr.rel @p0 .LBB2_1-.Ltmp1, $4  }
0xc0: {  	[sflag:s24] =	ssyncadd.s32 $0xFFFFCE00  }
0xc1: {  	_ =	swait.ge [sflag:s25], $0x3200  }
0xc2: {  	[sflag:s25] =	ssyncset.done $0x0  }
0xc3: {  	[sflag:s25] =	ssyncadd.s32 $0xFFFFCE00  }
0xc4: {  	_ =	sfence.sel $0x180000  }
0xc5: {  	[bflag:$0x0] =	sbarrier.arrive $0xFFFF  }
0xc6: {  	_ =	strace $0x9000004A  }
0xc7: {  	s0 =	stileid.u32;
	[bflag:$0x2] =	sbarrier.arrive $0xFFFF  }
0xc8: {  	p0 =	sne.s32 s0, $0x0;
	s0 =	rddreg [dreg:$0x2]  }
0xc9: {  	s0 =	sadd.s32 @!p0 $0x100000, s0  }
0xca: {  	[sflag:s0] =	ssyncadd.tile.s32 @!p0 $0x1;
	_ =	shalt  }
.Lfunc_end2:
_tile_overlayer_lowered:
.L_overlay_start_2:
0xcb: {  	(tag) =	ssettag $0x2  }
0xcc: {  	s0 =	rddreg [dreg:$0x0];
	s2 =	stileid.u32  }
0xcd: {  	s1 =	rddreg [dreg:$0x1];
	p0 =	sne.s32 s2, $0x0  }
0xce: {  	s3 =	rddreg [dreg:$0x2];
	[bflag:$0x3] =	sbarrier.arrive $0xFFFF;
	s2 =	simm.s32 @!p0 $0x1C09  }
0xcf: {  	[timem:s3], [sflag:s2] =	dma.local @!p0 [hbm:s0], s1  }
0xd0: {  	s0 =	simm.s32 @!p0 $0x9  }
0xd1: {  	_ =	swait.ge @!p0 [sflag:s0], s1  }
0xd2: {  	s1 =	ssub.s32 @!p0 $0x0, s1;
	[sflag:s0] =	ssyncset.done @!p0 $0x0  }
0xd3: {  	[sflag:s0] =	ssyncadd.s32 @!p0 s1  }
0xd4: {  	[bflag:$0x3] =	sbarrier.arrive $0xFFFF  }
0xd5: {  	_ =	shalt  }

// kernel: sparse-core-data-format-call.cloned.1.call-start
scs
called_computation_lowered:
.L_overlay_start_0:
0x0: {  	s2 =	sld [smem:$0x3FD9]  }
0x1: {  	s3 =	sld [smem:$0x3FFE];
	_ =	sdelay $0x1  }
0x2: {  	s1 =	srdreg.scid  }
0x3: {  	s0 =	sand.u32 $0x1, s1  }
0x4: {  	s18 =	sshll.u32 s0, $0xA;
	s2 =	sadd.s32 s3, s2  }
0x5: {  	s2 =	sadd.s32 s2, s18  }
0x6: {  	[smem:$0x3FC4] =	sst s2  }
0x7: {  	_ = 	snop  }
0x8: {  	s2 =	sld [smem:$0x3FD0];
	(tm) =	ssettm $0x1  }
0x9: {  	s19 =	sld [smem:$0x3FFB];
	_ =	sdelay $0x3  }
0xa: {  	_ =	strace s19  }
0xb: {  	s3 =	sld [smem:$0x3FFC];
	_ =	sdelay $0x3  }
0xc: {  	_ =	strace s3  }
0xd: {  	s3 =	sld [smem:$0x3FFD];
	_ =	sdelay $0x3  }
0xe: {  	_ =	strace s3  }
0xf: {  	_ =	strace $0x8FFFFFFF  }
0x10: {  	s20 =	sld [smem:$0x3FDB];
	_ =	sdelay $0x1  }
0x11: {  	s4 =	simm.s32 $_scs_section_size  }
0x12: {  	s5 =	simm.s32 $_size__tile_overlayer_lowered;
	s6 =	simm.s32 $_tile_overlayer_lowered  }
0x13: {  	s23 =	simm.s32 $0x1BFF;
	s22 =	sshll.u32 s6, $0x1;
	s3 =	sadd.s32 s4, s20  }
0x14: {  	s7 =	simm.s32 $0x0;
	s21 =	sshll.u32 s5, $0x1;
	s5 =	sadd.s32 s22, s3  }
0x15: {  	[timem:s7], [sflag:s23] =	dma.local [hbm:s5], s21  }
0x16: {  	_ =	swait.ge [sflag:s23], s21  }
0x17: {  	s4 =	ssub.s32 $0x0, s21;
	[sflag:s23] =	ssyncset.done $0x0  }
0x18: {  	[sflag:s23] =	ssyncadd.s32 s4;
	_ =	sdelay $0x1  }
0x19: {  	s24 =	simm.s32 $0x1B8B  }
0x1a: {  	_ =	swait.ge [sflag:s24], $0x1  }
0x1b: {  	[sflag:s24] =	ssyncset.done $0x0  }
0x1c: {  	s26 =	simm.s32 $0x1B8E;
	s25 =	sld [smem:$0x3FFE];
	[sflag:s24] =	ssyncadd.s32 $0xFFFFFFFF  }
0x1d: {  	s27 =	simm.s32 $execute0_lowered;
	[smem:$0x3FD2] =	sst s26  }
0x1e: {  	s5 =	sshll.u32 s27, $0x1;
	_ =	strace $0x8000004C;
	[dreg:$0x1] =	wrdreg $0xFFFFFFFF  }
0x1f: {  	s28 =	simm.s32 $_size_execute0_lowered;
	s3 =	sadd.s32 s3, s5;
	[dreg:$0x0] =	wrdreg $0x0  }
0x20: {  	s5 =	sshll.u32 s28, $0x1;
	[dreg:$0x2] =	wrdreg s3  }
0x21: {  	[dreg:$0x3] =	wrdreg s5  }
0x22: {  	[dreg:$0x4] =	wrdreg $0xC0  }
0x23: {  	_ =	task [dreg:s7], $0x5FFFF  }
0x24: {  	[dreg:$0x1] =	wrdreg $0xFFFFFFFF  }
0x25: {  	[dreg:$0x0] =	wrdreg $0x60  }
0x26: {  	[dreg:$0x2] =	wrdreg s25  }
0x27: {  	[dreg:$0x3] =	wrdreg s2  }
0x28: {  	[dreg:$0x4] =	wrdreg $0x9  }
0x29: {  	_ =	task.clear_ibuf [dreg:s7], $0x5FFFF;
	_ =	strace $0x9000004C  }
0x2a: {  	s29 =	simm.s32 $0x9;
	_ =	strace $0x8000004E  }
0x2b: {  	_ =	swait.ge [sflag:s29], $0x1  }
0x2c: {  	[sflag:s29] =	ssyncadd.s32 $0xFFFFFFFF  }
0x2d: {  	_ =	strace $0x9000004E  }
0x2e: {  	_ =	sfence  }
0x2f: {  	s30 =	sld [smem:$0x0];
	_ =	sdelay $0x2  }
0x30: {  	s31 =	sshll.u32 s1, $0xD;
	s1 =	sshrl.u32 s1, $0x2  }
0x31: {  	s3 =	sand.u32 $0x4000, s31;
	s1 =	sadd.s32 s1, s30  }
0x32: {  	s0 =	sor.u32 s3, s0;
	s1 =	sshll.u32 s1, $0x11  }
0x33: {  	s0 =	sor.u32 s1, s0  }
0x34: {  	s0 =	sadd.s32 $0x8F2B, s0  }
0x35: {  	[sflag:s0] =	ssyncadd.remote.s32 $0x1  }
0x36: {  	_ =	sfence.sel $0xFFFF  }
0x37: {  	[dreg:$0x0] =	wrdreg $0xFFFFFFFF;
	(pc) =	sbr.abs _section_cstart, $3  }
0x38: {  	[dreg:$0x1] =	wrdreg $0xFFFFFFFF  }
0x39: {  	_ =	task.clear_ibuf [dreg:s7], $0x2FFFF;
	_ =	strace $0x9FFFFFFF  }
0x3a: {  	(tm) =	ssettm $0x7FFFFFFF  }
0x3b: {  	_ =	shalt  }
tec
execute0_lowered:
.L_overlay_start_1:
0x0: {  	(tag) =	ssettag $0x1  }
0x1: {  	s0 =	srdreg.scid  }
0x2: {  	s1 =	sshll.u32 s0, $0x4  }
0x3: {  	s0 =	stileid.u32;
	s1 =	sand.u32 $0x10, s1  }
0x4: {  	s1 =	sor.u32 s0, s1  }
0x5: {  	s6 =	rddreg [dreg:$0x0];
	s4 =	simm.s32 $0x1;
	s2 =	sshll.u32 s1, $0x7  }
0x6: {  	s7 =	simm.s32 $0x2;
	s12 =	simm.s32 $0x0;
	s1 =	ssub.s32 $0x1000, s2  }
0x7: {  	s8 =	simm.s32 $0x8000;
	s13 =	simm.s32 $0x0;
	s3 =	sand.u32 $0xF80, s1  }
0x8: {  	s9 =	simm.s32 $0x0;
	s5 =	sshrl.u32 s1, $0xC;
	p0 =	sne.s32 s3, $0x0  }
.Ltmp0:
0x9: {  	s1 =	rddreg [dreg:$0x2];
	s4 =	simm.s32 @!p0 $0x0;
	(pc) =	sbr.rel .LBB1_1-.Ltmp0, $4  }
0xa: {  	s11 =	simm.s32 $0x0;
	s3 =	rddreg [dreg:$0x1];
	s5 =	sadd.s32 s4, s5  }
0xb: {  	_ =	strace $0x8000004D;
	s4 =	simm.s32 $0x1;
	s5 =	smul.u32 $0xC8, s5  }
0xc: {  	s6 =	sadd.s32 $0xE00, s6;
	s10 =	smov.u32 s2;
	[sflag:s4] =	ssyncpa.u1 $0x0  }
0xd: {  	p0 =	por $0x0, $0x0;
	[sflag:s7] =	ssyncpa.u1 $0x0;
	s7 =	sor.u32 $0x1, s5  }
.LBB1_4:
0xe: {  	s16 =	sshll.u32 s13, $0x3;
	s17 =	sand.u32 $0x78, s13  }
0xf: {  	s30 =	sand.u32 $0x7E00, s13;
	s12 =	sshll.u32 s12, $0xF;
	s16 =	sand.u32 $0xC00, s16  }
0x10: {  	[tilespmem:s15+$0x810 ss:$0x81] =	vst.msk $0xffff, v2;
	s31 =	sand.u32 $0x7, s13;
	s16 =	sor.u32 s17, s16;
	s17 =	sadd.s32 s3, s30  }
0x11: {  	[tilespmem:s15+$0x1020 ss:$0x81] =	vst.msk $0xffff, v0;
	s13 =	sshll.u32 s31, $0x12;
	s12 =	sadd.s32 s12, s17;
	s16 =	sshrl.u32 s16, $0x3  }
0x12: {  	[tilespmem:s15+$0x0 ss:$0x81] =	vst.msk $0xffff, v1;
	s13 =	sor.u32 $0x400, s13;
	s12 =	sadd.s32 s16, s12  }
0x13: {  	[hbm4b:s12+s13] =	stream.strided.scatter [tilespmem:s14], [sflag:$0x2], $0x2000, s8, s13, $0x20;
	[tilespmem:$0x8080] =	vst v63  }
.LBB1_5:
0x14: {  	s14 =	sadd.s32 $0x1, s9  }
0x15: {  	s12 =	sadd.s32 $0x1000, s10;
	s16 =	smov.u32 s10;
	p2 =	sgt.s32 s14, $0xC7  }
0x16: {  	s16 =	smov.u32 @p2 s12  }
0x17: {  	s14 =	simm.s32 @p2 $0x0;
	p2 =	sgt.s32 s16, $0xFFF  }
0x18: {  	s16 =	smov.u32 @p2 s2;
	p2 =	sne.s32 s11, s7  }
.Ltmp1:
0x19: {  	p1 =	slt.u32 s11, $0x2;
	(pc) =	sbr.rel @!p2 .LBB1_6-.Ltmp1, $4  }
0x1a: {  	s15 =	simm.s32 @!p1 $0x2  }
0x1b: {  	s13 =	smov.u32 s10;
	p0 =	por !p0, !p0;
	_ =	swait.ge @!p1 [sflag:s15], $0x2000  }
0x1c: {  	s12 =	smov.u32 s9;
	[sflag:s15] =	ssyncset.done @!p1 $0x0;
	s9 =	smov.u32 s14  }
0x1d: {  	s11 =	sadd.s32 $0x1, s11;
	[sflag:s15] =	ssyncadd.s32 @!p1 $0xFFFFE000;
	s10 =	smov.u32 s16  }
.LBB1_1:
0x1e: {  	p1 =	sge.u32 s11, s5  }
0x1f: {  	s14 =	sand.u32 @!p1 $0x1FFFFFF, s9  }
0x20: {  	s15 =	smulhi.u32 @!p1 $0x147AE15, s14;
	_ =	sdelay $0x1  }
0x21: {  	s15 =	smul.u32 @!p1 $0xC8, s15  }
0x22: {  	s16 =	sxor.u32 @!p1 $0xFFFFFFFF, s11;
	s17 =	smul.u32 @!p1 $0xC80, s10  }
0x23: {  	s31 =	sadd.s32 $0xFFFFFFFF, s11;
	s16 =	sshll.u32 @!p1 s16, $0xD;
	s14 =	ssub.s32 @!p1 s14, s15  }
0x24: {  	s15 =	sand.u32 @!p1 $0x2000, s16;
	s16 =	sadd.s32 @!p1 s6, s17;
	s14 =	sshll.u32 @!p1 s14, $0x4  }
0x25: {  	s17 =	simm.s32 @!p1 $0x6400;
	s14 =	sadd.s32 @!p1 s14, s16;
	s16 =	simm.s32 @!p1 $0x40  }
0x26: {  	[tilespmem:s15], [sflag:$0x1] =	stream.strided.gather @!p1 [hbm4b:s14+s16], $0x2000, s17, s16, $0x38;
	[tilespmem:$0x8080] =	vst v63  }
0x27: {  	p1 =	sge.u32 s31, s5  }
.Ltmp2:
0x28: {  	_ = 	snop;
	(pc) =	sbr.rel @p1 .LBB1_5-.Ltmp2, $1  }
0x29: {  	_ =	sdelay $0x3  }
0x2a: {  	s14 =	simm.s32 $0x1  }
0x2b: {  	_ =	swait.ge [sflag:s4], $0x2000;
	s14 =	simm.s32 @!p0 $0x0  }
0x2c: {  	[sflag:s4] =	ssyncset.done $0x0;
	s15 =	sshll.u32 s14, $0xD  }
0x2d: {  	[sflag:s4] =	ssyncadd.s32 $0xFFFFE000;
	s18 =	sor.u32 $0x20, s15  }
0x2e: {  	s14 =	smul.u32 $0x8100, s14;
	v3 =	vld [tilespmem:s18+$0x10]  }
0x2f: {  	s30 =	sand.u32 $0x1, s11;
	v2 =	vld [tilespmem:s18+$0xFFFFFFF0]  }
0x30: {  	s15 =	smul.u32 $0x8100, s30;
	s14 =	sshrl.u32 s14, $0x2;
	v0 =	vld [tilespmem:s18+$0x0]  }
0x31: {  	v1 =	vld [tilespmem:s18+$0xFFFFFFE0];
	s16 =	sor.u32 $0x4000, s14  }
0x32: {  	s31 =	sshrl.u32 s15, $0x2;
	s15 =	sadd.s32 $0x0, s16  }
0x33: {  	s17 =	simm.s32 $0x4;
	s18 =	sadd.s32 $0x40, s18;
	s14 =	sor.u32 $0x4000, s31;
	[tilespmem:s15+$0x1830 ss:$0x81] =	vst.msk $0xffff, v3  }
.LBB1_3:
0x34: {  	v3 =	vld [tilespmem:s18+$0x10];
	p1 =	sne.s32 s17, $0x1FC;
	[tilespmem:s15+$0x810 ss:$0x81] =	vst.msk $0xffff, v2;
	s19 =	smov.u32 s17;
	s17 =	sadd.s32 $0x4, s17  }
.Ltmp3:
0x35: {  	v2 =	vld [tilespmem:s18+$0xFFFFFFF0];
	[tilespmem:s15+$0x1020 ss:$0x81] =	vst.msk $0xffff, v0;
	(pc) =	sbr.rel @p1 .LBB1_3-.Ltmp3, $4  }
0x36: {  	v0 =	vld [tilespmem:s18+$0x0];
	[tilespmem:s15+$0x0 ss:$0x81] =	vst.msk $0xffff, v1  }
0x37: {  	s15 =	sshra.s32 s19, $0x2;
	v1 =	vld [tilespmem:s18+$0xFFFFFFE0]  }
0x38: {  	s15 =	sadd.s32 s15, s16  }
0x39: {  	s18 =	sadd.s32 $0x40, s18;
	[tilespmem:s15+$0x1830 ss:$0x81] =	vst.msk $0xffff, v3  }
.Ltmp4:
0x3a: {  	_ = 	snop;
	(pc) =	sbr.rel .LBB1_4-.Ltmp4, $1  }
0x3b: {  	_ =	sdelay $0x3  }
.LBB1_6:
0x3c: {  	_ =	sfence.sel $0x180000  }
0x3d: {  	s2 =	simm.s32 $0x1;
	[bflag:$0x0] =	sbarrier.arrive $0xFFFF  }
0x3e: {  	s31 =	simm.s32 $0x2;
	[sflag:s2] =	ssyncpa.u1 $0x1  }
0x3f: {  	[sflag:s31] =	ssyncpa.u1 $0x1  }
0x40: {  	p0 =	sne.s32 s0, $0x0;
	_ =	strace $0x9000004D  }
0x41: {  	s0 =	sadd.s32 @!p0 $0x100000, s1;
	[bflag:$0x2] =	sbarrier.arrive $0xFFFF  }
0x42: {  	[sflag:s0] =	ssyncadd.tile.s32 @!p0 $0x1;
	_ =	shalt  }
.Lfunc_end1:
_tile_overlayer_lowered:
.L_overlay_start_2:
0x43: {  	(tag) =	ssettag $0x2  }
0x44: {  	s0 =	rddreg [dreg:$0x0];
	s2 =	stileid.u32  }
0x45: {  	s1 =	rddreg [dreg:$0x1];
	p0 =	sne.s32 s2, $0x0  }
0x46: {  	s3 =	rddreg [dreg:$0x2];
	[bflag:$0x3] =	sbarrier.arrive $0xFFFF;
	s2 =	simm.s32 @!p0 $0x1C01  }
0x47: {  	[timem:s3], [sflag:s2] =	dma.local @!p0 [hbm:s0], s1  }
0x48: {  	s0 =	simm.s32 @!p0 $0x1  }
0x49: {  	_ =	swait.ge @!p0 [sflag:s0], s1  }
0x4a: {  	s1 =	ssub.s32 @!p0 $0x0, s1;
	[sflag:s0] =	ssyncset.done @!p0 $0x0  }
0x4b: {  	[sflag:s0] =	ssyncadd.s32 @!p0 s1  }
0x4c: {  	[bflag:$0x3] =	sbarrier.arrive $0xFFFF  }
0x4d: {  	_ =	shalt  }

</sc_bundles>
